<compile_context>
chip_gen: v7x
topology: tpu7x:2x2x1
jax: 0.10.2.dev20260603
libtpu: 0.0.44.dev20260713+nightly
codegen_flags: <defaults>
</compile_context>

<pallas_src>
import jax
import jax.numpy as jnp
from jax import lax
from jax.experimental import pallas as pl
from jax.experimental.pallas import tpu as pltpu
from jax.experimental.pallas import tpu_sc as plsc

N = 10000
E = 320000
NP = 10112
RPT = 632
CH = 128
E_PAD = 327680
NCHUNK = E_PAD // CH
CPT_F = NCHUNK // 16
CPT_E = NCHUNK // 32
IB = 16
NB_F = CPT_F // IB

_f32 = jnp.float32
_MESH = plsc.VectorSubcoreMesh(core_axis_name="c", subcore_axis_name="s")



def _deg_body(src2, dst2, zeros, onesw, degout, degin, sidx, ones_v, acc, sem):
    c = lax.axis_index("c")
    s = lax.axis_index("s")
    rbase = pl.multiple_of(s * RPT, 8)
    pltpu.sync_copy(zeros.at[pl.ds(rbase, RPT)], acc.at[pl.ds(rbase, RPT)])
    pltpu.sync_copy(onesw, ones_v)
    plsc.subcore_barrier()

    def outer(b, carry):
        cbase = s * CPT_F + b * IB

        @pl.when(c == 0)
        def _():
            pltpu.sync_copy(src2.at[pl.ds(cbase, IB)], sidx)

        @pl.when(c == 1)
        def _():
            pltpu.sync_copy(dst2.at[pl.ds(cbase, IB)], sidx)

        def step(i, carry2):
            pltpu.sync_copy(ones_v, acc.at[sidx.at[i]], add=True)
            return carry2

        return lax.fori_loop(0, IB, step, carry)

    lax.fori_loop(0, NB_F, outer, 0)
    plsc.subcore_barrier()

    @pl.when(c == 0)
    def _():
        pltpu.sync_copy(acc.at[pl.ds(rbase, RPT)], degout.at[pl.ds(rbase, RPT)])

    @pl.when(c == 1)
    def _():
        pltpu.sync_copy(acc.at[pl.ds(rbase, RPT)], degin.at[pl.ds(rbase, RPT)])


_deg_call = pl.kernel(
    _deg_body,
    out_type=[jax.ShapeDtypeStruct((NP, 128), _f32)] * 2,
    mesh=_MESH,
    scratch_types=[
        pltpu.VMEM((IB, CH), jnp.int32),
        pltpu.VMEM((CH, 128), _f32),
        pltpu.VMEM_SHARED((NP, 128), _f32),
        pltpu.SemaphoreType.DMA,
    ],
)


def _make_prop_body(cpt, edge_split):
    def body(src2, dst2, tabA, tabB, zeros, outA, outB,
             sw0, sw1, dw, r0, r1, acc, gs0, gs1):
        c = lax.axis_index("c")
        s = lax.axis_index("s")
        rbase = pl.multiple_of(s * RPT, 8)
        pltpu.sync_copy(zeros.at[pl.ds(rbase, RPT)], acc.at[pl.ds(rbase, RPT)])
        tb = (c * 16 + s) * cpt if edge_split else s * cpt
        plsc.subcore_barrier()
        swins = (sw0, sw1)
        rbufs = (r0, r1)
        gsems = (gs0, gs1)

        def gather_to(idx, b):
            if edge_split:
                pltpu.async_copy(tabA.at[idx], rbufs[b], gsems[b])
            else:
                @pl.when(c == 0)
                def _():
                    pltpu.async_copy(tabA.at[idx], rbufs[b], gsems[b])

                @pl.when(c == 1)
                def _():
                    pltpu.async_copy(tabB.at[idx], rbufs[b], gsems[b])

        pltpu.sync_copy(src2.at[pl.ds(pl.multiple_of(tb, 8), IB)], sw0)
        gather_to(sw0.at[0], 0)

        def step(i, carry):
            g = i + 1

            @pl.when(g < cpt)
            def _():
                @pl.when(g % IB == 0)
                def _():
                    for p in range(2):
                        @pl.when((g // IB) % 2 == p)
                        def _():
                            pltpu.sync_copy(
                                src2.at[pl.ds(pl.multiple_of(tb + g, 8), IB)],
                                swins[p])

                row = g % IB
                for p in range(2):
                    for b in range(2):
                        @pl.when(jnp.logical_and((g // IB) % 2 == p,
                                                 g % 2 == b))
                        def _():
                            gather_to(swins[p].at[row], b)

            @pl.when(i % IB == 0)
            def _():
                pltpu.sync_copy(
                    dst2.at[pl.ds(pl.multiple_of(tb + i, 8), IB)], dw)

            row = i % IB
            for b in range(2):
                @pl.when(i % 2 == b)
                def _():
                    pltpu.make_async_copy(tabA.at[pl.ds(0, CH)], rbufs[b],
                                          gsems[b]).wait()
                    pltpu.sync_copy(rbufs[b], acc.at[dw.at[row]], add=True)
            return carry

        lax.fori_loop(0, cpt, step, 0)
        plsc.subcore_barrier()

        @pl.when(c == 0)
        def _():
            pltpu.sync_copy(acc.at[pl.ds(rbase, RPT)],
                            outA.at[pl.ds(rbase, RPT)])

        @pl.when(c == 1)
        def _():
            pltpu.sync_copy(acc.at[pl.ds(rbase, RPT)],
                            outB.at[pl.ds(rbase, RPT)])

    return body


_PROP_SCRATCH = [
    pltpu.VMEM((IB, CH), jnp.int32),
    pltpu.VMEM((IB, CH), jnp.int32),
    pltpu.VMEM((IB, CH), jnp.int32),
    pltpu.VMEM((CH, 128), _f32),
    pltpu.VMEM((CH, 128), _f32),
    pltpu.VMEM_SHARED((NP, 128), _f32),
    pltpu.SemaphoreType.DMA,
    pltpu.SemaphoreType.DMA,
]

_prop_edge_call2 = pl.kernel(
    _make_prop_body(CPT_E, True),
    out_type=[jax.ShapeDtypeStruct((NP, 128), _f32)] * 2,
    mesh=_MESH,
    scratch_types=_PROP_SCRATCH,
)

_prop_feat_call = pl.kernel(
    _make_prop_body(CPT_F, False),
    out_type=[jax.ShapeDtypeStruct((NP, 128), _f32)] * 2,
    mesh=_MESH,
    scratch_types=_PROP_SCRATCH,
)


def _prop_edge_call(src2, dst2, tab, zeros):
    return _prop_edge_call2(src2, dst2, tab, tab, zeros)



def _norm(deg):
    return lax.rsqrt(jnp.maximum(deg, 1.0))


def _prep_body(x_ref, dego_ref, xs_ref):
    xs_ref[...] = x_ref[...] * _norm(dego_ref[...])


def _layer1_body(p0_ref, p1_ref, degi_ref, dego_ref, w_ref, b_ref,
                 ha_ref, hb_ref):
    agg = (p0_ref[...] + p1_ref[...]) * _norm(degi_ref[...])
    h = jnp.dot(agg, w_ref[...], preferred_element_type=_f32) + b_ref[...]
    h = jnp.maximum(h, 0.0) * _norm(dego_ref[...])
    ha_ref[...] = h[:, :128]
    hb_ref[...] = h[:, 128:]


def _layer2_body(aa_ref, ab_ref, degi_ref, dego_ref, w_ref, b_ref,
                 ha_ref, hb_ref):
    nd = _norm(degi_ref[...])
    w = w_ref[...]
    h = (jnp.dot(aa_ref[...] * nd, w[:128], preferred_element_type=_f32)
         + jnp.dot(ab_ref[...] * nd, w[128:], preferred_element_type=_f32)
         + b_ref[...])
    h = jnp.maximum(h, 0.0) * _norm(dego_ref[...])
    ha_ref[...] = h[:, :128]
    hb_ref[...] = h[:, 128:]


def _final_body(aa_ref, ab_ref, degi_ref, w3_ref, b3_ref, wl_ref, bl_ref,
                h_ref, y_ref):
    nd = _norm(degi_ref[...])
    w3 = w3_ref[...]
    h = (jnp.dot(aa_ref[...] * nd, w3[:128], preferred_element_type=_f32)
         + jnp.dot(ab_ref[...] * nd, w3[128:], preferred_element_type=_f32)
         + b3_ref[...])
    h = jnp.maximum(h, 0.0)
    h_ref[...] = h
    y_ref[...] = jnp.dot(h, wl_ref[...], preferred_element_type=_f32) + bl_ref[...]


def _rows(r, c):
    return pl.BlockSpec((r, c), lambda i: (i, 0))


def _whole(shape):
    return pl.BlockSpec(shape, lambda i: (0, 0))


_prep_call = pl.pallas_call(
    _prep_body,
    grid=(16,),
    in_specs=[_rows(RPT, 128), _rows(RPT, 1)],
    out_specs=_rows(RPT, 128),
    out_shape=jax.ShapeDtypeStruct((NP, 128), _f32),
)

_layer1_call = pl.pallas_call(
    _layer1_body,
    grid=(16,),
    in_specs=[_rows(RPT, 128), _rows(RPT, 128), _rows(RPT, 1), _rows(RPT, 1),
              _whole((128, 256)), _whole((1, 256))],
    out_specs=[_rows(RPT, 128), _rows(RPT, 128)],
    out_shape=[jax.ShapeDtypeStruct((NP, 128), _f32)] * 2,
)

_layer2_call = pl.pallas_call(
    _layer2_body,
    grid=(16,),
    in_specs=[_rows(RPT, 128), _rows(RPT, 128), _rows(RPT, 1), _rows(RPT, 1),
              _whole((256, 256)), _whole((1, 256))],
    out_specs=[_rows(RPT, 128), _rows(RPT, 128)],
    out_shape=[jax.ShapeDtypeStruct((NP, 128), _f32)] * 2,
)

_final_call = pl.pallas_call(
    _final_body,
    grid=(25,),
    in_specs=[_rows(400, 128), _rows(400, 128), _rows(400, 1),
              _whole((256, 256)), _whole((1, 256)),
              _whole((256, 128)), _whole((1, 128))],
    out_specs=[_rows(400, 256), _rows(400, 128)],
    out_shape=[jax.ShapeDtypeStruct((N, 256), _f32),
               jax.ShapeDtypeStruct((N, 128), _f32)],
)



def kernel(in_feat, edge_index, W1, b1, W2, b2, W3, b3, Wl, bl):
    src = edge_index[0]
    dst = edge_index[1]
    padi = jnp.full((E_PAD - E,), N, jnp.int32)
    src2 = jnp.concatenate([src, padi]).reshape(NCHUNK, CH)
    dst2 = jnp.concatenate([dst, padi]).reshape(NCHUNK, CH)
    x_p = jnp.concatenate(
        [in_feat, jnp.zeros((NP - N, in_feat.shape[1]), _f32)], axis=0)
    onesw = jnp.ones((CH, 128), _f32)
    z128 = jnp.zeros((NP, 128), _f32)

    degow, degiw = _deg_call(src2, dst2, z128, onesw)
    dego2 = degow[:, 0:1]
    degi2 = degiw[:, 0:1]

    xs = _prep_call(x_p, dego2)
    p0, p1 = _prop_edge_call(src2, dst2, xs, z128)
    h1a, h1b = _layer1_call(p0, p1, degi2, dego2, W1, b1.reshape(1, -1))

    a2a, a2b = _prop_feat_call(src2, dst2, h1a, h1b, z128)
    h2a, h2b = _layer2_call(a2a, a2b, degi2, dego2, W2, b2.reshape(1, -1))

    a3a, a3b = _prop_feat_call(src2, dst2, h2a, h2b, z128)
    wlp = jnp.concatenate([Wl, jnp.zeros((256, 128 - 40), _f32)], axis=1)
    blp = jnp.concatenate([bl, jnp.zeros((128 - 40,), _f32)]).reshape(1, -1)
    h, yp = _final_call(a3a, a3b, degi2, W3, b3.reshape(1, -1), wlp, blp)
    return (h, yp[:, :40])

# --- scband reference (transcript-rebuilt; emitter-appended) ---
"""Pipeline reference for scband-gcn-66288525246547 (READ-ONLY COPY).

The authoritative reference and input builder live on the scoring server;
editing this copy changes nothing except your own understanding.
"""

import jax, jax.numpy as jnp
import numpy as np

N = 10000
E = 320000
IN_FEATS = 128
H_FEATS = 256
NUM_CLASSES = 40


def setup_inputs(seed: int = 0) -> dict:
    key = jax.random.key(seed)
    ks = jax.random.split(key, 12)
    in_feat = jax.random.normal(ks[0], (N, IN_FEATS), dtype=jnp.float32)
    edge_index = jax.random.randint(ks[1], (2, E), 0, N, dtype=jnp.int32)
    W1 = jax.random.normal(ks[2], (IN_FEATS, H_FEATS), dtype=jnp.float32) * (1.0 / np.sqrt(IN_FEATS))
    b1 = jnp.zeros((H_FEATS,), dtype=jnp.float32)
    W2 = jax.random.normal(ks[3], (H_FEATS, H_FEATS), dtype=jnp.float32) * (1.0 / np.sqrt(H_FEATS))
    b2 = jnp.zeros((H_FEATS,), dtype=jnp.float32)
    W3 = jax.random.normal(ks[4], (H_FEATS, H_FEATS), dtype=jnp.float32) * (1.0 / np.sqrt(H_FEATS))
    b3 = jnp.zeros((H_FEATS,), dtype=jnp.float32)
    Wl = jax.random.normal(ks[5], (H_FEATS, NUM_CLASSES), dtype=jnp.float32) * (1.0 / np.sqrt(H_FEATS))
    bl = jnp.zeros((NUM_CLASSES,), dtype=jnp.float32)
    return {"in_feat": in_feat, "edge_index": edge_index,
            "W1": W1, "b1": b1, "W2": W2, "b2": b2, "W3": W3, "b3": b3,
            "Wl": Wl, "bl": bl}


def _graph_conv(x, src, dst, W, b):
    # DGL GraphConv with norm='both': h' = D_in^{-1/2} A D_out^{-1/2} X W + b
    ones = jnp.ones((src.shape[0],), dtype=jnp.float32)
    deg_out = jax.ops.segment_sum(ones, src, num_segments=N)
    deg_in = jax.ops.segment_sum(ones, dst, num_segments=N)
    norm_src = jax.lax.rsqrt(jnp.maximum(deg_out, 1.0))
    norm_dst = jax.lax.rsqrt(jnp.maximum(deg_in, 1.0))
    h = x * norm_src[:, None]
    m = jnp.take(h, src, axis=0)
    agg = jax.ops.segment_sum(m, dst, num_segments=N)
    agg = agg * norm_dst[:, None]
    return agg @ W + b


def reference(in_feat, edge_index, W1, b1, W2, b2, W3, b3, Wl, bl):
    src = edge_index[0]
    dst = edge_index[1]
    h = jax.nn.relu(_graph_conv(in_feat, src, dst, W1, b1))
    h = jax.nn.relu(_graph_conv(h, src, dst, W2, b2))
    h = jax.nn.relu(_graph_conv(h, src, dst, W3, b3))
    y = h @ Wl + bl
    return (h, y)

if __name__ == "__main__":
    import jax
    _d = setup_inputs()
    print(jax.jit(kernel)(*tuple(_d.values())))

</pallas_src>

<mosaic_0001>
#map = affine_map<(d0, d1) -> (0, 0)>
module attributes {stable_mosaic.version = 14 : i64} {
  func.func @body(%arg0: i32, %arg1: i32, %arg2: memref<2560x128xi32, #tpu.memory_space<hbm>>, %arg3: memref<2560x128xi32, #tpu.memory_space<hbm>>, %arg4: memref<10112x128xf32, #tpu.memory_space<hbm>>, %arg5: memref<10112x128xf32, #tpu.memory_space<hbm>>, %arg6: memref<10112x128xf32, #tpu.memory_space<hbm>>, %arg7: memref<10112x128xf32, #tpu.memory_space<hbm>>, %arg8: memref<10112x128xf32, #tpu.memory_space<hbm>>, %arg9: memref<16x128xi32, #tpu.memory_space<vmem>>, %arg10: memref<16x128xi32, #tpu.memory_space<vmem>>, %arg11: memref<16x128xi32, #tpu.memory_space<vmem>>, %arg12: memref<128x128xf32, #tpu.memory_space<vmem>>, %arg13: memref<128x128xf32, #tpu.memory_space<vmem>>, %arg14: memref<10112x128xf32, #tpu.memory_space<vmem_shared>>, %arg15: memref<!tpu.dma_semaphore, #tpu.memory_space<semaphore_mem>>, %arg16: memref<!tpu.dma_semaphore, #tpu.memory_space<semaphore_mem>>) attributes {dimension_semantics = [#tpu.dimension_semantics<core_parallel>, #tpu.dimension_semantics<subcore_parallel>], iteration_bounds = array<i64: 2, 16>, scalar_prefetch = 0 : i64, scratch_operands = 8 : i64, tpu.core_type = #tpu.core_type<sc_vector_subcore>, window_params = [{transform_indices = #map}, {transform_indices = #map}, {transform_indices = #map}, {transform_indices = #map}, {transform_indices = #map}, {transform_indices = #map}, {transform_indices = #map}]} {
    %mul3A = arith.constant 632 : i32
    %mul3A_0 = arith.muli %arg1, %mul3A : i32
    %multiple_of3A = tpu.assume_multiple %mul3A_0, 8 : i32
    "tpu.region"() ({
      %run_scoped3A = tpu.sem_alloc : memref<!tpu.dma_semaphore, #tpu.memory_space<semaphore_mem>>
      %dma_start3A_25 = arith.constant 0 : i32
      %dma_start3A_26 = tpu.memref_slice %arg14[%multiple_of3A, %dma_start3A_25] : memref<10112x128xf32, #tpu.memory_space<vmem_shared>> -> memref<632x128xf32, #tpu.memory_space<vmem_shared>>
      %dma_start3A_27 = arith.constant 0 : i32
      %dma_start3A_28 = tpu.memref_slice %arg6[%multiple_of3A, %dma_start3A_27] : memref<10112x128xf32, #tpu.memory_space<hbm>> -> memref<632x128xf32, #tpu.memory_space<hbm>>
      tpu.enqueue_dma source(%dma_start3A_28 : memref<632x128xf32, #tpu.memory_space<hbm>>) target(%dma_start3A_26 : memref<632x128xf32, #tpu.memory_space<vmem_shared>>) target_semaphore(%run_scoped3A : memref<!tpu.dma_semaphore, #tpu.memory_space<semaphore_mem>>)
      %dma_wait3A = arith.constant 0 : i32
      %dma_wait3A_29 = tpu.memref_slice %arg14[%multiple_of3A, %dma_wait3A] : memref<10112x128xf32, #tpu.memory_space<vmem_shared>> -> memref<632x128xf32, #tpu.memory_space<vmem_shared>>
      %dma_wait3A_30 = arith.constant 0 : i32
      %dma_wait3A_31 = tpu.memref_slice %arg6[%multiple_of3A, %dma_wait3A_30] : memref<10112x128xf32, #tpu.memory_space<hbm>> -> memref<632x128xf32, #tpu.memory_space<hbm>>
      tpu.wait_dma2 semaphore(%run_scoped3A : memref<!tpu.dma_semaphore, #tpu.memory_space<semaphore_mem>>) src(%dma_wait3A_31 : memref<632x128xf32, #tpu.memory_space<hbm>>) dst(%dma_wait3A_29 : memref<632x128xf32, #tpu.memory_space<vmem_shared>>)
      tpu.yield
    }) : () -> ()
    %mul3A_1 = arith.constant 16 : i32
    %mul3A_2 = arith.muli %arg0, %mul3A_1 : i32
    %add3A = arith.addi %mul3A_2, %arg1 : i32
    %mul3A_3 = arith.constant 80 : i32
    %mul3A_4 = arith.muli %add3A, %mul3A_3 : i32
    %barrier3A = arith.constant 0 : index
    tpu.barrier barrier_id(%barrier3A)
    %multiple_of3A_5 = tpu.assume_multiple %mul3A_4, 8 : i32
    "tpu.region"() ({
      %run_scoped3A = tpu.sem_alloc : memref<!tpu.dma_semaphore, #tpu.memory_space<semaphore_mem>>
      %dma_start3A_25 = arith.constant 0 : i32
      %dma_start3A_26 = tpu.memref_slice %arg2[%multiple_of3A_5, %dma_start3A_25] : memref<2560x128xi32, #tpu.memory_space<hbm>> -> memref<16x128xi32, #tpu.memory_space<hbm>>
      %dma_start3A_27 = arith.constant 0 : i32
      %dma_start3A_28 = tpu.memref_slice %arg2[%multiple_of3A_5, %dma_start3A_27] : memref<2560x128xi32, #tpu.memory_space<hbm>> -> memref<16x128xi32, #tpu.memory_space<hbm>>
      tpu.enqueue_dma source(%dma_start3A_28 : memref<16x128xi32, #tpu.memory_space<hbm>>) target(%arg9 : memref<16x128xi32, #tpu.memory_space<vmem>>) target_semaphore(%run_scoped3A : memref<!tpu.dma_semaphore, #tpu.memory_space<semaphore_mem>>)
      %dma_wait3A = arith.constant 0 : i32
      %dma_wait3A_29 = tpu.memref_slice %arg2[%multiple_of3A_5, %dma_wait3A] : memref<2560x128xi32, #tpu.memory_space<hbm>> -> memref<16x128xi32, #tpu.memory_space<hbm>>
      %dma_wait3A_30 = arith.constant 0 : i32
      %dma_wait3A_31 = tpu.memref_slice %arg2[%multiple_of3A_5, %dma_wait3A_30] : memref<2560x128xi32, #tpu.memory_space<hbm>> -> memref<16x128xi32, #tpu.memory_space<hbm>>
      tpu.wait_dma2 semaphore(%run_scoped3A : memref<!tpu.dma_semaphore, #tpu.memory_space<semaphore_mem>>) src(%dma_wait3A_31 : memref<16x128xi32, #tpu.memory_space<hbm>>) dst(%arg9 : memref<16x128xi32, #tpu.memory_space<vmem>>)
      tpu.yield
    }) : () -> ()
    %dma_start3A = arith.constant 0 : i32
    %dma_start3A_6 = arith.constant 0 : i32
    %dma_start3A_7 = tpu.memref_slice %arg9[%dma_start3A, %dma_start3A_6] : memref<16x128xi32, #tpu.memory_space<vmem>> -> memref<1x128xi32, #tpu.memory_space<vmem>>
    %dma_start3A_8 = tpu.memref_squeeze %dma_start3A_7 : memref<1x128xi32, #tpu.memory_space<vmem>> -> memref<128xi32, #tpu.memory_space<vmem>>
    %dma_start3A_9 = arith.constant 0 : i32
    %dma_start3A_10 = arith.constant 0 : i32
    %dma_start3A_11 = tpu.memref_slice %arg4[%dma_start3A_9, %dma_start3A_10] : memref<10112x128xf32, #tpu.memory_space<hbm>> -> memref<10112x128xf32, #tpu.memory_space<hbm>>
    tpu.enqueue_indirect_dma source(%dma_start3A_11 : memref<10112x128xf32, #tpu.memory_space<hbm>>) target(%arg12 : memref<128x128xf32, #tpu.memory_space<vmem>>) offsets(%dma_start3A_8 : memref<128xi32, #tpu.memory_space<vmem>>) semaphore(%arg15 : memref<!tpu.dma_semaphore, #tpu.memory_space<semaphore_mem>>)
    %scan3A = arith.constant 0 : i32
    %scan3A_12 = arith.constant 0 : i32
    %scan3A_13 = arith.constant 80 : i32
    %scan3A_14 = arith.addi %scan3A_12, %scan3A_13 : i32
    %scan3A_15 = arith.constant 1 : i32
    scf.for %scan3A_25 = %scan3A_12 to %scan3A_14 step %scan3A_15  : i32 {
      %add3A_26 = arith.constant 1 : i32
      %add3A_27 = arith.addi %scan3A_25, %add3A_26 : i32
      %lt3A = arith.constant 80 : i32
      %lt3A_28 = arith.cmpi slt, %add3A_27, %lt3A : i32
      %convert_element_type3A_29 = arith.extui %lt3A_28 : i1 to i32
      %cond3A_30 = arith.constant 0 : i32
      %cond3A_31 = arith.cmpi ne, %convert_element_type3A_29, %cond3A_30 : i32
      scf.if %cond3A_31 {
        %jit3A_106 = arith.constant 16 : i32
        %eq3A_107 = arith.constant 0 : i32
        %eq3A_108 = arith.cmpi eq, %jit3A_106, %eq3A_107 : i32
        %jit3A_109 = arith.constant 1 : i32
        %select_n3A_110 = arith.select %eq3A_108, %jit3A_109, %jit3A_106 : i32
        %rem3A_111 = arith.remsi %add3A_27, %select_n3A_110 : i32
        %ne3A_112 = arith.constant 0 : i32
        %ne3A_113 = arith.cmpi ne, %rem3A_111, %ne3A_112 : i32
        %lt3A_114 = arith.constant 0 : i32
        %lt3A_115 = arith.cmpi slt, %rem3A_111, %lt3A_114 : i32
        %lt3A_116 = arith.constant 0 : i32
        %lt3A_117 = arith.cmpi slt, %select_n3A_110, %lt3A_116 : i32
        %ne3A_118 = arith.xori %lt3A_115, %lt3A_117 : i1
        %and3A_119 = arith.andi %ne3A_118, %ne3A_113 : i1
        %add3A_120 = arith.addi %rem3A_111, %select_n3A_110 : i32
        %select_n3A_121 = arith.select %and3A_119, %add3A_120, %rem3A_111 : i32
        %eq3A_122 = arith.constant 0 : i32
        %eq3A_123 = arith.cmpi eq, %select_n3A_121, %eq3A_122 : i32
        %convert_element_type3A_124 = arith.extui %eq3A_123 : i1 to i32
        %cond3A_125 = arith.constant 0 : i32
        %cond3A_126 = arith.cmpi ne, %convert_element_type3A_124, %cond3A_125 : i32
        scf.if %cond3A_126 {
          %jit3A_396 = arith.constant 16 : i32
          %div3A_397 = arith.divsi %add3A_27, %jit3A_396 : i32
          %sign3A_398 = arith.constant 0 : i32
          %sign3A_399 = arith.cmpi sgt, %add3A_27, %sign3A_398 : i32
          %sign3A_400 = arith.extui %sign3A_399 : i1 to i32
          %sign3A_401 = arith.constant 0 : i32
          %sign3A_402 = arith.cmpi slt, %add3A_27, %sign3A_401 : i32
          %sign3A_403 = arith.extui %sign3A_402 : i1 to i32
          %sign3A_404 = arith.subi %sign3A_400, %sign3A_403 : i32
          %sign3A_405 = arith.constant 0 : i32
          %sign3A_406 = arith.cmpi sgt, %jit3A_396, %sign3A_405 : i32
          %sign3A_407 = arith.extui %sign3A_406 : i1 to i32
          %sign3A_408 = arith.constant 0 : i32
          %sign3A_409 = arith.cmpi slt, %jit3A_396, %sign3A_408 : i32
          %sign3A_410 = arith.extui %sign3A_409 : i1 to i32
          %sign3A_411 = arith.subi %sign3A_407, %sign3A_410 : i32
          %ne3A_412 = arith.cmpi ne, %sign3A_404, %sign3A_411 : i32
          %rem3A_413 = arith.remsi %add3A_27, %jit3A_396 : i32
          %ne3A_414 = arith.constant 0 : i32
          %ne3A_415 = arith.cmpi ne, %rem3A_413, %ne3A_414 : i32
          %and3A_416 = arith.andi %ne3A_412, %ne3A_415 : i1
          %sub3A_417 = arith.constant 1 : i32
          %sub3A_418 = arith.subi %div3A_397, %sub3A_417 : i32
          %select_n3A_419 = arith.select %and3A_416, %sub3A_418, %div3A_397 : i32
          %jit3A_420 = arith.constant 2 : i32
          %eq3A_421 = arith.constant 0 : i32
          %eq3A_422 = arith.cmpi eq, %jit3A_420, %eq3A_421 : i32
          %jit3A_423 = arith.constant 1 : i32
          %select_n3A_424 = arith.select %eq3A_422, %jit3A_423, %jit3A_420 : i32
          %rem3A_425 = arith.remsi %select_n3A_419, %select_n3A_424 : i32
          %ne3A_426 = arith.constant 0 : i32
          %ne3A_427 = arith.cmpi ne, %rem3A_425, %ne3A_426 : i32
          %lt3A_428 = arith.constant 0 : i32
          %lt3A_429 = arith.cmpi slt, %rem3A_425, %lt3A_428 : i32
          %lt3A_430 = arith.constant 0 : i32
          %lt3A_431 = arith.cmpi slt, %select_n3A_424, %lt3A_430 : i32
          %ne3A_432 = arith.xori %lt3A_429, %lt3A_431 : i1
          %and3A_433 = arith.andi %ne3A_432, %ne3A_427 : i1
          %add3A_434 = arith.addi %rem3A_425, %select_n3A_424 : i32
          %select_n3A_435 = arith.select %and3A_433, %add3A_434, %rem3A_425 : i32
          %eq3A_436 = arith.constant 0 : i32
          %eq3A_437 = arith.cmpi eq, %select_n3A_435, %eq3A_436 : i32
          %convert_element_type3A_438 = arith.extui %eq3A_437 : i1 to i32
          %cond3A_439 = arith.constant 0 : i32
          %cond3A_440 = arith.cmpi ne, %convert_element_type3A_438, %cond3A_439 : i32
          scf.if %cond3A_440 {
            %add3A_486 = arith.addi %mul3A_4, %add3A_27 : i32
            %multiple_of3A_487 = tpu.assume_multiple %add3A_486, 8 : i32
            "tpu.region"() ({
              %run_scoped3A = tpu.sem_alloc : memref<!tpu.dma_semaphore, #tpu.memory_space<semaphore_mem>>
              %dma_start3A_488 = arith.constant 0 : i32
              %dma_start3A_489 = tpu.memref_slice %arg2[%multiple_of3A_487, %dma_start3A_488] : memref<2560x128xi32, #tpu.memory_space<hbm>> -> memref<16x128xi32, #tpu.memory_space<hbm>>
              %dma_start3A_490 = arith.constant 0 : i32
              %dma_start3A_491 = tpu.memref_slice %arg2[%multiple_of3A_487, %dma_start3A_490] : memref<2560x128xi32, #tpu.memory_space<hbm>> -> memref<16x128xi32, #tpu.memory_space<hbm>>
              tpu.enqueue_dma source(%dma_start3A_491 : memref<16x128xi32, #tpu.memory_space<hbm>>) target(%arg9 : memref<16x128xi32, #tpu.memory_space<vmem>>) target_semaphore(%run_scoped3A : memref<!tpu.dma_semaphore, #tpu.memory_space<semaphore_mem>>)
              %dma_wait3A = arith.constant 0 : i32
              %dma_wait3A_492 = tpu.memref_slice %arg2[%multiple_of3A_487, %dma_wait3A] : memref<2560x128xi32, #tpu.memory_space<hbm>> -> memref<16x128xi32, #tpu.memory_space<hbm>>
              %dma_wait3A_493 = arith.constant 0 : i32
              %dma_wait3A_494 = tpu.memref_slice %arg2[%multiple_of3A_487, %dma_wait3A_493] : memref<2560x128xi32, #tpu.memory_space<hbm>> -> memref<16x128xi32, #tpu.memory_space<hbm>>
              tpu.wait_dma2 semaphore(%run_scoped3A : memref<!tpu.dma_semaphore, #tpu.memory_space<semaphore_mem>>) src(%dma_wait3A_494 : memref<16x128xi32, #tpu.memory_space<hbm>>) dst(%arg9 : memref<16x128xi32, #tpu.memory_space<vmem>>)
              tpu.yield
            }) : () -> ()
          } else {
          }
          %jit3A_441 = arith.constant 16 : i32
          %div3A_442 = arith.divsi %add3A_27, %jit3A_441 : i32
          %sign3A_443 = arith.constant 0 : i32
          %sign3A_444 = arith.cmpi sgt, %add3A_27, %sign3A_443 : i32
          %sign3A_445 = arith.extui %sign3A_444 : i1 to i32
          %sign3A_446 = arith.constant 0 : i32
          %sign3A_447 = arith.cmpi slt, %add3A_27, %sign3A_446 : i32
          %sign3A_448 = arith.extui %sign3A_447 : i1 to i32
          %sign3A_449 = arith.subi %sign3A_445, %sign3A_448 : i32
          %sign3A_450 = arith.constant 0 : i32
          %sign3A_451 = arith.cmpi sgt, %jit3A_441, %sign3A_450 : i32
          %sign3A_452 = arith.extui %sign3A_451 : i1 to i32
          %sign3A_453 = arith.constant 0 : i32
          %sign3A_454 = arith.cmpi slt, %jit3A_441, %sign3A_453 : i32
          %sign3A_455 = arith.extui %sign3A_454 : i1 to i32
          %sign3A_456 = arith.subi %sign3A_452, %sign3A_455 : i32
          %ne3A_457 = arith.cmpi ne, %sign3A_449, %sign3A_456 : i32
          %rem3A_458 = arith.remsi %add3A_27, %jit3A_441 : i32
          %ne3A_459 = arith.constant 0 : i32
          %ne3A_460 = arith.cmpi ne, %rem3A_458, %ne3A_459 : i32
          %and3A_461 = arith.andi %ne3A_457, %ne3A_460 : i1
          %sub3A_462 = arith.constant 1 : i32
          %sub3A_463 = arith.subi %div3A_442, %sub3A_462 : i32
          %select_n3A_464 = arith.select %and3A_461, %sub3A_463, %div3A_442 : i32
          %jit3A_465 = arith.constant 2 : i32
          %eq3A_466 = arith.constant 0 : i32
          %eq3A_467 = arith.cmpi eq, %jit3A_465, %eq3A_466 : i32
          %jit3A_468 = arith.constant 1 : i32
          %select_n3A_469 = arith.select %eq3A_467, %jit3A_468, %jit3A_465 : i32
          %rem3A_470 = arith.remsi %select_n3A_464, %select_n3A_469 : i32
          %ne3A_471 = arith.constant 0 : i32
          %ne3A_472 = arith.cmpi ne, %rem3A_470, %ne3A_471 : i32
          %lt3A_473 = arith.constant 0 : i32
          %lt3A_474 = arith.cmpi slt, %rem3A_470, %lt3A_473 : i32
          %lt3A_475 = arith.constant 0 : i32
          %lt3A_476 = arith.cmpi slt, %select_n3A_469, %lt3A_475 : i32
          %ne3A_477 = arith.xori %lt3A_474, %lt3A_476 : i1
          %and3A_478 = arith.andi %ne3A_477, %ne3A_472 : i1
          %add3A_479 = arith.addi %rem3A_470, %select_n3A_469 : i32
          %select_n3A_480 = arith.select %and3A_478, %add3A_479, %rem3A_470 : i32
          %eq3A_481 = arith.constant 1 : i32
          %eq3A_482 = arith.cmpi eq, %select_n3A_480, %eq3A_481 : i32
          %convert_element_type3A_483 = arith.extui %eq3A_482 : i1 to i32
          %cond3A_484 = arith.constant 0 : i32
          %cond3A_485 = arith.cmpi ne, %convert_element_type3A_483, %cond3A_484 : i32
          scf.if %cond3A_485 {
            %add3A_486 = arith.addi %mul3A_4, %add3A_27 : i32
            %multiple_of3A_487 = tpu.assume_multiple %add3A_486, 8 : i32
            "tpu.region"() ({
              %run_scoped3A = tpu.sem_alloc : memref<!tpu.dma_semaphore, #tpu.memory_space<semaphore_mem>>
              %dma_start3A_488 = arith.constant 0 : i32
              %dma_start3A_489 = tpu.memref_slice %arg2[%multiple_of3A_487, %dma_start3A_488] : memref<2560x128xi32, #tpu.memory_space<hbm>> -> memref<16x128xi32, #tpu.memory_space<hbm>>
              %dma_start3A_490 = arith.constant 0 : i32
              %dma_start3A_491 = tpu.memref_slice %arg2[%multiple_of3A_487, %dma_start3A_490] : memref<2560x128xi32, #tpu.memory_space<hbm>> -> memref<16x128xi32, #tpu.memory_space<hbm>>
              tpu.enqueue_dma source(%dma_start3A_491 : memref<16x128xi32, #tpu.memory_space<hbm>>) target(%arg10 : memref<16x128xi32, #tpu.memory_space<vmem>>) target_semaphore(%run_scoped3A : memref<!tpu.dma_semaphore, #tpu.memory_space<semaphore_mem>>)
              %dma_wait3A = arith.constant 0 : i32
              %dma_wait3A_492 = tpu.memref_slice %arg2[%multiple_of3A_487, %dma_wait3A] : memref<2560x128xi32, #tpu.memory_space<hbm>> -> memref<16x128xi32, #tpu.memory_space<hbm>>
              %dma_wait3A_493 = arith.constant 0 : i32
              %dma_wait3A_494 = tpu.memref_slice %arg2[%multiple_of3A_487, %dma_wait3A_493] : memref<2560x128xi32, #tpu.memory_space<hbm>> -> memref<16x128xi32, #tpu.memory_space<hbm>>
              tpu.wait_dma2 semaphore(%run_scoped3A : memref<!tpu.dma_semaphore, #tpu.memory_space<semaphore_mem>>) src(%dma_wait3A_494 : memref<16x128xi32, #tpu.memory_space<hbm>>) dst(%arg10 : memref<16x128xi32, #tpu.memory_space<vmem>>)
              tpu.yield
            }) : () -> ()
          } else {
          }
        } else {
        }
        %jit3A_127 = arith.constant 16 : i32
        %eq3A_128 = arith.constant 0 : i32
        %eq3A_129 = arith.cmpi eq, %jit3A_127, %eq3A_128 : i32
        %jit3A_130 = arith.constant 1 : i32
        %select_n3A_131 = arith.select %eq3A_129, %jit3A_130, %jit3A_127 : i32
        %rem3A_132 = arith.remsi %add3A_27, %select_n3A_131 : i32
        %ne3A_133 = arith.constant 0 : i32
        %ne3A_134 = arith.cmpi ne, %rem3A_132, %ne3A_133 : i32
        %lt3A_135 = arith.constant 0 : i32
        %lt3A_136 = arith.cmpi slt, %rem3A_132, %lt3A_135 : i32
        %lt3A_137 = arith.constant 0 : i32
        %lt3A_138 = arith.cmpi slt, %select_n3A_131, %lt3A_137 : i32
        %ne3A_139 = arith.xori %lt3A_136, %lt3A_138 : i1
        %and3A_140 = arith.andi %ne3A_139, %ne3A_134 : i1
        %add3A_141 = arith.addi %rem3A_132, %select_n3A_131 : i32
        %select_n3A_142 = arith.select %and3A_140, %add3A_141, %rem3A_132 : i32
        %jit3A_143 = arith.constant 16 : i32
        %div3A = arith.divsi %add3A_27, %jit3A_143 : i32
        %sign3A = arith.constant 0 : i32
        %sign3A_144 = arith.cmpi sgt, %add3A_27, %sign3A : i32
        %sign3A_145 = arith.extui %sign3A_144 : i1 to i32
        %sign3A_146 = arith.constant 0 : i32
        %sign3A_147 = arith.cmpi slt, %add3A_27, %sign3A_146 : i32
        %sign3A_148 = arith.extui %sign3A_147 : i1 to i32
        %sign3A_149 = arith.subi %sign3A_145, %sign3A_148 : i32
        %sign3A_150 = arith.constant 0 : i32
        %sign3A_151 = arith.cmpi sgt, %jit3A_143, %sign3A_150 : i32
        %sign3A_152 = arith.extui %sign3A_151 : i1 to i32
        %sign3A_153 = arith.constant 0 : i32
        %sign3A_154 = arith.cmpi slt, %jit3A_143, %sign3A_153 : i32
        %sign3A_155 = arith.extui %sign3A_154 : i1 to i32
        %sign3A_156 = arith.subi %sign3A_152, %sign3A_155 : i32
        %ne3A_157 = arith.cmpi ne, %sign3A_149, %sign3A_156 : i32
        %rem3A_158 = arith.remsi %add3A_27, %jit3A_143 : i32
        %ne3A_159 = arith.constant 0 : i32
        %ne3A_160 = arith.cmpi ne, %rem3A_158, %ne3A_159 : i32
        %and3A_161 = arith.andi %ne3A_157, %ne3A_160 : i1
        %sub3A = arith.constant 1 : i32
        %sub3A_162 = arith.subi %div3A, %sub3A : i32
        %select_n3A_163 = arith.select %and3A_161, %sub3A_162, %div3A : i32
        %jit3A_164 = arith.constant 2 : i32
        %eq3A_165 = arith.constant 0 : i32
        %eq3A_166 = arith.cmpi eq, %jit3A_164, %eq3A_165 : i32
        %jit3A_167 = arith.constant 1 : i32
        %select_n3A_168 = arith.select %eq3A_166, %jit3A_167, %jit3A_164 : i32
        %rem3A_169 = arith.remsi %select_n3A_163, %select_n3A_168 : i32
        %ne3A_170 = arith.constant 0 : i32
        %ne3A_171 = arith.cmpi ne, %rem3A_169, %ne3A_170 : i32
        %lt3A_172 = arith.constant 0 : i32
        %lt3A_173 = arith.cmpi slt, %rem3A_169, %lt3A_172 : i32
        %lt3A_174 = arith.constant 0 : i32
        %lt3A_175 = arith.cmpi slt, %select_n3A_168, %lt3A_174 : i32
        %ne3A_176 = arith.xori %lt3A_173, %lt3A_175 : i1
        %and3A_177 = arith.andi %ne3A_176, %ne3A_171 : i1
        %add3A_178 = arith.addi %rem3A_169, %select_n3A_168 : i32
        %select_n3A_179 = arith.select %and3A_177, %add3A_178, %rem3A_169 : i32
        %eq3A_180 = arith.constant 0 : i32
        %eq3A_181 = arith.cmpi eq, %select_n3A_179, %eq3A_180 : i32
        %jit3A_182 = arith.constant 2 : i32
        %eq3A_183 = arith.constant 0 : i32
        %eq3A_184 = arith.cmpi eq, %jit3A_182, %eq3A_183 : i32
        %jit3A_185 = arith.constant 1 : i32
        %select_n3A_186 = arith.select %eq3A_184, %jit3A_185, %jit3A_182 : i32
        %rem3A_187 = arith.remsi %add3A_27, %select_n3A_186 : i32
        %ne3A_188 = arith.constant 0 : i32
        %ne3A_189 = arith.cmpi ne, %rem3A_187, %ne3A_188 : i32
        %lt3A_190 = arith.constant 0 : i32
        %lt3A_191 = arith.cmpi slt, %rem3A_187, %lt3A_190 : i32
        %lt3A_192 = arith.constant 0 : i32
        %lt3A_193 = arith.cmpi slt, %select_n3A_186, %lt3A_192 : i32
        %ne3A_194 = arith.xori %lt3A_191, %lt3A_193 : i1
        %and3A_195 = arith.andi %ne3A_194, %ne3A_189 : i1
        %add3A_196 = arith.addi %rem3A_187, %select_n3A_186 : i32
        %select_n3A_197 = arith.select %and3A_195, %add3A_196, %rem3A_187 : i32
        %eq3A_198 = arith.constant 0 : i32
        %eq3A_199 = arith.cmpi eq, %select_n3A_197, %eq3A_198 : i32
        %and3A_200 = arith.andi %eq3A_181, %eq3A_199 : i1
        %convert_element_type3A_201 = arith.extui %and3A_200 : i1 to i32
        %cond3A_202 = arith.constant 0 : i32
        %cond3A_203 = arith.cmpi ne, %convert_element_type3A_201, %cond3A_202 : i32
        scf.if %cond3A_203 {
          %dma_start3A_396 = arith.constant 0 : i32
          %dma_start3A_397 = tpu.memref_slice %arg9[%select_n3A_142, %dma_start3A_396] : memref<16x128xi32, #tpu.memory_space<vmem>> -> memref<1x128xi32, #tpu.memory_space<vmem>>
          %dma_start3A_398 = tpu.memref_squeeze %dma_start3A_397 : memref<1x128xi32, #tpu.memory_space<vmem>> -> memref<128xi32, #tpu.memory_space<vmem>>
          %dma_start3A_399 = arith.constant 0 : i32
          %dma_start3A_400 = arith.constant 0 : i32
          %dma_start3A_401 = tpu.memref_slice %arg4[%dma_start3A_399, %dma_start3A_400] : memref<10112x128xf32, #tpu.memory_space<hbm>> -> memref<10112x128xf32, #tpu.memory_space<hbm>>
          tpu.enqueue_indirect_dma source(%dma_start3A_401 : memref<10112x128xf32, #tpu.memory_space<hbm>>) target(%arg12 : memref<128x128xf32, #tpu.memory_space<vmem>>) offsets(%dma_start3A_398 : memref<128xi32, #tpu.memory_space<vmem>>) semaphore(%arg15 : memref<!tpu.dma_semaphore, #tpu.memory_space<semaphore_mem>>)
        } else {
        }
        %jit3A_204 = arith.constant 16 : i32
        %div3A_205 = arith.divsi %add3A_27, %jit3A_204 : i32
        %sign3A_206 = arith.constant 0 : i32
        %sign3A_207 = arith.cmpi sgt, %add3A_27, %sign3A_206 : i32
        %sign3A_208 = arith.extui %sign3A_207 : i1 to i32
        %sign3A_209 = arith.constant 0 : i32
        %sign3A_210 = arith.cmpi slt, %add3A_27, %sign3A_209 : i32
        %sign3A_211 = arith.extui %sign3A_210 : i1 to i32
        %sign3A_212 = arith.subi %sign3A_208, %sign3A_211 : i32
        %sign3A_213 = arith.constant 0 : i32
        %sign3A_214 = arith.cmpi sgt, %jit3A_204, %sign3A_213 : i32
        %sign3A_215 = arith.extui %sign3A_214 : i1 to i32
        %sign3A_216 = arith.constant 0 : i32
        %sign3A_217 = arith.cmpi slt, %jit3A_204, %sign3A_216 : i32
        %sign3A_218 = arith.extui %sign3A_217 : i1 to i32
        %sign3A_219 = arith.subi %sign3A_215, %sign3A_218 : i32
        %ne3A_220 = arith.cmpi ne, %sign3A_212, %sign3A_219 : i32
        %rem3A_221 = arith.remsi %add3A_27, %jit3A_204 : i32
        %ne3A_222 = arith.constant 0 : i32
        %ne3A_223 = arith.cmpi ne, %rem3A_221, %ne3A_222 : i32
        %and3A_224 = arith.andi %ne3A_220, %ne3A_223 : i1
        %sub3A_225 = arith.constant 1 : i32
        %sub3A_226 = arith.subi %div3A_205, %sub3A_225 : i32
        %select_n3A_227 = arith.select %and3A_224, %sub3A_226, %div3A_205 : i32
        %jit3A_228 = arith.constant 2 : i32
        %eq3A_229 = arith.constant 0 : i32
        %eq3A_230 = arith.cmpi eq, %jit3A_228, %eq3A_229 : i32
        %jit3A_231 = arith.constant 1 : i32
        %select_n3A_232 = arith.select %eq3A_230, %jit3A_231, %jit3A_228 : i32
        %rem3A_233 = arith.remsi %select_n3A_227, %select_n3A_232 : i32
        %ne3A_234 = arith.constant 0 : i32
        %ne3A_235 = arith.cmpi ne, %rem3A_233, %ne3A_234 : i32
        %lt3A_236 = arith.constant 0 : i32
        %lt3A_237 = arith.cmpi slt, %rem3A_233, %lt3A_236 : i32
        %lt3A_238 = arith.constant 0 : i32
        %lt3A_239 = arith.cmpi slt, %select_n3A_232, %lt3A_238 : i32
        %ne3A_240 = arith.xori %lt3A_237, %lt3A_239 : i1
        %and3A_241 = arith.andi %ne3A_240, %ne3A_235 : i1
        %add3A_242 = arith.addi %rem3A_233, %select_n3A_232 : i32
        %select_n3A_243 = arith.select %and3A_241, %add3A_242, %rem3A_233 : i32
        %eq3A_244 = arith.constant 0 : i32
        %eq3A_245 = arith.cmpi eq, %select_n3A_243, %eq3A_244 : i32
        %jit3A_246 = arith.constant 2 : i32
        %eq3A_247 = arith.constant 0 : i32
        %eq3A_248 = arith.cmpi eq, %jit3A_246, %eq3A_247 : i32
        %jit3A_249 = arith.constant 1 : i32
        %select_n3A_250 = arith.select %eq3A_248, %jit3A_249, %jit3A_246 : i32
        %rem3A_251 = arith.remsi %add3A_27, %select_n3A_250 : i32
        %ne3A_252 = arith.constant 0 : i32
        %ne3A_253 = arith.cmpi ne, %rem3A_251, %ne3A_252 : i32
        %lt3A_254 = arith.constant 0 : i32
        %lt3A_255 = arith.cmpi slt, %rem3A_251, %lt3A_254 : i32
        %lt3A_256 = arith.constant 0 : i32
        %lt3A_257 = arith.cmpi slt, %select_n3A_250, %lt3A_256 : i32
        %ne3A_258 = arith.xori %lt3A_255, %lt3A_257 : i1
        %and3A_259 = arith.andi %ne3A_258, %ne3A_253 : i1
        %add3A_260 = arith.addi %rem3A_251, %select_n3A_250 : i32
        %select_n3A_261 = arith.select %and3A_259, %add3A_260, %rem3A_251 : i32
        %eq3A_262 = arith.constant 1 : i32
        %eq3A_263 = arith.cmpi eq, %select_n3A_261, %eq3A_262 : i32
        %and3A_264 = arith.andi %eq3A_245, %eq3A_263 : i1
        %convert_element_type3A_265 = arith.extui %and3A_264 : i1 to i32
        %cond3A_266 = arith.constant 0 : i32
        %cond3A_267 = arith.cmpi ne, %convert_element_type3A_265, %cond3A_266 : i32
        scf.if %cond3A_267 {
          %dma_start3A_396 = arith.constant 0 : i32
          %dma_start3A_397 = tpu.memref_slice %arg9[%select_n3A_142, %dma_start3A_396] : memref<16x128xi32, #tpu.memory_space<vmem>> -> memref<1x128xi32, #tpu.memory_space<vmem>>
          %dma_start3A_398 = tpu.memref_squeeze %dma_start3A_397 : memref<1x128xi32, #tpu.memory_space<vmem>> -> memref<128xi32, #tpu.memory_space<vmem>>
          %dma_start3A_399 = arith.constant 0 : i32
          %dma_start3A_400 = arith.constant 0 : i32
          %dma_start3A_401 = tpu.memref_slice %arg4[%dma_start3A_399, %dma_start3A_400] : memref<10112x128xf32, #tpu.memory_space<hbm>> -> memref<10112x128xf32, #tpu.memory_space<hbm>>
          tpu.enqueue_indirect_dma source(%dma_start3A_401 : memref<10112x128xf32, #tpu.memory_space<hbm>>) target(%arg13 : memref<128x128xf32, #tpu.memory_space<vmem>>) offsets(%dma_start3A_398 : memref<128xi32, #tpu.memory_space<vmem>>) semaphore(%arg16 : memref<!tpu.dma_semaphore, #tpu.memory_space<semaphore_mem>>)
        } else {
        }
        %jit3A_268 = arith.constant 16 : i32
        %div3A_269 = arith.divsi %add3A_27, %jit3A_268 : i32
        %sign3A_270 = arith.constant 0 : i32
        %sign3A_271 = arith.cmpi sgt, %add3A_27, %sign3A_270 : i32
        %sign3A_272 = arith.extui %sign3A_271 : i1 to i32
        %sign3A_273 = arith.constant 0 : i32
        %sign3A_274 = arith.cmpi slt, %add3A_27, %sign3A_273 : i32
        %sign3A_275 = arith.extui %sign3A_274 : i1 to i32
        %sign3A_276 = arith.subi %sign3A_272, %sign3A_275 : i32
        %sign3A_277 = arith.constant 0 : i32
        %sign3A_278 = arith.cmpi sgt, %jit3A_268, %sign3A_277 : i32
        %sign3A_279 = arith.extui %sign3A_278 : i1 to i32
        %sign3A_280 = arith.constant 0 : i32
        %sign3A_281 = arith.cmpi slt, %jit3A_268, %sign3A_280 : i32
        %sign3A_282 = arith.extui %sign3A_281 : i1 to i32
        %sign3A_283 = arith.subi %sign3A_279, %sign3A_282 : i32
        %ne3A_284 = arith.cmpi ne, %sign3A_276, %sign3A_283 : i32
        %rem3A_285 = arith.remsi %add3A_27, %jit3A_268 : i32
        %ne3A_286 = arith.constant 0 : i32
        %ne3A_287 = arith.cmpi ne, %rem3A_285, %ne3A_286 : i32
        %and3A_288 = arith.andi %ne3A_284, %ne3A_287 : i1
        %sub3A_289 = arith.constant 1 : i32
        %sub3A_290 = arith.subi %div3A_269, %sub3A_289 : i32
        %select_n3A_291 = arith.select %and3A_288, %sub3A_290, %div3A_269 : i32
        %jit3A_292 = arith.constant 2 : i32
        %eq3A_293 = arith.constant 0 : i32
        %eq3A_294 = arith.cmpi eq, %jit3A_292, %eq3A_293 : i32
        %jit3A_295 = arith.constant 1 : i32
        %select_n3A_296 = arith.select %eq3A_294, %jit3A_295, %jit3A_292 : i32
        %rem3A_297 = arith.remsi %select_n3A_291, %select_n3A_296 : i32
        %ne3A_298 = arith.constant 0 : i32
        %ne3A_299 = arith.cmpi ne, %rem3A_297, %ne3A_298 : i32
        %lt3A_300 = arith.constant 0 : i32
        %lt3A_301 = arith.cmpi slt, %rem3A_297, %lt3A_300 : i32
        %lt3A_302 = arith.constant 0 : i32
        %lt3A_303 = arith.cmpi slt, %select_n3A_296, %lt3A_302 : i32
        %ne3A_304 = arith.xori %lt3A_301, %lt3A_303 : i1
        %and3A_305 = arith.andi %ne3A_304, %ne3A_299 : i1
        %add3A_306 = arith.addi %rem3A_297, %select_n3A_296 : i32
        %select_n3A_307 = arith.select %and3A_305, %add3A_306, %rem3A_297 : i32
        %eq3A_308 = arith.constant 1 : i32
        %eq3A_309 = arith.cmpi eq, %select_n3A_307, %eq3A_308 : i32
        %jit3A_310 = arith.constant 2 : i32
        %eq3A_311 = arith.constant 0 : i32
        %eq3A_312 = arith.cmpi eq, %jit3A_310, %eq3A_311 : i32
        %jit3A_313 = arith.constant 1 : i32
        %select_n3A_314 = arith.select %eq3A_312, %jit3A_313, %jit3A_310 : i32
        %rem3A_315 = arith.remsi %add3A_27, %select_n3A_314 : i32
        %ne3A_316 = arith.constant 0 : i32
        %ne3A_317 = arith.cmpi ne, %rem3A_315, %ne3A_316 : i32
        %lt3A_318 = arith.constant 0 : i32
        %lt3A_319 = arith.cmpi slt, %rem3A_315, %lt3A_318 : i32
        %lt3A_320 = arith.constant 0 : i32
        %lt3A_321 = arith.cmpi slt, %select_n3A_314, %lt3A_320 : i32
        %ne3A_322 = arith.xori %lt3A_319, %lt3A_321 : i1
        %and3A_323 = arith.andi %ne3A_322, %ne3A_317 : i1
        %add3A_324 = arith.addi %rem3A_315, %select_n3A_314 : i32
        %select_n3A_325 = arith.select %and3A_323, %add3A_324, %rem3A_315 : i32
        %eq3A_326 = arith.constant 0 : i32
        %eq3A_327 = arith.cmpi eq, %select_n3A_325, %eq3A_326 : i32
        %and3A_328 = arith.andi %eq3A_309, %eq3A_327 : i1
        %convert_element_type3A_329 = arith.extui %and3A_328 : i1 to i32
        %cond3A_330 = arith.constant 0 : i32
        %cond3A_331 = arith.cmpi ne, %convert_element_type3A_329, %cond3A_330 : i32
        scf.if %cond3A_331 {
          %dma_start3A_396 = arith.constant 0 : i32
          %dma_start3A_397 = tpu.memref_slice %arg10[%select_n3A_142, %dma_start3A_396] : memref<16x128xi32, #tpu.memory_space<vmem>> -> memref<1x128xi32, #tpu.memory_space<vmem>>
          %dma_start3A_398 = tpu.memref_squeeze %dma_start3A_397 : memref<1x128xi32, #tpu.memory_space<vmem>> -> memref<128xi32, #tpu.memory_space<vmem>>
          %dma_start3A_399 = arith.constant 0 : i32
          %dma_start3A_400 = arith.constant 0 : i32
          %dma_start3A_401 = tpu.memref_slice %arg4[%dma_start3A_399, %dma_start3A_400] : memref<10112x128xf32, #tpu.memory_space<hbm>> -> memref<10112x128xf32, #tpu.memory_space<hbm>>
          tpu.enqueue_indirect_dma source(%dma_start3A_401 : memref<10112x128xf32, #tpu.memory_space<hbm>>) target(%arg12 : memref<128x128xf32, #tpu.memory_space<vmem>>) offsets(%dma_start3A_398 : memref<128xi32, #tpu.memory_space<vmem>>) semaphore(%arg15 : memref<!tpu.dma_semaphore, #tpu.memory_space<semaphore_mem>>)
        } else {
        }
        %jit3A_332 = arith.constant 16 : i32
        %div3A_333 = arith.divsi %add3A_27, %jit3A_332 : i32
        %sign3A_334 = arith.constant 0 : i32
        %sign3A_335 = arith.cmpi sgt, %add3A_27, %sign3A_334 : i32
        %sign3A_336 = arith.extui %sign3A_335 : i1 to i32
        %sign3A_337 = arith.constant 0 : i32
        %sign3A_338 = arith.cmpi slt, %add3A_27, %sign3A_337 : i32
        %sign3A_339 = arith.extui %sign3A_338 : i1 to i32
        %sign3A_340 = arith.subi %sign3A_336, %sign3A_339 : i32
        %sign3A_341 = arith.constant 0 : i32
        %sign3A_342 = arith.cmpi sgt, %jit3A_332, %sign3A_341 : i32
        %sign3A_343 = arith.extui %sign3A_342 : i1 to i32
        %sign3A_344 = arith.constant 0 : i32
        %sign3A_345 = arith.cmpi slt, %jit3A_332, %sign3A_344 : i32
        %sign3A_346 = arith.extui %sign3A_345 : i1 to i32
        %sign3A_347 = arith.subi %sign3A_343, %sign3A_346 : i32
        %ne3A_348 = arith.cmpi ne, %sign3A_340, %sign3A_347 : i32
        %rem3A_349 = arith.remsi %add3A_27, %jit3A_332 : i32
        %ne3A_350 = arith.constant 0 : i32
        %ne3A_351 = arith.cmpi ne, %rem3A_349, %ne3A_350 : i32
        %and3A_352 = arith.andi %ne3A_348, %ne3A_351 : i1
        %sub3A_353 = arith.constant 1 : i32
        %sub3A_354 = arith.subi %div3A_333, %sub3A_353 : i32
        %select_n3A_355 = arith.select %and3A_352, %sub3A_354, %div3A_333 : i32
        %jit3A_356 = arith.constant 2 : i32
        %eq3A_357 = arith.constant 0 : i32
        %eq3A_358 = arith.cmpi eq, %jit3A_356, %eq3A_357 : i32
        %jit3A_359 = arith.constant 1 : i32
        %select_n3A_360 = arith.select %eq3A_358, %jit3A_359, %jit3A_356 : i32
        %rem3A_361 = arith.remsi %select_n3A_355, %select_n3A_360 : i32
        %ne3A_362 = arith.constant 0 : i32
        %ne3A_363 = arith.cmpi ne, %rem3A_361, %ne3A_362 : i32
        %lt3A_364 = arith.constant 0 : i32
        %lt3A_365 = arith.cmpi slt, %rem3A_361, %lt3A_364 : i32
        %lt3A_366 = arith.constant 0 : i32
        %lt3A_367 = arith.cmpi slt, %select_n3A_360, %lt3A_366 : i32
        %ne3A_368 = arith.xori %lt3A_365, %lt3A_367 : i1
        %and3A_369 = arith.andi %ne3A_368, %ne3A_363 : i1
        %add3A_370 = arith.addi %rem3A_361, %select_n3A_360 : i32
        %select_n3A_371 = arith.select %and3A_369, %add3A_370, %rem3A_361 : i32
        %eq3A_372 = arith.constant 1 : i32
        %eq3A_373 = arith.cmpi eq, %select_n3A_371, %eq3A_372 : i32
        %jit3A_374 = arith.constant 2 : i32
        %eq3A_375 = arith.constant 0 : i32
        %eq3A_376 = arith.cmpi eq, %jit3A_374, %eq3A_375 : i32
        %jit3A_377 = arith.constant 1 : i32
        %select_n3A_378 = arith.select %eq3A_376, %jit3A_377, %jit3A_374 : i32
        %rem3A_379 = arith.remsi %add3A_27, %select_n3A_378 : i32
        %ne3A_380 = arith.constant 0 : i32
        %ne3A_381 = arith.cmpi ne, %rem3A_379, %ne3A_380 : i32
        %lt3A_382 = arith.constant 0 : i32
        %lt3A_383 = arith.cmpi slt, %rem3A_379, %lt3A_382 : i32
        %lt3A_384 = arith.constant 0 : i32
        %lt3A_385 = arith.cmpi slt, %select_n3A_378, %lt3A_384 : i32
        %ne3A_386 = arith.xori %lt3A_383, %lt3A_385 : i1
        %and3A_387 = arith.andi %ne3A_386, %ne3A_381 : i1
        %add3A_388 = arith.addi %rem3A_379, %select_n3A_378 : i32
        %select_n3A_389 = arith.select %and3A_387, %add3A_388, %rem3A_379 : i32
        %eq3A_390 = arith.constant 1 : i32
        %eq3A_391 = arith.cmpi eq, %select_n3A_389, %eq3A_390 : i32
        %and3A_392 = arith.andi %eq3A_373, %eq3A_391 : i1
        %convert_element_type3A_393 = arith.extui %and3A_392 : i1 to i32
        %cond3A_394 = arith.constant 0 : i32
        %cond3A_395 = arith.cmpi ne, %convert_element_type3A_393, %cond3A_394 : i32
        scf.if %cond3A_395 {
          %dma_start3A_396 = arith.constant 0 : i32
          %dma_start3A_397 = tpu.memref_slice %arg10[%select_n3A_142, %dma_start3A_396] : memref<16x128xi32, #tpu.memory_space<vmem>> -> memref<1x128xi32, #tpu.memory_space<vmem>>
          %dma_start3A_398 = tpu.memref_squeeze %dma_start3A_397 : memref<1x128xi32, #tpu.memory_space<vmem>> -> memref<128xi32, #tpu.memory_space<vmem>>
          %dma_start3A_399 = arith.constant 0 : i32
          %dma_start3A_400 = arith.constant 0 : i32
          %dma_start3A_401 = tpu.memref_slice %arg4[%dma_start3A_399, %dma_start3A_400] : memref<10112x128xf32, #tpu.memory_space<hbm>> -> memref<10112x128xf32, #tpu.memory_space<hbm>>
          tpu.enqueue_indirect_dma source(%dma_start3A_401 : memref<10112x128xf32, #tpu.memory_space<hbm>>) target(%arg13 : memref<128x128xf32, #tpu.memory_space<vmem>>) offsets(%dma_start3A_398 : memref<128xi32, #tpu.memory_space<vmem>>) semaphore(%arg16 : memref<!tpu.dma_semaphore, #tpu.memory_space<semaphore_mem>>)
        } else {
        }
      } else {
      }
      %jit3A = arith.constant 16 : i32
      %eq3A_32 = arith.constant 0 : i32
      %eq3A_33 = arith.cmpi eq, %jit3A, %eq3A_32 : i32
      %jit3A_34 = arith.constant 1 : i32
      %select_n3A = arith.select %eq3A_33, %jit3A_34, %jit3A : i32
      %rem3A = arith.remsi %scan3A_25, %select_n3A : i32
      %ne3A = arith.constant 0 : i32
      %ne3A_35 = arith.cmpi ne, %rem3A, %ne3A : i32
      %lt3A_36 = arith.constant 0 : i32
      %lt3A_37 = arith.cmpi slt, %rem3A, %lt3A_36 : i32
      %lt3A_38 = arith.constant 0 : i32
      %lt3A_39 = arith.cmpi slt, %select_n3A, %lt3A_38 : i32
      %ne3A_40 = arith.xori %lt3A_37, %lt3A_39 : i1
      %and3A = arith.andi %ne3A_40, %ne3A_35 : i1
      %add3A_41 = arith.addi %rem3A, %select_n3A : i32
      %select_n3A_42 = arith.select %and3A, %add3A_41, %rem3A : i32
      %eq3A_43 = arith.constant 0 : i32
      %eq3A_44 = arith.cmpi eq, %select_n3A_42, %eq3A_43 : i32
      %convert_element_type3A_45 = arith.extui %eq3A_44 : i1 to i32
      %cond3A_46 = arith.constant 0 : i32
      %cond3A_47 = arith.cmpi ne, %convert_element_type3A_45, %cond3A_46 : i32
      scf.if %cond3A_47 {
        %add3A_106 = arith.addi %mul3A_4, %scan3A_25 : i32
        %multiple_of3A_107 = tpu.assume_multiple %add3A_106, 8 : i32
        "tpu.region"() ({
          %run_scoped3A = tpu.sem_alloc : memref<!tpu.dma_semaphore, #tpu.memory_space<semaphore_mem>>
          %dma_start3A_108 = arith.constant 0 : i32
          %dma_start3A_109 = tpu.memref_slice %arg3[%multiple_of3A_107, %dma_start3A_108] : memref<2560x128xi32, #tpu.memory_space<hbm>> -> memref<16x128xi32, #tpu.memory_space<hbm>>
          %dma_start3A_110 = arith.constant 0 : i32
          %dma_start3A_111 = tpu.memref_slice %arg3[%multiple_of3A_107, %dma_start3A_110] : memref<2560x128xi32, #tpu.memory_space<hbm>> -> memref<16x128xi32, #tpu.memory_space<hbm>>
          tpu.enqueue_dma source(%dma_start3A_111 : memref<16x128xi32, #tpu.memory_space<hbm>>) target(%arg11 : memref<16x128xi32, #tpu.memory_space<vmem>>) target_semaphore(%run_scoped3A : memref<!tpu.dma_semaphore, #tpu.memory_space<semaphore_mem>>)
          %dma_wait3A = arith.constant 0 : i32
          %dma_wait3A_112 = tpu.memref_slice %arg3[%multiple_of3A_107, %dma_wait3A] : memref<2560x128xi32, #tpu.memory_space<hbm>> -> memref<16x128xi32, #tpu.memory_space<hbm>>
          %dma_wait3A_113 = arith.constant 0 : i32
          %dma_wait3A_114 = tpu.memref_slice %arg3[%multiple_of3A_107, %dma_wait3A_113] : memref<2560x128xi32, #tpu.memory_space<hbm>> -> memref<16x128xi32, #tpu.memory_space<hbm>>
          tpu.wait_dma2 semaphore(%run_scoped3A : memref<!tpu.dma_semaphore, #tpu.memory_space<semaphore_mem>>) src(%dma_wait3A_114 : memref<16x128xi32, #tpu.memory_space<hbm>>) dst(%arg11 : memref<16x128xi32, #tpu.memory_space<vmem>>)
          tpu.yield
        }) : () -> ()
      } else {
      }
      %jit3A_48 = arith.constant 16 : i32
      %eq3A_49 = arith.constant 0 : i32
      %eq3A_50 = arith.cmpi eq, %jit3A_48, %eq3A_49 : i32
      %jit3A_51 = arith.constant 1 : i32
      %select_n3A_52 = arith.select %eq3A_50, %jit3A_51, %jit3A_48 : i32
      %rem3A_53 = arith.remsi %scan3A_25, %select_n3A_52 : i32
      %ne3A_54 = arith.constant 0 : i32
      %ne3A_55 = arith.cmpi ne, %rem3A_53, %ne3A_54 : i32
      %lt3A_56 = arith.constant 0 : i32
      %lt3A_57 = arith.cmpi slt, %rem3A_53, %lt3A_56 : i32
      %lt3A_58 = arith.constant 0 : i32
      %lt3A_59 = arith.cmpi slt, %select_n3A_52, %lt3A_58 : i32
      %ne3A_60 = arith.xori %lt3A_57, %lt3A_59 : i1
      %and3A_61 = arith.andi %ne3A_60, %ne3A_55 : i1
      %add3A_62 = arith.addi %rem3A_53, %select_n3A_52 : i32
      %select_n3A_63 = arith.select %and3A_61, %add3A_62, %rem3A_53 : i32
      %jit3A_64 = arith.constant 2 : i32
      %eq3A_65 = arith.constant 0 : i32
      %eq3A_66 = arith.cmpi eq, %jit3A_64, %eq3A_65 : i32
      %jit3A_67 = arith.constant 1 : i32
      %select_n3A_68 = arith.select %eq3A_66, %jit3A_67, %jit3A_64 : i32
      %rem3A_69 = arith.remsi %scan3A_25, %select_n3A_68 : i32
      %ne3A_70 = arith.constant 0 : i32
      %ne3A_71 = arith.cmpi ne, %rem3A_69, %ne3A_70 : i32
      %lt3A_72 = arith.constant 0 : i32
      %lt3A_73 = arith.cmpi slt, %rem3A_69, %lt3A_72 : i32
      %lt3A_74 = arith.constant 0 : i32
      %lt3A_75 = arith.cmpi slt, %select_n3A_68, %lt3A_74 : i32
      %ne3A_76 = arith.xori %lt3A_73, %lt3A_75 : i1
      %and3A_77 = arith.andi %ne3A_76, %ne3A_71 : i1
      %add3A_78 = arith.addi %rem3A_69, %select_n3A_68 : i32
      %select_n3A_79 = arith.select %and3A_77, %add3A_78, %rem3A_69 : i32
      %eq3A_80 = arith.constant 0 : i32
      %eq3A_81 = arith.cmpi eq, %select_n3A_79, %eq3A_80 : i32
      %convert_element_type3A_82 = arith.extui %eq3A_81 : i1 to i32
      %cond3A_83 = arith.constant 0 : i32
      %cond3A_84 = arith.cmpi ne, %convert_element_type3A_82, %cond3A_83 : i32
      scf.if %cond3A_84 {
        %dma_wait3A = arith.constant 0 : i32
        %dma_wait3A_106 = arith.constant 0 : i32
        %dma_wait3A_107 = tpu.memref_slice %arg4[%dma_wait3A, %dma_wait3A_106] : memref<10112x128xf32, #tpu.memory_space<hbm>> -> memref<128x128xf32, #tpu.memory_space<hbm>>
        %dma_wait3A_108 = arith.constant 0 : i32
        %dma_wait3A_109 = arith.constant 0 : i32
        %dma_wait3A_110 = tpu.memref_slice %arg4[%dma_wait3A_108, %dma_wait3A_109] : memref<10112x128xf32, #tpu.memory_space<hbm>> -> memref<128x128xf32, #tpu.memory_space<hbm>>
        tpu.wait_dma2 semaphore(%arg15 : memref<!tpu.dma_semaphore, #tpu.memory_space<semaphore_mem>>) src(%dma_wait3A_110 : memref<128x128xf32, #tpu.memory_space<hbm>>) dst(%arg12 : memref<128x128xf32, #tpu.memory_space<vmem>>)
        "tpu.region"() ({
          %run_scoped3A = tpu.sem_alloc : memref<!tpu.dma_semaphore, #tpu.memory_space<semaphore_mem>>
          %dma_start3A_111 = arith.constant 0 : i32
          %dma_start3A_112 = tpu.memref_slice %arg11[%select_n3A_63, %dma_start3A_111] : memref<16x128xi32, #tpu.memory_space<vmem>> -> memref<1x128xi32, #tpu.memory_space<vmem>>
          %dma_start3A_113 = tpu.memref_squeeze %dma_start3A_112 : memref<1x128xi32, #tpu.memory_space<vmem>> -> memref<128xi32, #tpu.memory_space<vmem>>
          %dma_start3A_114 = arith.constant 0 : i32
          %dma_start3A_115 = arith.constant 0 : i32
          %dma_start3A_116 = tpu.memref_slice %arg14[%dma_start3A_114, %dma_start3A_115] : memref<10112x128xf32, #tpu.memory_space<vmem_shared>> -> memref<10112x128xf32, #tpu.memory_space<vmem_shared>>
          tpu.enqueue_indirect_dma source(%arg12 : memref<128x128xf32, #tpu.memory_space<vmem>>) target(%dma_start3A_116 : memref<10112x128xf32, #tpu.memory_space<vmem_shared>>) offsets(%dma_start3A_113 : memref<128xi32, #tpu.memory_space<vmem>>) semaphore(%run_scoped3A : memref<!tpu.dma_semaphore, #tpu.memory_space<semaphore_mem>>) {add = true}
          %dma_wait3A_117 = arith.constant 0 : i32
          %dma_wait3A_118 = tpu.memref_slice %arg11[%select_n3A_63, %dma_wait3A_117] : memref<16x128xi32, #tpu.memory_space<vmem>> -> memref<1x128xi32, #tpu.memory_space<vmem>>
          %dma_wait3A_119 = tpu.memref_squeeze %dma_wait3A_118 : memref<1x128xi32, #tpu.memory_space<vmem>> -> memref<128xi32, #tpu.memory_space<vmem>>
          %dma_wait3A_120 = arith.constant 0 : i32
          %dma_wait3A_121 = arith.constant 0 : i32
          %dma_wait3A_122 = tpu.memref_slice %arg14[%dma_wait3A_120, %dma_wait3A_121] : memref<10112x128xf32, #tpu.memory_space<vmem_shared>> -> memref<10112x128xf32, #tpu.memory_space<vmem_shared>>
          tpu.wait_indirect_dma semaphore(%run_scoped3A : memref<!tpu.dma_semaphore, #tpu.memory_space<semaphore_mem>>) src(%arg12 : memref<128x128xf32, #tpu.memory_space<vmem>>) dst(%dma_wait3A_122 : memref<10112x128xf32, #tpu.memory_space<vmem_shared>>)
          tpu.yield
        }) : () -> ()
      } else {
      }
      %jit3A_85 = arith.constant 2 : i32
      %eq3A_86 = arith.constant 0 : i32
      %eq3A_87 = arith.cmpi eq, %jit3A_85, %eq3A_86 : i32
      %jit3A_88 = arith.constant 1 : i32
      %select_n3A_89 = arith.select %eq3A_87, %jit3A_88, %jit3A_85 : i32
      %rem3A_90 = arith.remsi %scan3A_25, %select_n3A_89 : i32
      %ne3A_91 = arith.constant 0 : i32
      %ne3A_92 = arith.cmpi ne, %rem3A_90, %ne3A_91 : i32
      %lt3A_93 = arith.constant 0 : i32
      %lt3A_94 = arith.cmpi slt, %rem3A_90, %lt3A_93 : i32
      %lt3A_95 = arith.constant 0 : i32
      %lt3A_96 = arith.cmpi slt, %select_n3A_89, %lt3A_95 : i32
      %ne3A_97 = arith.xori %lt3A_94, %lt3A_96 : i1
      %and3A_98 = arith.andi %ne3A_97, %ne3A_92 : i1
      %add3A_99 = arith.addi %rem3A_90, %select_n3A_89 : i32
      %select_n3A_100 = arith.select %and3A_98, %add3A_99, %rem3A_90 : i32
      %eq3A_101 = arith.constant 1 : i32
      %eq3A_102 = arith.cmpi eq, %select_n3A_100, %eq3A_101 : i32
      %convert_element_type3A_103 = arith.extui %eq3A_102 : i1 to i32
      %cond3A_104 = arith.constant 0 : i32
      %cond3A_105 = arith.cmpi ne, %convert_element_type3A_103, %cond3A_104 : i32
      scf.if %cond3A_105 {
        %dma_wait3A = arith.constant 0 : i32
        %dma_wait3A_106 = arith.constant 0 : i32
        %dma_wait3A_107 = tpu.memref_slice %arg4[%dma_wait3A, %dma_wait3A_106] : memref<10112x128xf32, #tpu.memory_space<hbm>> -> memref<128x128xf32, #tpu.memory_space<hbm>>
        %dma_wait3A_108 = arith.constant 0 : i32
        %dma_wait3A_109 = arith.constant 0 : i32
        %dma_wait3A_110 = tpu.memref_slice %arg4[%dma_wait3A_108, %dma_wait3A_109] : memref<10112x128xf32, #tpu.memory_space<hbm>> -> memref<128x128xf32, #tpu.memory_space<hbm>>
        tpu.wait_dma2 semaphore(%arg16 : memref<!tpu.dma_semaphore, #tpu.memory_space<semaphore_mem>>) src(%dma_wait3A_110 : memref<128x128xf32, #tpu.memory_space<hbm>>) dst(%arg13 : memref<128x128xf32, #tpu.memory_space<vmem>>)
        "tpu.region"() ({
          %run_scoped3A = tpu.sem_alloc : memref<!tpu.dma_semaphore, #tpu.memory_space<semaphore_mem>>
          %dma_start3A_111 = arith.constant 0 : i32
          %dma_start3A_112 = tpu.memref_slice %arg11[%select_n3A_63, %dma_start3A_111] : memref<16x128xi32, #tpu.memory_space<vmem>> -> memref<1x128xi32, #tpu.memory_space<vmem>>
          %dma_start3A_113 = tpu.memref_squeeze %dma_start3A_112 : memref<1x128xi32, #tpu.memory_space<vmem>> -> memref<128xi32, #tpu.memory_space<vmem>>
          %dma_start3A_114 = arith.constant 0 : i32
          %dma_start3A_115 = arith.constant 0 : i32
          %dma_start3A_116 = tpu.memref_slice %arg14[%dma_start3A_114, %dma_start3A_115] : memref<10112x128xf32, #tpu.memory_space<vmem_shared>> -> memref<10112x128xf32, #tpu.memory_space<vmem_shared>>
          tpu.enqueue_indirect_dma source(%arg13 : memref<128x128xf32, #tpu.memory_space<vmem>>) target(%dma_start3A_116 : memref<10112x128xf32, #tpu.memory_space<vmem_shared>>) offsets(%dma_start3A_113 : memref<128xi32, #tpu.memory_space<vmem>>) semaphore(%run_scoped3A : memref<!tpu.dma_semaphore, #tpu.memory_space<semaphore_mem>>) {add = true}
          %dma_wait3A_117 = arith.constant 0 : i32
          %dma_wait3A_118 = tpu.memref_slice %arg11[%select_n3A_63, %dma_wait3A_117] : memref<16x128xi32, #tpu.memory_space<vmem>> -> memref<1x128xi32, #tpu.memory_space<vmem>>
          %dma_wait3A_119 = tpu.memref_squeeze %dma_wait3A_118 : memref<1x128xi32, #tpu.memory_space<vmem>> -> memref<128xi32, #tpu.memory_space<vmem>>
          %dma_wait3A_120 = arith.constant 0 : i32
          %dma_wait3A_121 = arith.constant 0 : i32
          %dma_wait3A_122 = tpu.memref_slice %arg14[%dma_wait3A_120, %dma_wait3A_121] : memref<10112x128xf32, #tpu.memory_space<vmem_shared>> -> memref<10112x128xf32, #tpu.memory_space<vmem_shared>>
          tpu.wait_indirect_dma semaphore(%run_scoped3A : memref<!tpu.dma_semaphore, #tpu.memory_space<semaphore_mem>>) src(%arg13 : memref<128x128xf32, #tpu.memory_space<vmem>>) dst(%dma_wait3A_122 : memref<10112x128xf32, #tpu.memory_space<vmem_shared>>)
          tpu.yield
        }) : () -> ()
      } else {
      }
    }
    %scan3A_16 = arith.constant 80 : i32
    %barrier3A_17 = arith.constant 0 : index
    tpu.barrier barrier_id(%barrier3A_17)
    %eq3A = arith.constant 0 : i32
    %eq3A_18 = arith.cmpi eq, %arg0, %eq3A : i32
    %convert_element_type3A = arith.extui %eq3A_18 : i1 to i32
    %cond3A = arith.constant 0 : i32
    %cond3A_19 = arith.cmpi ne, %convert_element_type3A, %cond3A : i32
    scf.if %cond3A_19 {
      "tpu.region"() ({
        %run_scoped3A = tpu.sem_alloc : memref<!tpu.dma_semaphore, #tpu.memory_space<semaphore_mem>>
        %dma_start3A_25 = arith.constant 0 : i32
        %dma_start3A_26 = tpu.memref_slice %arg7[%multiple_of3A, %dma_start3A_25] : memref<10112x128xf32, #tpu.memory_space<hbm>> -> memref<632x128xf32, #tpu.memory_space<hbm>>
        %dma_start3A_27 = arith.constant 0 : i32
        %dma_start3A_28 = tpu.memref_slice %arg14[%multiple_of3A, %dma_start3A_27] : memref<10112x128xf32, #tpu.memory_space<vmem_shared>> -> memref<632x128xf32, #tpu.memory_space<vmem_shared>>
        tpu.enqueue_dma source(%dma_start3A_28 : memref<632x128xf32, #tpu.memory_space<vmem_shared>>) target(%dma_start3A_26 : memref<632x128xf32, #tpu.memory_space<hbm>>) target_semaphore(%run_scoped3A : memref<!tpu.dma_semaphore, #tpu.memory_space<semaphore_mem>>)
        %dma_wait3A = arith.constant 0 : i32
        %dma_wait3A_29 = tpu.memref_slice %arg7[%multiple_of3A, %dma_wait3A] : memref<10112x128xf32, #tpu.memory_space<hbm>> -> memref<632x128xf32, #tpu.memory_space<hbm>>
        %dma_wait3A_30 = arith.constant 0 : i32
        %dma_wait3A_31 = tpu.memref_slice %arg14[%multiple_of3A, %dma_wait3A_30] : memref<10112x128xf32, #tpu.memory_space<vmem_shared>> -> memref<632x128xf32, #tpu.memory_space<vmem_shared>>
        tpu.wait_dma2 semaphore(%run_scoped3A : memref<!tpu.dma_semaphore, #tpu.memory_space<semaphore_mem>>) src(%dma_wait3A_31 : memref<632x128xf32, #tpu.memory_space<vmem_shared>>) dst(%dma_wait3A_29 : memref<632x128xf32, #tpu.memory_space<hbm>>)
        tpu.yield
      }) : () -> ()
    } else {
    }
    %eq3A_20 = arith.constant 1 : i32
    %eq3A_21 = arith.cmpi eq, %arg0, %eq3A_20 : i32
    %convert_element_type3A_22 = arith.extui %eq3A_21 : i1 to i32
    %cond3A_23 = arith.constant 0 : i32
    %cond3A_24 = arith.cmpi ne, %convert_element_type3A_22, %cond3A_23 : i32
    scf.if %cond3A_24 {
      "tpu.region"() ({
        %run_scoped3A = tpu.sem_alloc : memref<!tpu.dma_semaphore, #tpu.memory_space<semaphore_mem>>
        %dma_start3A_25 = arith.constant 0 : i32
        %dma_start3A_26 = tpu.memref_slice %arg8[%multiple_of3A, %dma_start3A_25] : memref<10112x128xf32, #tpu.memory_space<hbm>> -> memref<632x128xf32, #tpu.memory_space<hbm>>
        %dma_start3A_27 = arith.constant 0 : i32
        %dma_start3A_28 = tpu.memref_slice %arg14[%multiple_of3A, %dma_start3A_27] : memref<10112x128xf32, #tpu.memory_space<vmem_shared>> -> memref<632x128xf32, #tpu.memory_space<vmem_shared>>
        tpu.enqueue_dma source(%dma_start3A_28 : memref<632x128xf32, #tpu.memory_space<vmem_shared>>) target(%dma_start3A_26 : memref<632x128xf32, #tpu.memory_space<hbm>>) target_semaphore(%run_scoped3A : memref<!tpu.dma_semaphore, #tpu.memory_space<semaphore_mem>>)
        %dma_wait3A = arith.constant 0 : i32
        %dma_wait3A_29 = tpu.memref_slice %arg8[%multiple_of3A, %dma_wait3A] : memref<10112x128xf32, #tpu.memory_space<hbm>> -> memref<632x128xf32, #tpu.memory_space<hbm>>
        %dma_wait3A_30 = arith.constant 0 : i32
        %dma_wait3A_31 = tpu.memref_slice %arg14[%multiple_of3A, %dma_wait3A_30] : memref<10112x128xf32, #tpu.memory_space<vmem_shared>> -> memref<632x128xf32, #tpu.memory_space<vmem_shared>>
        tpu.wait_dma2 semaphore(%run_scoped3A : memref<!tpu.dma_semaphore, #tpu.memory_space<semaphore_mem>>) src(%dma_wait3A_31 : memref<632x128xf32, #tpu.memory_space<vmem_shared>>) dst(%dma_wait3A_29 : memref<632x128xf32, #tpu.memory_space<hbm>>)
        tpu.yield
      }) : () -> ()
    } else {
    }
    return
  }
}

#map = affine_map<(d0, d1) -> (0, 0)>
module attributes {stable_mosaic.version = 14 : i64} {
  func.func @body(%arg0: i32, %arg1: i32, %arg2: memref<2560x128xi32, #tpu.memory_space<hbm>>, %arg3: memref<2560x128xi32, #tpu.memory_space<hbm>>, %arg4: memref<10112x128xf32, #tpu.memory_space<hbm>>, %arg5: memref<10112x128xf32, #tpu.memory_space<hbm>>, %arg6: memref<10112x128xf32, #tpu.memory_space<hbm>>, %arg7: memref<10112x128xf32, #tpu.memory_space<hbm>>, %arg8: memref<10112x128xf32, #tpu.memory_space<hbm>>, %arg9: memref<16x128xi32, #tpu.memory_space<vmem>>, %arg10: memref<16x128xi32, #tpu.memory_space<vmem>>, %arg11: memref<16x128xi32, #tpu.memory_space<vmem>>, %arg12: memref<128x128xf32, #tpu.memory_space<vmem>>, %arg13: memref<128x128xf32, #tpu.memory_space<vmem>>, %arg14: memref<10112x128xf32, #tpu.memory_space<vmem_shared>>, %arg15: memref<!tpu.dma_semaphore, #tpu.memory_space<semaphore_mem>>, %arg16: memref<!tpu.dma_semaphore, #tpu.memory_space<semaphore_mem>>) attributes {dimension_semantics = [#tpu.dimension_semantics<core_parallel>, #tpu.dimension_semantics<subcore_parallel>], iteration_bounds = array<i64: 2, 16>, scalar_prefetch = 0 : i64, scratch_operands = 8 : i64, tpu.core_type = #tpu.core_type<sc_vector_subcore>, window_params = [{transform_indices = #map}, {transform_indices = #map}, {transform_indices = #map}, {transform_indices = #map}, {transform_indices = #map}, {transform_indices = #map}, {transform_indices = #map}]} {
    %mul3A = arith.constant 632 : i32
    %mul3A_0 = arith.muli %arg1, %mul3A : i32
    %multiple_of3A = tpu.assume_multiple %mul3A_0, 8 : i32
    "tpu.region"() ({
      %run_scoped3A = tpu.sem_alloc : memref<!tpu.dma_semaphore, #tpu.memory_space<semaphore_mem>>
      %dma_start3A = arith.constant 0 : i32
      %dma_start3A_29 = tpu.memref_slice %arg14[%multiple_of3A, %dma_start3A] : memref<10112x128xf32, #tpu.memory_space<vmem_shared>> -> memref<632x128xf32, #tpu.memory_space<vmem_shared>>
      %dma_start3A_30 = arith.constant 0 : i32
      %dma_start3A_31 = tpu.memref_slice %arg6[%multiple_of3A, %dma_start3A_30] : memref<10112x128xf32, #tpu.memory_space<hbm>> -> memref<632x128xf32, #tpu.memory_space<hbm>>
      tpu.enqueue_dma source(%dma_start3A_31 : memref<632x128xf32, #tpu.memory_space<hbm>>) target(%dma_start3A_29 : memref<632x128xf32, #tpu.memory_space<vmem_shared>>) target_semaphore(%run_scoped3A : memref<!tpu.dma_semaphore, #tpu.memory_space<semaphore_mem>>)
      %dma_wait3A = arith.constant 0 : i32
      %dma_wait3A_32 = tpu.memref_slice %arg14[%multiple_of3A, %dma_wait3A] : memref<10112x128xf32, #tpu.memory_space<vmem_shared>> -> memref<632x128xf32, #tpu.memory_space<vmem_shared>>
      %dma_wait3A_33 = arith.constant 0 : i32
      %dma_wait3A_34 = tpu.memref_slice %arg6[%multiple_of3A, %dma_wait3A_33] : memref<10112x128xf32, #tpu.memory_space<hbm>> -> memref<632x128xf32, #tpu.memory_space<hbm>>
      tpu.wait_dma2 semaphore(%run_scoped3A : memref<!tpu.dma_semaphore, #tpu.memory_space<semaphore_mem>>) src(%dma_wait3A_34 : memref<632x128xf32, #tpu.memory_space<hbm>>) dst(%dma_wait3A_32 : memref<632x128xf32, #tpu.memory_space<vmem_shared>>)
      tpu.yield
    }) : () -> ()
    %mul3A_1 = arith.constant 160 : i32
    %mul3A_2 = arith.muli %arg1, %mul3A_1 : i32
    %barrier3A = arith.constant 0 : index
    tpu.barrier barrier_id(%barrier3A)
    %multiple_of3A_3 = tpu.assume_multiple %mul3A_2, 8 : i32
    "tpu.region"() ({
      %run_scoped3A = tpu.sem_alloc : memref<!tpu.dma_semaphore, #tpu.memory_space<semaphore_mem>>
      %dma_start3A = arith.constant 0 : i32
      %dma_start3A_29 = tpu.memref_slice %arg2[%multiple_of3A_3, %dma_start3A] : memref<2560x128xi32, #tpu.memory_space<hbm>> -> memref<16x128xi32, #tpu.memory_space<hbm>>
      %dma_start3A_30 = arith.constant 0 : i32
      %dma_start3A_31 = tpu.memref_slice %arg2[%multiple_of3A_3, %dma_start3A_30] : memref<2560x128xi32, #tpu.memory_space<hbm>> -> memref<16x128xi32, #tpu.memory_space<hbm>>
      tpu.enqueue_dma source(%dma_start3A_31 : memref<16x128xi32, #tpu.memory_space<hbm>>) target(%arg9 : memref<16x128xi32, #tpu.memory_space<vmem>>) target_semaphore(%run_scoped3A : memref<!tpu.dma_semaphore, #tpu.memory_space<semaphore_mem>>)
      %dma_wait3A = arith.constant 0 : i32
      %dma_wait3A_32 = tpu.memref_slice %arg2[%multiple_of3A_3, %dma_wait3A] : memref<2560x128xi32, #tpu.memory_space<hbm>> -> memref<16x128xi32, #tpu.memory_space<hbm>>
      %dma_wait3A_33 = arith.constant 0 : i32
      %dma_wait3A_34 = tpu.memref_slice %arg2[%multiple_of3A_3, %dma_wait3A_33] : memref<2560x128xi32, #tpu.memory_space<hbm>> -> memref<16x128xi32, #tpu.memory_space<hbm>>
      tpu.wait_dma2 semaphore(%run_scoped3A : memref<!tpu.dma_semaphore, #tpu.memory_space<semaphore_mem>>) src(%dma_wait3A_34 : memref<16x128xi32, #tpu.memory_space<hbm>>) dst(%arg9 : memref<16x128xi32, #tpu.memory_space<vmem>>)
      tpu.yield
    }) : () -> ()
    %eq3A = arith.constant 0 : i32
    %eq3A_4 = arith.cmpi eq, %arg0, %eq3A : i32
    %convert_element_type3A = arith.extui %eq3A_4 : i1 to i32
    %cond3A = arith.constant 0 : i32
    %cond3A_5 = arith.constant 0 : i32
    %cond3A_6 = arith.cmpi ne, %convert_element_type3A, %cond3A_5 : i32
    scf.if %cond3A_6 {
      %dma_start3A = arith.constant 0 : i32
      %dma_start3A_29 = tpu.memref_slice %arg9[%cond3A, %dma_start3A] : memref<16x128xi32, #tpu.memory_space<vmem>> -> memref<1x128xi32, #tpu.memory_space<vmem>>
      %dma_start3A_30 = tpu.memref_squeeze %dma_start3A_29 : memref<1x128xi32, #tpu.memory_space<vmem>> -> memref<128xi32, #tpu.memory_space<vmem>>
      %dma_start3A_31 = arith.constant 0 : i32
      %dma_start3A_32 = arith.constant 0 : i32
      %dma_start3A_33 = tpu.memref_slice %arg4[%dma_start3A_31, %dma_start3A_32] : memref<10112x128xf32, #tpu.memory_space<hbm>> -> memref<10112x128xf32, #tpu.memory_space<hbm>>
      tpu.enqueue_indirect_dma source(%dma_start3A_33 : memref<10112x128xf32, #tpu.memory_space<hbm>>) target(%arg12 : memref<128x128xf32, #tpu.memory_space<vmem>>) offsets(%dma_start3A_30 : memref<128xi32, #tpu.memory_space<vmem>>) semaphore(%arg15 : memref<!tpu.dma_semaphore, #tpu.memory_space<semaphore_mem>>)
    } else {
    }
    %eq3A_7 = arith.constant 1 : i32
    %eq3A_8 = arith.cmpi eq, %arg0, %eq3A_7 : i32
    %convert_element_type3A_9 = arith.extui %eq3A_8 : i1 to i32
    %cond3A_10 = arith.constant 0 : i32
    %cond3A_11 = arith.constant 0 : i32
    %cond3A_12 = arith.cmpi ne, %convert_element_type3A_9, %cond3A_11 : i32
    scf.if %cond3A_12 {
      %dma_start3A = arith.constant 0 : i32
      %dma_start3A_29 = tpu.memref_slice %arg9[%cond3A_10, %dma_start3A] : memref<16x128xi32, #tpu.memory_space<vmem>> -> memref<1x128xi32, #tpu.memory_space<vmem>>
      %dma_start3A_30 = tpu.memref_squeeze %dma_start3A_29 : memref<1x128xi32, #tpu.memory_space<vmem>> -> memref<128xi32, #tpu.memory_space<vmem>>
      %dma_start3A_31 = arith.constant 0 : i32
      %dma_start3A_32 = arith.constant 0 : i32
      %dma_start3A_33 = tpu.memref_slice %arg5[%dma_start3A_31, %dma_start3A_32] : memref<10112x128xf32, #tpu.memory_space<hbm>> -> memref<10112x128xf32, #tpu.memory_space<hbm>>
      tpu.enqueue_indirect_dma source(%dma_start3A_33 : memref<10112x128xf32, #tpu.memory_space<hbm>>) target(%arg12 : memref<128x128xf32, #tpu.memory_space<vmem>>) offsets(%dma_start3A_30 : memref<128xi32, #tpu.memory_space<vmem>>) semaphore(%arg15 : memref<!tpu.dma_semaphore, #tpu.memory_space<semaphore_mem>>)
    } else {
    }
    %scan3A = arith.constant 0 : i32
    %scan3A_13 = arith.constant 0 : i32
    %scan3A_14 = arith.constant 160 : i32
    %scan3A_15 = arith.addi %scan3A_13, %scan3A_14 : i32
    %scan3A_16 = arith.constant 1 : i32
    scf.for %scan3A_29 = %scan3A_13 to %scan3A_15 step %scan3A_16  : i32 {
      %add3A = arith.constant 1 : i32
      %add3A_30 = arith.addi %scan3A_29, %add3A : i32
      %lt3A = arith.constant 160 : i32
      %lt3A_31 = arith.cmpi slt, %add3A_30, %lt3A : i32
      %convert_element_type3A_32 = arith.extui %lt3A_31 : i1 to i32
      %cond3A_33 = arith.constant 0 : i32
      %cond3A_34 = arith.cmpi ne, %convert_element_type3A_32, %cond3A_33 : i32
      scf.if %cond3A_34 {
        %jit3A_109 = arith.constant 16 : i32
        %eq3A_110 = arith.constant 0 : i32
        %eq3A_111 = arith.cmpi eq, %jit3A_109, %eq3A_110 : i32
        %jit3A_112 = arith.constant 1 : i32
        %select_n3A_113 = arith.select %eq3A_111, %jit3A_112, %jit3A_109 : i32
        %rem3A_114 = arith.remsi %add3A_30, %select_n3A_113 : i32
        %ne3A_115 = arith.constant 0 : i32
        %ne3A_116 = arith.cmpi ne, %rem3A_114, %ne3A_115 : i32
        %lt3A_117 = arith.constant 0 : i32
        %lt3A_118 = arith.cmpi slt, %rem3A_114, %lt3A_117 : i32
        %lt3A_119 = arith.constant 0 : i32
        %lt3A_120 = arith.cmpi slt, %select_n3A_113, %lt3A_119 : i32
        %ne3A_121 = arith.xori %lt3A_118, %lt3A_120 : i1
        %and3A_122 = arith.andi %ne3A_121, %ne3A_116 : i1
        %add3A_123 = arith.addi %rem3A_114, %select_n3A_113 : i32
        %select_n3A_124 = arith.select %and3A_122, %add3A_123, %rem3A_114 : i32
        %eq3A_125 = arith.constant 0 : i32
        %eq3A_126 = arith.cmpi eq, %select_n3A_124, %eq3A_125 : i32
        %convert_element_type3A_127 = arith.extui %eq3A_126 : i1 to i32
        %cond3A_128 = arith.constant 0 : i32
        %cond3A_129 = arith.cmpi ne, %convert_element_type3A_127, %cond3A_128 : i32
        scf.if %cond3A_129 {
          %jit3A_399 = arith.constant 16 : i32
          %div3A_400 = arith.divsi %add3A_30, %jit3A_399 : i32
          %sign3A_401 = arith.constant 0 : i32
          %sign3A_402 = arith.cmpi sgt, %add3A_30, %sign3A_401 : i32
          %sign3A_403 = arith.extui %sign3A_402 : i1 to i32
          %sign3A_404 = arith.constant 0 : i32
          %sign3A_405 = arith.cmpi slt, %add3A_30, %sign3A_404 : i32
          %sign3A_406 = arith.extui %sign3A_405 : i1 to i32
          %sign3A_407 = arith.subi %sign3A_403, %sign3A_406 : i32
          %sign3A_408 = arith.constant 0 : i32
          %sign3A_409 = arith.cmpi sgt, %jit3A_399, %sign3A_408 : i32
          %sign3A_410 = arith.extui %sign3A_409 : i1 to i32
          %sign3A_411 = arith.constant 0 : i32
          %sign3A_412 = arith.cmpi slt, %jit3A_399, %sign3A_411 : i32
          %sign3A_413 = arith.extui %sign3A_412 : i1 to i32
          %sign3A_414 = arith.subi %sign3A_410, %sign3A_413 : i32
          %ne3A_415 = arith.cmpi ne, %sign3A_407, %sign3A_414 : i32
          %rem3A_416 = arith.remsi %add3A_30, %jit3A_399 : i32
          %ne3A_417 = arith.constant 0 : i32
          %ne3A_418 = arith.cmpi ne, %rem3A_416, %ne3A_417 : i32
          %and3A_419 = arith.andi %ne3A_415, %ne3A_418 : i1
          %sub3A_420 = arith.constant 1 : i32
          %sub3A_421 = arith.subi %div3A_400, %sub3A_420 : i32
          %select_n3A_422 = arith.select %and3A_419, %sub3A_421, %div3A_400 : i32
          %jit3A_423 = arith.constant 2 : i32
          %eq3A_424 = arith.constant 0 : i32
          %eq3A_425 = arith.cmpi eq, %jit3A_423, %eq3A_424 : i32
          %jit3A_426 = arith.constant 1 : i32
          %select_n3A_427 = arith.select %eq3A_425, %jit3A_426, %jit3A_423 : i32
          %rem3A_428 = arith.remsi %select_n3A_422, %select_n3A_427 : i32
          %ne3A_429 = arith.constant 0 : i32
          %ne3A_430 = arith.cmpi ne, %rem3A_428, %ne3A_429 : i32
          %lt3A_431 = arith.constant 0 : i32
          %lt3A_432 = arith.cmpi slt, %rem3A_428, %lt3A_431 : i32
          %lt3A_433 = arith.constant 0 : i32
          %lt3A_434 = arith.cmpi slt, %select_n3A_427, %lt3A_433 : i32
          %ne3A_435 = arith.xori %lt3A_432, %lt3A_434 : i1
          %and3A_436 = arith.andi %ne3A_435, %ne3A_430 : i1
          %add3A_437 = arith.addi %rem3A_428, %select_n3A_427 : i32
          %select_n3A_438 = arith.select %and3A_436, %add3A_437, %rem3A_428 : i32
          %eq3A_439 = arith.constant 0 : i32
          %eq3A_440 = arith.cmpi eq, %select_n3A_438, %eq3A_439 : i32
          %convert_element_type3A_441 = arith.extui %eq3A_440 : i1 to i32
          %cond3A_442 = arith.constant 0 : i32
          %cond3A_443 = arith.cmpi ne, %convert_element_type3A_441, %cond3A_442 : i32
          scf.if %cond3A_443 {
            %add3A_489 = arith.addi %mul3A_2, %add3A_30 : i32
            %multiple_of3A_490 = tpu.assume_multiple %add3A_489, 8 : i32
            "tpu.region"() ({
              %run_scoped3A = tpu.sem_alloc : memref<!tpu.dma_semaphore, #tpu.memory_space<semaphore_mem>>
              %dma_start3A = arith.constant 0 : i32
              %dma_start3A_491 = tpu.memref_slice %arg2[%multiple_of3A_490, %dma_start3A] : memref<2560x128xi32, #tpu.memory_space<hbm>> -> memref<16x128xi32, #tpu.memory_space<hbm>>
              %dma_start3A_492 = arith.constant 0 : i32
              %dma_start3A_493 = tpu.memref_slice %arg2[%multiple_of3A_490, %dma_start3A_492] : memref<2560x128xi32, #tpu.memory_space<hbm>> -> memref<16x128xi32, #tpu.memory_space<hbm>>
              tpu.enqueue_dma source(%dma_start3A_493 : memref<16x128xi32, #tpu.memory_space<hbm>>) target(%arg9 : memref<16x128xi32, #tpu.memory_space<vmem>>) target_semaphore(%run_scoped3A : memref<!tpu.dma_semaphore, #tpu.memory_space<semaphore_mem>>)
              %dma_wait3A = arith.constant 0 : i32
              %dma_wait3A_494 = tpu.memref_slice %arg2[%multiple_of3A_490, %dma_wait3A] : memref<2560x128xi32, #tpu.memory_space<hbm>> -> memref<16x128xi32, #tpu.memory_space<hbm>>
              %dma_wait3A_495 = arith.constant 0 : i32
              %dma_wait3A_496 = tpu.memref_slice %arg2[%multiple_of3A_490, %dma_wait3A_495] : memref<2560x128xi32, #tpu.memory_space<hbm>> -> memref<16x128xi32, #tpu.memory_space<hbm>>
              tpu.wait_dma2 semaphore(%run_scoped3A : memref<!tpu.dma_semaphore, #tpu.memory_space<semaphore_mem>>) src(%dma_wait3A_496 : memref<16x128xi32, #tpu.memory_space<hbm>>) dst(%arg9 : memref<16x128xi32, #tpu.memory_space<vmem>>)
              tpu.yield
            }) : () -> ()
          } else {
          }
          %jit3A_444 = arith.constant 16 : i32
          %div3A_445 = arith.divsi %add3A_30, %jit3A_444 : i32
          %sign3A_446 = arith.constant 0 : i32
          %sign3A_447 = arith.cmpi sgt, %add3A_30, %sign3A_446 : i32
          %sign3A_448 = arith.extui %sign3A_447 : i1 to i32
          %sign3A_449 = arith.constant 0 : i32
          %sign3A_450 = arith.cmpi slt, %add3A_30, %sign3A_449 : i32
          %sign3A_451 = arith.extui %sign3A_450 : i1 to i32
          %sign3A_452 = arith.subi %sign3A_448, %sign3A_451 : i32
          %sign3A_453 = arith.constant 0 : i32
          %sign3A_454 = arith.cmpi sgt, %jit3A_444, %sign3A_453 : i32
          %sign3A_455 = arith.extui %sign3A_454 : i1 to i32
          %sign3A_456 = arith.constant 0 : i32
          %sign3A_457 = arith.cmpi slt, %jit3A_444, %sign3A_456 : i32
          %sign3A_458 = arith.extui %sign3A_457 : i1 to i32
          %sign3A_459 = arith.subi %sign3A_455, %sign3A_458 : i32
          %ne3A_460 = arith.cmpi ne, %sign3A_452, %sign3A_459 : i32
          %rem3A_461 = arith.remsi %add3A_30, %jit3A_444 : i32
          %ne3A_462 = arith.constant 0 : i32
          %ne3A_463 = arith.cmpi ne, %rem3A_461, %ne3A_462 : i32
          %and3A_464 = arith.andi %ne3A_460, %ne3A_463 : i1
          %sub3A_465 = arith.constant 1 : i32
          %sub3A_466 = arith.subi %div3A_445, %sub3A_465 : i32
          %select_n3A_467 = arith.select %and3A_464, %sub3A_466, %div3A_445 : i32
          %jit3A_468 = arith.constant 2 : i32
          %eq3A_469 = arith.constant 0 : i32
          %eq3A_470 = arith.cmpi eq, %jit3A_468, %eq3A_469 : i32
          %jit3A_471 = arith.constant 1 : i32
          %select_n3A_472 = arith.select %eq3A_470, %jit3A_471, %jit3A_468 : i32
          %rem3A_473 = arith.remsi %select_n3A_467, %select_n3A_472 : i32
          %ne3A_474 = arith.constant 0 : i32
          %ne3A_475 = arith.cmpi ne, %rem3A_473, %ne3A_474 : i32
          %lt3A_476 = arith.constant 0 : i32
          %lt3A_477 = arith.cmpi slt, %rem3A_473, %lt3A_476 : i32
          %lt3A_478 = arith.constant 0 : i32
          %lt3A_479 = arith.cmpi slt, %select_n3A_472, %lt3A_478 : i32
          %ne3A_480 = arith.xori %lt3A_477, %lt3A_479 : i1
          %and3A_481 = arith.andi %ne3A_480, %ne3A_475 : i1
          %add3A_482 = arith.addi %rem3A_473, %select_n3A_472 : i32
          %select_n3A_483 = arith.select %and3A_481, %add3A_482, %rem3A_473 : i32
          %eq3A_484 = arith.constant 1 : i32
          %eq3A_485 = arith.cmpi eq, %select_n3A_483, %eq3A_484 : i32
          %convert_element_type3A_486 = arith.extui %eq3A_485 : i1 to i32
          %cond3A_487 = arith.constant 0 : i32
          %cond3A_488 = arith.cmpi ne, %convert_element_type3A_486, %cond3A_487 : i32
          scf.if %cond3A_488 {
            %add3A_489 = arith.addi %mul3A_2, %add3A_30 : i32
            %multiple_of3A_490 = tpu.assume_multiple %add3A_489, 8 : i32
            "tpu.region"() ({
              %run_scoped3A = tpu.sem_alloc : memref<!tpu.dma_semaphore, #tpu.memory_space<semaphore_mem>>
              %dma_start3A = arith.constant 0 : i32
              %dma_start3A_491 = tpu.memref_slice %arg2[%multiple_of3A_490, %dma_start3A] : memref<2560x128xi32, #tpu.memory_space<hbm>> -> memref<16x128xi32, #tpu.memory_space<hbm>>
              %dma_start3A_492 = arith.constant 0 : i32
              %dma_start3A_493 = tpu.memref_slice %arg2[%multiple_of3A_490, %dma_start3A_492] : memref<2560x128xi32, #tpu.memory_space<hbm>> -> memref<16x128xi32, #tpu.memory_space<hbm>>
              tpu.enqueue_dma source(%dma_start3A_493 : memref<16x128xi32, #tpu.memory_space<hbm>>) target(%arg10 : memref<16x128xi32, #tpu.memory_space<vmem>>) target_semaphore(%run_scoped3A : memref<!tpu.dma_semaphore, #tpu.memory_space<semaphore_mem>>)
              %dma_wait3A = arith.constant 0 : i32
              %dma_wait3A_494 = tpu.memref_slice %arg2[%multiple_of3A_490, %dma_wait3A] : memref<2560x128xi32, #tpu.memory_space<hbm>> -> memref<16x128xi32, #tpu.memory_space<hbm>>
              %dma_wait3A_495 = arith.constant 0 : i32
              %dma_wait3A_496 = tpu.memref_slice %arg2[%multiple_of3A_490, %dma_wait3A_495] : memref<2560x128xi32, #tpu.memory_space<hbm>> -> memref<16x128xi32, #tpu.memory_space<hbm>>
              tpu.wait_dma2 semaphore(%run_scoped3A : memref<!tpu.dma_semaphore, #tpu.memory_space<semaphore_mem>>) src(%dma_wait3A_496 : memref<16x128xi32, #tpu.memory_space<hbm>>) dst(%arg10 : memref<16x128xi32, #tpu.memory_space<vmem>>)
              tpu.yield
            }) : () -> ()
          } else {
          }
        } else {
        }
        %jit3A_130 = arith.constant 16 : i32
        %eq3A_131 = arith.constant 0 : i32
        %eq3A_132 = arith.cmpi eq, %jit3A_130, %eq3A_131 : i32
        %jit3A_133 = arith.constant 1 : i32
        %select_n3A_134 = arith.select %eq3A_132, %jit3A_133, %jit3A_130 : i32
        %rem3A_135 = arith.remsi %add3A_30, %select_n3A_134 : i32
        %ne3A_136 = arith.constant 0 : i32
        %ne3A_137 = arith.cmpi ne, %rem3A_135, %ne3A_136 : i32
        %lt3A_138 = arith.constant 0 : i32
        %lt3A_139 = arith.cmpi slt, %rem3A_135, %lt3A_138 : i32
        %lt3A_140 = arith.constant 0 : i32
        %lt3A_141 = arith.cmpi slt, %select_n3A_134, %lt3A_140 : i32
        %ne3A_142 = arith.xori %lt3A_139, %lt3A_141 : i1
        %and3A_143 = arith.andi %ne3A_142, %ne3A_137 : i1
        %add3A_144 = arith.addi %rem3A_135, %select_n3A_134 : i32
        %select_n3A_145 = arith.select %and3A_143, %add3A_144, %rem3A_135 : i32
        %jit3A_146 = arith.constant 16 : i32
        %div3A = arith.divsi %add3A_30, %jit3A_146 : i32
        %sign3A = arith.constant 0 : i32
        %sign3A_147 = arith.cmpi sgt, %add3A_30, %sign3A : i32
        %sign3A_148 = arith.extui %sign3A_147 : i1 to i32
        %sign3A_149 = arith.constant 0 : i32
        %sign3A_150 = arith.cmpi slt, %add3A_30, %sign3A_149 : i32
        %sign3A_151 = arith.extui %sign3A_150 : i1 to i32
        %sign3A_152 = arith.subi %sign3A_148, %sign3A_151 : i32
        %sign3A_153 = arith.constant 0 : i32
        %sign3A_154 = arith.cmpi sgt, %jit3A_146, %sign3A_153 : i32
        %sign3A_155 = arith.extui %sign3A_154 : i1 to i32
        %sign3A_156 = arith.constant 0 : i32
        %sign3A_157 = arith.cmpi slt, %jit3A_146, %sign3A_156 : i32
        %sign3A_158 = arith.extui %sign3A_157 : i1 to i32
        %sign3A_159 = arith.subi %sign3A_155, %sign3A_158 : i32
        %ne3A_160 = arith.cmpi ne, %sign3A_152, %sign3A_159 : i32
        %rem3A_161 = arith.remsi %add3A_30, %jit3A_146 : i32
        %ne3A_162 = arith.constant 0 : i32
        %ne3A_163 = arith.cmpi ne, %rem3A_161, %ne3A_162 : i32
        %and3A_164 = arith.andi %ne3A_160, %ne3A_163 : i1
        %sub3A = arith.constant 1 : i32
        %sub3A_165 = arith.subi %div3A, %sub3A : i32
        %select_n3A_166 = arith.select %and3A_164, %sub3A_165, %div3A : i32
        %jit3A_167 = arith.constant 2 : i32
        %eq3A_168 = arith.constant 0 : i32
        %eq3A_169 = arith.cmpi eq, %jit3A_167, %eq3A_168 : i32
        %jit3A_170 = arith.constant 1 : i32
        %select_n3A_171 = arith.select %eq3A_169, %jit3A_170, %jit3A_167 : i32
        %rem3A_172 = arith.remsi %select_n3A_166, %select_n3A_171 : i32
        %ne3A_173 = arith.constant 0 : i32
        %ne3A_174 = arith.cmpi ne, %rem3A_172, %ne3A_173 : i32
        %lt3A_175 = arith.constant 0 : i32
        %lt3A_176 = arith.cmpi slt, %rem3A_172, %lt3A_175 : i32
        %lt3A_177 = arith.constant 0 : i32
        %lt3A_178 = arith.cmpi slt, %select_n3A_171, %lt3A_177 : i32
        %ne3A_179 = arith.xori %lt3A_176, %lt3A_178 : i1
        %and3A_180 = arith.andi %ne3A_179, %ne3A_174 : i1
        %add3A_181 = arith.addi %rem3A_172, %select_n3A_171 : i32
        %select_n3A_182 = arith.select %and3A_180, %add3A_181, %rem3A_172 : i32
        %eq3A_183 = arith.constant 0 : i32
        %eq3A_184 = arith.cmpi eq, %select_n3A_182, %eq3A_183 : i32
        %jit3A_185 = arith.constant 2 : i32
        %eq3A_186 = arith.constant 0 : i32
        %eq3A_187 = arith.cmpi eq, %jit3A_185, %eq3A_186 : i32
        %jit3A_188 = arith.constant 1 : i32
        %select_n3A_189 = arith.select %eq3A_187, %jit3A_188, %jit3A_185 : i32
        %rem3A_190 = arith.remsi %add3A_30, %select_n3A_189 : i32
        %ne3A_191 = arith.constant 0 : i32
        %ne3A_192 = arith.cmpi ne, %rem3A_190, %ne3A_191 : i32
        %lt3A_193 = arith.constant 0 : i32
        %lt3A_194 = arith.cmpi slt, %rem3A_190, %lt3A_193 : i32
        %lt3A_195 = arith.constant 0 : i32
        %lt3A_196 = arith.cmpi slt, %select_n3A_189, %lt3A_195 : i32
        %ne3A_197 = arith.xori %lt3A_194, %lt3A_196 : i1
        %and3A_198 = arith.andi %ne3A_197, %ne3A_192 : i1
        %add3A_199 = arith.addi %rem3A_190, %select_n3A_189 : i32
        %select_n3A_200 = arith.select %and3A_198, %add3A_199, %rem3A_190 : i32
        %eq3A_201 = arith.constant 0 : i32
        %eq3A_202 = arith.cmpi eq, %select_n3A_200, %eq3A_201 : i32
        %and3A_203 = arith.andi %eq3A_184, %eq3A_202 : i1
        %convert_element_type3A_204 = arith.extui %and3A_203 : i1 to i32
        %cond3A_205 = arith.constant 0 : i32
        %cond3A_206 = arith.cmpi ne, %convert_element_type3A_204, %cond3A_205 : i32
        scf.if %cond3A_206 {
          %eq3A_399 = arith.constant 0 : i32
          %eq3A_400 = arith.cmpi eq, %arg0, %eq3A_399 : i32
          %convert_element_type3A_401 = arith.extui %eq3A_400 : i1 to i32
          %cond3A_402 = arith.constant 0 : i32
          %cond3A_403 = arith.cmpi ne, %convert_element_type3A_401, %cond3A_402 : i32
          scf.if %cond3A_403 {
            %dma_start3A = arith.constant 0 : i32
            %dma_start3A_409 = tpu.memref_slice %arg9[%select_n3A_145, %dma_start3A] : memref<16x128xi32, #tpu.memory_space<vmem>> -> memref<1x128xi32, #tpu.memory_space<vmem>>
            %dma_start3A_410 = tpu.memref_squeeze %dma_start3A_409 : memref<1x128xi32, #tpu.memory_space<vmem>> -> memref<128xi32, #tpu.memory_space<vmem>>
            %dma_start3A_411 = arith.constant 0 : i32
            %dma_start3A_412 = arith.constant 0 : i32
            %dma_start3A_413 = tpu.memref_slice %arg4[%dma_start3A_411, %dma_start3A_412] : memref<10112x128xf32, #tpu.memory_space<hbm>> -> memref<10112x128xf32, #tpu.memory_space<hbm>>
            tpu.enqueue_indirect_dma source(%dma_start3A_413 : memref<10112x128xf32, #tpu.memory_space<hbm>>) target(%arg12 : memref<128x128xf32, #tpu.memory_space<vmem>>) offsets(%dma_start3A_410 : memref<128xi32, #tpu.memory_space<vmem>>) semaphore(%arg15 : memref<!tpu.dma_semaphore, #tpu.memory_space<semaphore_mem>>)
          } else {
          }
          %eq3A_404 = arith.constant 1 : i32
          %eq3A_405 = arith.cmpi eq, %arg0, %eq3A_404 : i32
          %convert_element_type3A_406 = arith.extui %eq3A_405 : i1 to i32
          %cond3A_407 = arith.constant 0 : i32
          %cond3A_408 = arith.cmpi ne, %convert_element_type3A_406, %cond3A_407 : i32
          scf.if %cond3A_408 {
            %dma_start3A = arith.constant 0 : i32
            %dma_start3A_409 = tpu.memref_slice %arg9[%select_n3A_145, %dma_start3A] : memref<16x128xi32, #tpu.memory_space<vmem>> -> memref<1x128xi32, #tpu.memory_space<vmem>>
            %dma_start3A_410 = tpu.memref_squeeze %dma_start3A_409 : memref<1x128xi32, #tpu.memory_space<vmem>> -> memref<128xi32, #tpu.memory_space<vmem>>
            %dma_start3A_411 = arith.constant 0 : i32
            %dma_start3A_412 = arith.constant 0 : i32
            %dma_start3A_413 = tpu.memref_slice %arg5[%dma_start3A_411, %dma_start3A_412] : memref<10112x128xf32, #tpu.memory_space<hbm>> -> memref<10112x128xf32, #tpu.memory_space<hbm>>
            tpu.enqueue_indirect_dma source(%dma_start3A_413 : memref<10112x128xf32, #tpu.memory_space<hbm>>) target(%arg12 : memref<128x128xf32, #tpu.memory_space<vmem>>) offsets(%dma_start3A_410 : memref<128xi32, #tpu.memory_space<vmem>>) semaphore(%arg15 : memref<!tpu.dma_semaphore, #tpu.memory_space<semaphore_mem>>)
          } else {
          }
        } else {
        }
        %jit3A_207 = arith.constant 16 : i32
        %div3A_208 = arith.divsi %add3A_30, %jit3A_207 : i32
        %sign3A_209 = arith.constant 0 : i32
        %sign3A_210 = arith.cmpi sgt, %add3A_30, %sign3A_209 : i32
        %sign3A_211 = arith.extui %sign3A_210 : i1 to i32
        %sign3A_212 = arith.constant 0 : i32
        %sign3A_213 = arith.cmpi slt, %add3A_30, %sign3A_212 : i32
        %sign3A_214 = arith.extui %sign3A_213 : i1 to i32
        %sign3A_215 = arith.subi %sign3A_211, %sign3A_214 : i32
        %sign3A_216 = arith.constant 0 : i32
        %sign3A_217 = arith.cmpi sgt, %jit3A_207, %sign3A_216 : i32
        %sign3A_218 = arith.extui %sign3A_217 : i1 to i32
        %sign3A_219 = arith.constant 0 : i32
        %sign3A_220 = arith.cmpi slt, %jit3A_207, %sign3A_219 : i32
        %sign3A_221 = arith.extui %sign3A_220 : i1 to i32
        %sign3A_222 = arith.subi %sign3A_218, %sign3A_221 : i32
        %ne3A_223 = arith.cmpi ne, %sign3A_215, %sign3A_222 : i32
        %rem3A_224 = arith.remsi %add3A_30, %jit3A_207 : i32
        %ne3A_225 = arith.constant 0 : i32
        %ne3A_226 = arith.cmpi ne, %rem3A_224, %ne3A_225 : i32
        %and3A_227 = arith.andi %ne3A_223, %ne3A_226 : i1
        %sub3A_228 = arith.constant 1 : i32
        %sub3A_229 = arith.subi %div3A_208, %sub3A_228 : i32
        %select_n3A_230 = arith.select %and3A_227, %sub3A_229, %div3A_208 : i32
        %jit3A_231 = arith.constant 2 : i32
        %eq3A_232 = arith.constant 0 : i32
        %eq3A_233 = arith.cmpi eq, %jit3A_231, %eq3A_232 : i32
        %jit3A_234 = arith.constant 1 : i32
        %select_n3A_235 = arith.select %eq3A_233, %jit3A_234, %jit3A_231 : i32
        %rem3A_236 = arith.remsi %select_n3A_230, %select_n3A_235 : i32
        %ne3A_237 = arith.constant 0 : i32
        %ne3A_238 = arith.cmpi ne, %rem3A_236, %ne3A_237 : i32
        %lt3A_239 = arith.constant 0 : i32
        %lt3A_240 = arith.cmpi slt, %rem3A_236, %lt3A_239 : i32
        %lt3A_241 = arith.constant 0 : i32
        %lt3A_242 = arith.cmpi slt, %select_n3A_235, %lt3A_241 : i32
        %ne3A_243 = arith.xori %lt3A_240, %lt3A_242 : i1
        %and3A_244 = arith.andi %ne3A_243, %ne3A_238 : i1
        %add3A_245 = arith.addi %rem3A_236, %select_n3A_235 : i32
        %select_n3A_246 = arith.select %and3A_244, %add3A_245, %rem3A_236 : i32
        %eq3A_247 = arith.constant 0 : i32
        %eq3A_248 = arith.cmpi eq, %select_n3A_246, %eq3A_247 : i32
        %jit3A_249 = arith.constant 2 : i32
        %eq3A_250 = arith.constant 0 : i32
        %eq3A_251 = arith.cmpi eq, %jit3A_249, %eq3A_250 : i32
        %jit3A_252 = arith.constant 1 : i32
        %select_n3A_253 = arith.select %eq3A_251, %jit3A_252, %jit3A_249 : i32
        %rem3A_254 = arith.remsi %add3A_30, %select_n3A_253 : i32
        %ne3A_255 = arith.constant 0 : i32
        %ne3A_256 = arith.cmpi ne, %rem3A_254, %ne3A_255 : i32
        %lt3A_257 = arith.constant 0 : i32
        %lt3A_258 = arith.cmpi slt, %rem3A_254, %lt3A_257 : i32
        %lt3A_259 = arith.constant 0 : i32
        %lt3A_260 = arith.cmpi slt, %select_n3A_253, %lt3A_259 : i32
        %ne3A_261 = arith.xori %lt3A_258, %lt3A_260 : i1
        %and3A_262 = arith.andi %ne3A_261, %ne3A_256 : i1
        %add3A_263 = arith.addi %rem3A_254, %select_n3A_253 : i32
        %select_n3A_264 = arith.select %and3A_262, %add3A_263, %rem3A_254 : i32
        %eq3A_265 = arith.constant 1 : i32
        %eq3A_266 = arith.cmpi eq, %select_n3A_264, %eq3A_265 : i32
        %and3A_267 = arith.andi %eq3A_248, %eq3A_266 : i1
        %convert_element_type3A_268 = arith.extui %and3A_267 : i1 to i32
        %cond3A_269 = arith.constant 0 : i32
        %cond3A_270 = arith.cmpi ne, %convert_element_type3A_268, %cond3A_269 : i32
        scf.if %cond3A_270 {
          %eq3A_399 = arith.constant 0 : i32
          %eq3A_400 = arith.cmpi eq, %arg0, %eq3A_399 : i32
          %convert_element_type3A_401 = arith.extui %eq3A_400 : i1 to i32
          %cond3A_402 = arith.constant 0 : i32
          %cond3A_403 = arith.cmpi ne, %convert_element_type3A_401, %cond3A_402 : i32
          scf.if %cond3A_403 {
            %dma_start3A = arith.constant 0 : i32
            %dma_start3A_409 = tpu.memref_slice %arg9[%select_n3A_145, %dma_start3A] : memref<16x128xi32, #tpu.memory_space<vmem>> -> memref<1x128xi32, #tpu.memory_space<vmem>>
            %dma_start3A_410 = tpu.memref_squeeze %dma_start3A_409 : memref<1x128xi32, #tpu.memory_space<vmem>> -> memref<128xi32, #tpu.memory_space<vmem>>
            %dma_start3A_411 = arith.constant 0 : i32
            %dma_start3A_412 = arith.constant 0 : i32
            %dma_start3A_413 = tpu.memref_slice %arg4[%dma_start3A_411, %dma_start3A_412] : memref<10112x128xf32, #tpu.memory_space<hbm>> -> memref<10112x128xf32, #tpu.memory_space<hbm>>
            tpu.enqueue_indirect_dma source(%dma_start3A_413 : memref<10112x128xf32, #tpu.memory_space<hbm>>) target(%arg13 : memref<128x128xf32, #tpu.memory_space<vmem>>) offsets(%dma_start3A_410 : memref<128xi32, #tpu.memory_space<vmem>>) semaphore(%arg16 : memref<!tpu.dma_semaphore, #tpu.memory_space<semaphore_mem>>)
          } else {
          }
          %eq3A_404 = arith.constant 1 : i32
          %eq3A_405 = arith.cmpi eq, %arg0, %eq3A_404 : i32
          %convert_element_type3A_406 = arith.extui %eq3A_405 : i1 to i32
          %cond3A_407 = arith.constant 0 : i32
          %cond3A_408 = arith.cmpi ne, %convert_element_type3A_406, %cond3A_407 : i32
          scf.if %cond3A_408 {
            %dma_start3A = arith.constant 0 : i32
            %dma_start3A_409 = tpu.memref_slice %arg9[%select_n3A_145, %dma_start3A] : memref<16x128xi32, #tpu.memory_space<vmem>> -> memref<1x128xi32, #tpu.memory_space<vmem>>
            %dma_start3A_410 = tpu.memref_squeeze %dma_start3A_409 : memref<1x128xi32, #tpu.memory_space<vmem>> -> memref<128xi32, #tpu.memory_space<vmem>>
            %dma_start3A_411 = arith.constant 0 : i32
            %dma_start3A_412 = arith.constant 0 : i32
            %dma_start3A_413 = tpu.memref_slice %arg5[%dma_start3A_411, %dma_start3A_412] : memref<10112x128xf32, #tpu.memory_space<hbm>> -> memref<10112x128xf32, #tpu.memory_space<hbm>>
            tpu.enqueue_indirect_dma source(%dma_start3A_413 : memref<10112x128xf32, #tpu.memory_space<hbm>>) target(%arg13 : memref<128x128xf32, #tpu.memory_space<vmem>>) offsets(%dma_start3A_410 : memref<128xi32, #tpu.memory_space<vmem>>) semaphore(%arg16 : memref<!tpu.dma_semaphore, #tpu.memory_space<semaphore_mem>>)
          } else {
          }
        } else {
        }
        %jit3A_271 = arith.constant 16 : i32
        %div3A_272 = arith.divsi %add3A_30, %jit3A_271 : i32
        %sign3A_273 = arith.constant 0 : i32
        %sign3A_274 = arith.cmpi sgt, %add3A_30, %sign3A_273 : i32
        %sign3A_275 = arith.extui %sign3A_274 : i1 to i32
        %sign3A_276 = arith.constant 0 : i32
        %sign3A_277 = arith.cmpi slt, %add3A_30, %sign3A_276 : i32
        %sign3A_278 = arith.extui %sign3A_277 : i1 to i32
        %sign3A_279 = arith.subi %sign3A_275, %sign3A_278 : i32
        %sign3A_280 = arith.constant 0 : i32
        %sign3A_281 = arith.cmpi sgt, %jit3A_271, %sign3A_280 : i32
        %sign3A_282 = arith.extui %sign3A_281 : i1 to i32
        %sign3A_283 = arith.constant 0 : i32
        %sign3A_284 = arith.cmpi slt, %jit3A_271, %sign3A_283 : i32
        %sign3A_285 = arith.extui %sign3A_284 : i1 to i32
        %sign3A_286 = arith.subi %sign3A_282, %sign3A_285 : i32
        %ne3A_287 = arith.cmpi ne, %sign3A_279, %sign3A_286 : i32
        %rem3A_288 = arith.remsi %add3A_30, %jit3A_271 : i32
        %ne3A_289 = arith.constant 0 : i32
        %ne3A_290 = arith.cmpi ne, %rem3A_288, %ne3A_289 : i32
        %and3A_291 = arith.andi %ne3A_287, %ne3A_290 : i1
        %sub3A_292 = arith.constant 1 : i32
        %sub3A_293 = arith.subi %div3A_272, %sub3A_292 : i32
        %select_n3A_294 = arith.select %and3A_291, %sub3A_293, %div3A_272 : i32
        %jit3A_295 = arith.constant 2 : i32
        %eq3A_296 = arith.constant 0 : i32
        %eq3A_297 = arith.cmpi eq, %jit3A_295, %eq3A_296 : i32
        %jit3A_298 = arith.constant 1 : i32
        %select_n3A_299 = arith.select %eq3A_297, %jit3A_298, %jit3A_295 : i32
        %rem3A_300 = arith.remsi %select_n3A_294, %select_n3A_299 : i32
        %ne3A_301 = arith.constant 0 : i32
        %ne3A_302 = arith.cmpi ne, %rem3A_300, %ne3A_301 : i32
        %lt3A_303 = arith.constant 0 : i32
        %lt3A_304 = arith.cmpi slt, %rem3A_300, %lt3A_303 : i32
        %lt3A_305 = arith.constant 0 : i32
        %lt3A_306 = arith.cmpi slt, %select_n3A_299, %lt3A_305 : i32
        %ne3A_307 = arith.xori %lt3A_304, %lt3A_306 : i1
        %and3A_308 = arith.andi %ne3A_307, %ne3A_302 : i1
        %add3A_309 = arith.addi %rem3A_300, %select_n3A_299 : i32
        %select_n3A_310 = arith.select %and3A_308, %add3A_309, %rem3A_300 : i32
        %eq3A_311 = arith.constant 1 : i32
        %eq3A_312 = arith.cmpi eq, %select_n3A_310, %eq3A_311 : i32
        %jit3A_313 = arith.constant 2 : i32
        %eq3A_314 = arith.constant 0 : i32
        %eq3A_315 = arith.cmpi eq, %jit3A_313, %eq3A_314 : i32
        %jit3A_316 = arith.constant 1 : i32
        %select_n3A_317 = arith.select %eq3A_315, %jit3A_316, %jit3A_313 : i32
        %rem3A_318 = arith.remsi %add3A_30, %select_n3A_317 : i32
        %ne3A_319 = arith.constant 0 : i32
        %ne3A_320 = arith.cmpi ne, %rem3A_318, %ne3A_319 : i32
        %lt3A_321 = arith.constant 0 : i32
        %lt3A_322 = arith.cmpi slt, %rem3A_318, %lt3A_321 : i32
        %lt3A_323 = arith.constant 0 : i32
        %lt3A_324 = arith.cmpi slt, %select_n3A_317, %lt3A_323 : i32
        %ne3A_325 = arith.xori %lt3A_322, %lt3A_324 : i1
        %and3A_326 = arith.andi %ne3A_325, %ne3A_320 : i1
        %add3A_327 = arith.addi %rem3A_318, %select_n3A_317 : i32
        %select_n3A_328 = arith.select %and3A_326, %add3A_327, %rem3A_318 : i32
        %eq3A_329 = arith.constant 0 : i32
        %eq3A_330 = arith.cmpi eq, %select_n3A_328, %eq3A_329 : i32
        %and3A_331 = arith.andi %eq3A_312, %eq3A_330 : i1
        %convert_element_type3A_332 = arith.extui %and3A_331 : i1 to i32
        %cond3A_333 = arith.constant 0 : i32
        %cond3A_334 = arith.cmpi ne, %convert_element_type3A_332, %cond3A_333 : i32
        scf.if %cond3A_334 {
          %eq3A_399 = arith.constant 0 : i32
          %eq3A_400 = arith.cmpi eq, %arg0, %eq3A_399 : i32
          %convert_element_type3A_401 = arith.extui %eq3A_400 : i1 to i32
          %cond3A_402 = arith.constant 0 : i32
          %cond3A_403 = arith.cmpi ne, %convert_element_type3A_401, %cond3A_402 : i32
          scf.if %cond3A_403 {
            %dma_start3A = arith.constant 0 : i32
            %dma_start3A_409 = tpu.memref_slice %arg10[%select_n3A_145, %dma_start3A] : memref<16x128xi32, #tpu.memory_space<vmem>> -> memref<1x128xi32, #tpu.memory_space<vmem>>
            %dma_start3A_410 = tpu.memref_squeeze %dma_start3A_409 : memref<1x128xi32, #tpu.memory_space<vmem>> -> memref<128xi32, #tpu.memory_space<vmem>>
            %dma_start3A_411 = arith.constant 0 : i32
            %dma_start3A_412 = arith.constant 0 : i32
            %dma_start3A_413 = tpu.memref_slice %arg4[%dma_start3A_411, %dma_start3A_412] : memref<10112x128xf32, #tpu.memory_space<hbm>> -> memref<10112x128xf32, #tpu.memory_space<hbm>>
            tpu.enqueue_indirect_dma source(%dma_start3A_413 : memref<10112x128xf32, #tpu.memory_space<hbm>>) target(%arg12 : memref<128x128xf32, #tpu.memory_space<vmem>>) offsets(%dma_start3A_410 : memref<128xi32, #tpu.memory_space<vmem>>) semaphore(%arg15 : memref<!tpu.dma_semaphore, #tpu.memory_space<semaphore_mem>>)
          } else {
          }
          %eq3A_404 = arith.constant 1 : i32
          %eq3A_405 = arith.cmpi eq, %arg0, %eq3A_404 : i32
          %convert_element_type3A_406 = arith.extui %eq3A_405 : i1 to i32
          %cond3A_407 = arith.constant 0 : i32
          %cond3A_408 = arith.cmpi ne, %convert_element_type3A_406, %cond3A_407 : i32
          scf.if %cond3A_408 {
            %dma_start3A = arith.constant 0 : i32
            %dma_start3A_409 = tpu.memref_slice %arg10[%select_n3A_145, %dma_start3A] : memref<16x128xi32, #tpu.memory_space<vmem>> -> memref<1x128xi32, #tpu.memory_space<vmem>>
            %dma_start3A_410 = tpu.memref_squeeze %dma_start3A_409 : memref<1x128xi32, #tpu.memory_space<vmem>> -> memref<128xi32, #tpu.memory_space<vmem>>
            %dma_start3A_411 = arith.constant 0 : i32
            %dma_start3A_412 = arith.constant 0 : i32
            %dma_start3A_413 = tpu.memref_slice %arg5[%dma_start3A_411, %dma_start3A_412] : memref<10112x128xf32, #tpu.memory_space<hbm>> -> memref<10112x128xf32, #tpu.memory_space<hbm>>
            tpu.enqueue_indirect_dma source(%dma_start3A_413 : memref<10112x128xf32, #tpu.memory_space<hbm>>) target(%arg12 : memref<128x128xf32, #tpu.memory_space<vmem>>) offsets(%dma_start3A_410 : memref<128xi32, #tpu.memory_space<vmem>>) semaphore(%arg15 : memref<!tpu.dma_semaphore, #tpu.memory_space<semaphore_mem>>)
          } else {
          }
        } else {
        }
        %jit3A_335 = arith.constant 16 : i32
        %div3A_336 = arith.divsi %add3A_30, %jit3A_335 : i32
        %sign3A_337 = arith.constant 0 : i32
        %sign3A_338 = arith.cmpi sgt, %add3A_30, %sign3A_337 : i32
        %sign3A_339 = arith.extui %sign3A_338 : i1 to i32
        %sign3A_340 = arith.constant 0 : i32
        %sign3A_341 = arith.cmpi slt, %add3A_30, %sign3A_340 : i32
        %sign3A_342 = arith.extui %sign3A_341 : i1 to i32
        %sign3A_343 = arith.subi %sign3A_339, %sign3A_342 : i32
        %sign3A_344 = arith.constant 0 : i32
        %sign3A_345 = arith.cmpi sgt, %jit3A_335, %sign3A_344 : i32
        %sign3A_346 = arith.extui %sign3A_345 : i1 to i32
        %sign3A_347 = arith.constant 0 : i32
        %sign3A_348 = arith.cmpi slt, %jit3A_335, %sign3A_347 : i32
        %sign3A_349 = arith.extui %sign3A_348 : i1 to i32
        %sign3A_350 = arith.subi %sign3A_346, %sign3A_349 : i32
        %ne3A_351 = arith.cmpi ne, %sign3A_343, %sign3A_350 : i32
        %rem3A_352 = arith.remsi %add3A_30, %jit3A_335 : i32
        %ne3A_353 = arith.constant 0 : i32
        %ne3A_354 = arith.cmpi ne, %rem3A_352, %ne3A_353 : i32
        %and3A_355 = arith.andi %ne3A_351, %ne3A_354 : i1
        %sub3A_356 = arith.constant 1 : i32
        %sub3A_357 = arith.subi %div3A_336, %sub3A_356 : i32
        %select_n3A_358 = arith.select %and3A_355, %sub3A_357, %div3A_336 : i32
        %jit3A_359 = arith.constant 2 : i32
        %eq3A_360 = arith.constant 0 : i32
        %eq3A_361 = arith.cmpi eq, %jit3A_359, %eq3A_360 : i32
        %jit3A_362 = arith.constant 1 : i32
        %select_n3A_363 = arith.select %eq3A_361, %jit3A_362, %jit3A_359 : i32
        %rem3A_364 = arith.remsi %select_n3A_358, %select_n3A_363 : i32
        %ne3A_365 = arith.constant 0 : i32
        %ne3A_366 = arith.cmpi ne, %rem3A_364, %ne3A_365 : i32
        %lt3A_367 = arith.constant 0 : i32
        %lt3A_368 = arith.cmpi slt, %rem3A_364, %lt3A_367 : i32
        %lt3A_369 = arith.constant 0 : i32
        %lt3A_370 = arith.cmpi slt, %select_n3A_363, %lt3A_369 : i32
        %ne3A_371 = arith.xori %lt3A_368, %lt3A_370 : i1
        %and3A_372 = arith.andi %ne3A_371, %ne3A_366 : i1
        %add3A_373 = arith.addi %rem3A_364, %select_n3A_363 : i32
        %select_n3A_374 = arith.select %and3A_372, %add3A_373, %rem3A_364 : i32
        %eq3A_375 = arith.constant 1 : i32
        %eq3A_376 = arith.cmpi eq, %select_n3A_374, %eq3A_375 : i32
        %jit3A_377 = arith.constant 2 : i32
        %eq3A_378 = arith.constant 0 : i32
        %eq3A_379 = arith.cmpi eq, %jit3A_377, %eq3A_378 : i32
        %jit3A_380 = arith.constant 1 : i32
        %select_n3A_381 = arith.select %eq3A_379, %jit3A_380, %jit3A_377 : i32
        %rem3A_382 = arith.remsi %add3A_30, %select_n3A_381 : i32
        %ne3A_383 = arith.constant 0 : i32
        %ne3A_384 = arith.cmpi ne, %rem3A_382, %ne3A_383 : i32
        %lt3A_385 = arith.constant 0 : i32
        %lt3A_386 = arith.cmpi slt, %rem3A_382, %lt3A_385 : i32
        %lt3A_387 = arith.constant 0 : i32
        %lt3A_388 = arith.cmpi slt, %select_n3A_381, %lt3A_387 : i32
        %ne3A_389 = arith.xori %lt3A_386, %lt3A_388 : i1
        %and3A_390 = arith.andi %ne3A_389, %ne3A_384 : i1
        %add3A_391 = arith.addi %rem3A_382, %select_n3A_381 : i32
        %select_n3A_392 = arith.select %and3A_390, %add3A_391, %rem3A_382 : i32
        %eq3A_393 = arith.constant 1 : i32
        %eq3A_394 = arith.cmpi eq, %select_n3A_392, %eq3A_393 : i32
        %and3A_395 = arith.andi %eq3A_376, %eq3A_394 : i1
        %convert_element_type3A_396 = arith.extui %and3A_395 : i1 to i32
        %cond3A_397 = arith.constant 0 : i32
        %cond3A_398 = arith.cmpi ne, %convert_element_type3A_396, %cond3A_397 : i32
        scf.if %cond3A_398 {
          %eq3A_399 = arith.constant 0 : i32
          %eq3A_400 = arith.cmpi eq, %arg0, %eq3A_399 : i32
          %convert_element_type3A_401 = arith.extui %eq3A_400 : i1 to i32
          %cond3A_402 = arith.constant 0 : i32
          %cond3A_403 = arith.cmpi ne, %convert_element_type3A_401, %cond3A_402 : i32
          scf.if %cond3A_403 {
            %dma_start3A = arith.constant 0 : i32
            %dma_start3A_409 = tpu.memref_slice %arg10[%select_n3A_145, %dma_start3A] : memref<16x128xi32, #tpu.memory_space<vmem>> -> memref<1x128xi32, #tpu.memory_space<vmem>>
            %dma_start3A_410 = tpu.memref_squeeze %dma_start3A_409 : memref<1x128xi32, #tpu.memory_space<vmem>> -> memref<128xi32, #tpu.memory_space<vmem>>
            %dma_start3A_411 = arith.constant 0 : i32
            %dma_start3A_412 = arith.constant 0 : i32
            %dma_start3A_413 = tpu.memref_slice %arg4[%dma_start3A_411, %dma_start3A_412] : memref<10112x128xf32, #tpu.memory_space<hbm>> -> memref<10112x128xf32, #tpu.memory_space<hbm>>
            tpu.enqueue_indirect_dma source(%dma_start3A_413 : memref<10112x128xf32, #tpu.memory_space<hbm>>) target(%arg13 : memref<128x128xf32, #tpu.memory_space<vmem>>) offsets(%dma_start3A_410 : memref<128xi32, #tpu.memory_space<vmem>>) semaphore(%arg16 : memref<!tpu.dma_semaphore, #tpu.memory_space<semaphore_mem>>)
          } else {
          }
          %eq3A_404 = arith.constant 1 : i32
          %eq3A_405 = arith.cmpi eq, %arg0, %eq3A_404 : i32
          %convert_element_type3A_406 = arith.extui %eq3A_405 : i1 to i32
          %cond3A_407 = arith.constant 0 : i32
          %cond3A_408 = arith.cmpi ne, %convert_element_type3A_406, %cond3A_407 : i32
          scf.if %cond3A_408 {
            %dma_start3A = arith.constant 0 : i32
            %dma_start3A_409 = tpu.memref_slice %arg10[%select_n3A_145, %dma_start3A] : memref<16x128xi32, #tpu.memory_space<vmem>> -> memref<1x128xi32, #tpu.memory_space<vmem>>
            %dma_start3A_410 = tpu.memref_squeeze %dma_start3A_409 : memref<1x128xi32, #tpu.memory_space<vmem>> -> memref<128xi32, #tpu.memory_space<vmem>>
            %dma_start3A_411 = arith.constant 0 : i32
            %dma_start3A_412 = arith.constant 0 : i32
            %dma_start3A_413 = tpu.memref_slice %arg5[%dma_start3A_411, %dma_start3A_412] : memref<10112x128xf32, #tpu.memory_space<hbm>> -> memref<10112x128xf32, #tpu.memory_space<hbm>>
            tpu.enqueue_indirect_dma source(%dma_start3A_413 : memref<10112x128xf32, #tpu.memory_space<hbm>>) target(%arg13 : memref<128x128xf32, #tpu.memory_space<vmem>>) offsets(%dma_start3A_410 : memref<128xi32, #tpu.memory_space<vmem>>) semaphore(%arg16 : memref<!tpu.dma_semaphore, #tpu.memory_space<semaphore_mem>>)
          } else {
          }
        } else {
        }
      } else {
      }
      %jit3A = arith.constant 16 : i32
      %eq3A_35 = arith.constant 0 : i32
      %eq3A_36 = arith.cmpi eq, %jit3A, %eq3A_35 : i32
      %jit3A_37 = arith.constant 1 : i32
      %select_n3A = arith.select %eq3A_36, %jit3A_37, %jit3A : i32
      %rem3A = arith.remsi %scan3A_29, %select_n3A : i32
      %ne3A = arith.constant 0 : i32
      %ne3A_38 = arith.cmpi ne, %rem3A, %ne3A : i32
      %lt3A_39 = arith.constant 0 : i32
      %lt3A_40 = arith.cmpi slt, %rem3A, %lt3A_39 : i32
      %lt3A_41 = arith.constant 0 : i32
      %lt3A_42 = arith.cmpi slt, %select_n3A, %lt3A_41 : i32
      %ne3A_43 = arith.xori %lt3A_40, %lt3A_42 : i1
      %and3A = arith.andi %ne3A_43, %ne3A_38 : i1
      %add3A_44 = arith.addi %rem3A, %select_n3A : i32
      %select_n3A_45 = arith.select %and3A, %add3A_44, %rem3A : i32
      %eq3A_46 = arith.constant 0 : i32
      %eq3A_47 = arith.cmpi eq, %select_n3A_45, %eq3A_46 : i32
      %convert_element_type3A_48 = arith.extui %eq3A_47 : i1 to i32
      %cond3A_49 = arith.constant 0 : i32
      %cond3A_50 = arith.cmpi ne, %convert_element_type3A_48, %cond3A_49 : i32
      scf.if %cond3A_50 {
        %add3A_109 = arith.addi %mul3A_2, %scan3A_29 : i32
        %multiple_of3A_110 = tpu.assume_multiple %add3A_109, 8 : i32
        "tpu.region"() ({
          %run_scoped3A = tpu.sem_alloc : memref<!tpu.dma_semaphore, #tpu.memory_space<semaphore_mem>>
          %dma_start3A = arith.constant 0 : i32
          %dma_start3A_111 = tpu.memref_slice %arg3[%multiple_of3A_110, %dma_start3A] : memref<2560x128xi32, #tpu.memory_space<hbm>> -> memref<16x128xi32, #tpu.memory_space<hbm>>
          %dma_start3A_112 = arith.constant 0 : i32
          %dma_start3A_113 = tpu.memref_slice %arg3[%multiple_of3A_110, %dma_start3A_112] : memref<2560x128xi32, #tpu.memory_space<hbm>> -> memref<16x128xi32, #tpu.memory_space<hbm>>
          tpu.enqueue_dma source(%dma_start3A_113 : memref<16x128xi32, #tpu.memory_space<hbm>>) target(%arg11 : memref<16x128xi32, #tpu.memory_space<vmem>>) target_semaphore(%run_scoped3A : memref<!tpu.dma_semaphore, #tpu.memory_space<semaphore_mem>>)
          %dma_wait3A = arith.constant 0 : i32
          %dma_wait3A_114 = tpu.memref_slice %arg3[%multiple_of3A_110, %dma_wait3A] : memref<2560x128xi32, #tpu.memory_space<hbm>> -> memref<16x128xi32, #tpu.memory_space<hbm>>
          %dma_wait3A_115 = arith.constant 0 : i32
          %dma_wait3A_116 = tpu.memref_slice %arg3[%multiple_of3A_110, %dma_wait3A_115] : memref<2560x128xi32, #tpu.memory_space<hbm>> -> memref<16x128xi32, #tpu.memory_space<hbm>>
          tpu.wait_dma2 semaphore(%run_scoped3A : memref<!tpu.dma_semaphore, #tpu.memory_space<semaphore_mem>>) src(%dma_wait3A_116 : memref<16x128xi32, #tpu.memory_space<hbm>>) dst(%arg11 : memref<16x128xi32, #tpu.memory_space<vmem>>)
          tpu.yield
        }) : () -> ()
      } else {
      }
      %jit3A_51 = arith.constant 16 : i32
      %eq3A_52 = arith.constant 0 : i32
      %eq3A_53 = arith.cmpi eq, %jit3A_51, %eq3A_52 : i32
      %jit3A_54 = arith.constant 1 : i32
      %select_n3A_55 = arith.select %eq3A_53, %jit3A_54, %jit3A_51 : i32
      %rem3A_56 = arith.remsi %scan3A_29, %select_n3A_55 : i32
      %ne3A_57 = arith.constant 0 : i32
      %ne3A_58 = arith.cmpi ne, %rem3A_56, %ne3A_57 : i32
      %lt3A_59 = arith.constant 0 : i32
      %lt3A_60 = arith.cmpi slt, %rem3A_56, %lt3A_59 : i32
      %lt3A_61 = arith.constant 0 : i32
      %lt3A_62 = arith.cmpi slt, %select_n3A_55, %lt3A_61 : i32
      %ne3A_63 = arith.xori %lt3A_60, %lt3A_62 : i1
      %and3A_64 = arith.andi %ne3A_63, %ne3A_58 : i1
      %add3A_65 = arith.addi %rem3A_56, %select_n3A_55 : i32
      %select_n3A_66 = arith.select %and3A_64, %add3A_65, %rem3A_56 : i32
      %jit3A_67 = arith.constant 2 : i32
      %eq3A_68 = arith.constant 0 : i32
      %eq3A_69 = arith.cmpi eq, %jit3A_67, %eq3A_68 : i32
      %jit3A_70 = arith.constant 1 : i32
      %select_n3A_71 = arith.select %eq3A_69, %jit3A_70, %jit3A_67 : i32
      %rem3A_72 = arith.remsi %scan3A_29, %select_n3A_71 : i32
      %ne3A_73 = arith.constant 0 : i32
      %ne3A_74 = arith.cmpi ne, %rem3A_72, %ne3A_73 : i32
      %lt3A_75 = arith.constant 0 : i32
      %lt3A_76 = arith.cmpi slt, %rem3A_72, %lt3A_75 : i32
      %lt3A_77 = arith.constant 0 : i32
      %lt3A_78 = arith.cmpi slt, %select_n3A_71, %lt3A_77 : i32
      %ne3A_79 = arith.xori %lt3A_76, %lt3A_78 : i1
      %and3A_80 = arith.andi %ne3A_79, %ne3A_74 : i1
      %add3A_81 = arith.addi %rem3A_72, %select_n3A_71 : i32
      %select_n3A_82 = arith.select %and3A_80, %add3A_81, %rem3A_72 : i32
      %eq3A_83 = arith.constant 0 : i32
      %eq3A_84 = arith.cmpi eq, %select_n3A_82, %eq3A_83 : i32
      %convert_element_type3A_85 = arith.extui %eq3A_84 : i1 to i32
      %cond3A_86 = arith.constant 0 : i32
      %cond3A_87 = arith.cmpi ne, %convert_element_type3A_85, %cond3A_86 : i32
      scf.if %cond3A_87 {
        %dma_wait3A = arith.constant 0 : i32
        %dma_wait3A_109 = arith.constant 0 : i32
        %dma_wait3A_110 = tpu.memref_slice %arg4[%dma_wait3A, %dma_wait3A_109] : memref<10112x128xf32, #tpu.memory_space<hbm>> -> memref<128x128xf32, #tpu.memory_space<hbm>>
        %dma_wait3A_111 = arith.constant 0 : i32
        %dma_wait3A_112 = arith.constant 0 : i32
        %dma_wait3A_113 = tpu.memref_slice %arg4[%dma_wait3A_111, %dma_wait3A_112] : memref<10112x128xf32, #tpu.memory_space<hbm>> -> memref<128x128xf32, #tpu.memory_space<hbm>>
        tpu.wait_dma2 semaphore(%arg15 : memref<!tpu.dma_semaphore, #tpu.memory_space<semaphore_mem>>) src(%dma_wait3A_113 : memref<128x128xf32, #tpu.memory_space<hbm>>) dst(%arg12 : memref<128x128xf32, #tpu.memory_space<vmem>>)
        "tpu.region"() ({
          %run_scoped3A = tpu.sem_alloc : memref<!tpu.dma_semaphore, #tpu.memory_space<semaphore_mem>>
          %dma_start3A = arith.constant 0 : i32
          %dma_start3A_114 = tpu.memref_slice %arg11[%select_n3A_66, %dma_start3A] : memref<16x128xi32, #tpu.memory_space<vmem>> -> memref<1x128xi32, #tpu.memory_space<vmem>>
          %dma_start3A_115 = tpu.memref_squeeze %dma_start3A_114 : memref<1x128xi32, #tpu.memory_space<vmem>> -> memref<128xi32, #tpu.memory_space<vmem>>
          %dma_start3A_116 = arith.constant 0 : i32
          %dma_start3A_117 = arith.constant 0 : i32
          %dma_start3A_118 = tpu.memref_slice %arg14[%dma_start3A_116, %dma_start3A_117] : memref<10112x128xf32, #tpu.memory_space<vmem_shared>> -> memref<10112x128xf32, #tpu.memory_space<vmem_shared>>
          tpu.enqueue_indirect_dma source(%arg12 : memref<128x128xf32, #tpu.memory_space<vmem>>) target(%dma_start3A_118 : memref<10112x128xf32, #tpu.memory_space<vmem_shared>>) offsets(%dma_start3A_115 : memref<128xi32, #tpu.memory_space<vmem>>) semaphore(%run_scoped3A : memref<!tpu.dma_semaphore, #tpu.memory_space<semaphore_mem>>) {add = true}
          %dma_wait3A_119 = arith.constant 0 : i32
          %dma_wait3A_120 = tpu.memref_slice %arg11[%select_n3A_66, %dma_wait3A_119] : memref<16x128xi32, #tpu.memory_space<vmem>> -> memref<1x128xi32, #tpu.memory_space<vmem>>
          %dma_wait3A_121 = tpu.memref_squeeze %dma_wait3A_120 : memref<1x128xi32, #tpu.memory_space<vmem>> -> memref<128xi32, #tpu.memory_space<vmem>>
          %dma_wait3A_122 = arith.constant 0 : i32
          %dma_wait3A_123 = arith.constant 0 : i32
          %dma_wait3A_124 = tpu.memref_slice %arg14[%dma_wait3A_122, %dma_wait3A_123] : memref<10112x128xf32, #tpu.memory_space<vmem_shared>> -> memref<10112x128xf32, #tpu.memory_space<vmem_shared>>
          tpu.wait_indirect_dma semaphore(%run_scoped3A : memref<!tpu.dma_semaphore, #tpu.memory_space<semaphore_mem>>) src(%arg12 : memref<128x128xf32, #tpu.memory_space<vmem>>) dst(%dma_wait3A_124 : memref<10112x128xf32, #tpu.memory_space<vmem_shared>>)
          tpu.yield
        }) : () -> ()
      } else {
      }
      %jit3A_88 = arith.constant 2 : i32
      %eq3A_89 = arith.constant 0 : i32
      %eq3A_90 = arith.cmpi eq, %jit3A_88, %eq3A_89 : i32
      %jit3A_91 = arith.constant 1 : i32
      %select_n3A_92 = arith.select %eq3A_90, %jit3A_91, %jit3A_88 : i32
      %rem3A_93 = arith.remsi %scan3A_29, %select_n3A_92 : i32
      %ne3A_94 = arith.constant 0 : i32
      %ne3A_95 = arith.cmpi ne, %rem3A_93, %ne3A_94 : i32
      %lt3A_96 = arith.constant 0 : i32
      %lt3A_97 = arith.cmpi slt, %rem3A_93, %lt3A_96 : i32
      %lt3A_98 = arith.constant 0 : i32
      %lt3A_99 = arith.cmpi slt, %select_n3A_92, %lt3A_98 : i32
      %ne3A_100 = arith.xori %lt3A_97, %lt3A_99 : i1
      %and3A_101 = arith.andi %ne3A_100, %ne3A_95 : i1
      %add3A_102 = arith.addi %rem3A_93, %select_n3A_92 : i32
      %select_n3A_103 = arith.select %and3A_101, %add3A_102, %rem3A_93 : i32
      %eq3A_104 = arith.constant 1 : i32
      %eq3A_105 = arith.cmpi eq, %select_n3A_103, %eq3A_104 : i32
      %convert_element_type3A_106 = arith.extui %eq3A_105 : i1 to i32
      %cond3A_107 = arith.constant 0 : i32
      %cond3A_108 = arith.cmpi ne, %convert_element_type3A_106, %cond3A_107 : i32
      scf.if %cond3A_108 {
        %dma_wait3A = arith.constant 0 : i32
        %dma_wait3A_109 = arith.constant 0 : i32
        %dma_wait3A_110 = tpu.memref_slice %arg4[%dma_wait3A, %dma_wait3A_109] : memref<10112x128xf32, #tpu.memory_space<hbm>> -> memref<128x128xf32, #tpu.memory_space<hbm>>
        %dma_wait3A_111 = arith.constant 0 : i32
        %dma_wait3A_112 = arith.constant 0 : i32
        %dma_wait3A_113 = tpu.memref_slice %arg4[%dma_wait3A_111, %dma_wait3A_112] : memref<10112x128xf32, #tpu.memory_space<hbm>> -> memref<128x128xf32, #tpu.memory_space<hbm>>
        tpu.wait_dma2 semaphore(%arg16 : memref<!tpu.dma_semaphore, #tpu.memory_space<semaphore_mem>>) src(%dma_wait3A_113 : memref<128x128xf32, #tpu.memory_space<hbm>>) dst(%arg13 : memref<128x128xf32, #tpu.memory_space<vmem>>)
        "tpu.region"() ({
          %run_scoped3A = tpu.sem_alloc : memref<!tpu.dma_semaphore, #tpu.memory_space<semaphore_mem>>
          %dma_start3A = arith.constant 0 : i32
          %dma_start3A_114 = tpu.memref_slice %arg11[%select_n3A_66, %dma_start3A] : memref<16x128xi32, #tpu.memory_space<vmem>> -> memref<1x128xi32, #tpu.memory_space<vmem>>
          %dma_start3A_115 = tpu.memref_squeeze %dma_start3A_114 : memref<1x128xi32, #tpu.memory_space<vmem>> -> memref<128xi32, #tpu.memory_space<vmem>>
          %dma_start3A_116 = arith.constant 0 : i32
          %dma_start3A_117 = arith.constant 0 : i32
          %dma_start3A_118 = tpu.memref_slice %arg14[%dma_start3A_116, %dma_start3A_117] : memref<10112x128xf32, #tpu.memory_space<vmem_shared>> -> memref<10112x128xf32, #tpu.memory_space<vmem_shared>>
          tpu.enqueue_indirect_dma source(%arg13 : memref<128x128xf32, #tpu.memory_space<vmem>>) target(%dma_start3A_118 : memref<10112x128xf32, #tpu.memory_space<vmem_shared>>) offsets(%dma_start3A_115 : memref<128xi32, #tpu.memory_space<vmem>>) semaphore(%run_scoped3A : memref<!tpu.dma_semaphore, #tpu.memory_space<semaphore_mem>>) {add = true}
          %dma_wait3A_119 = arith.constant 0 : i32
          %dma_wait3A_120 = tpu.memref_slice %arg11[%select_n3A_66, %dma_wait3A_119] : memref<16x128xi32, #tpu.memory_space<vmem>> -> memref<1x128xi32, #tpu.memory_space<vmem>>
          %dma_wait3A_121 = tpu.memref_squeeze %dma_wait3A_120 : memref<1x128xi32, #tpu.memory_space<vmem>> -> memref<128xi32, #tpu.memory_space<vmem>>
          %dma_wait3A_122 = arith.constant 0 : i32
          %dma_wait3A_123 = arith.constant 0 : i32
          %dma_wait3A_124 = tpu.memref_slice %arg14[%dma_wait3A_122, %dma_wait3A_123] : memref<10112x128xf32, #tpu.memory_space<vmem_shared>> -> memref<10112x128xf32, #tpu.memory_space<vmem_shared>>
          tpu.wait_indirect_dma semaphore(%run_scoped3A : memref<!tpu.dma_semaphore, #tpu.memory_space<semaphore_mem>>) src(%arg13 : memref<128x128xf32, #tpu.memory_space<vmem>>) dst(%dma_wait3A_124 : memref<10112x128xf32, #tpu.memory_space<vmem_shared>>)
          tpu.yield
        }) : () -> ()
      } else {
      }
    }
    %scan3A_17 = arith.constant 160 : i32
    %barrier3A_18 = arith.constant 0 : index
    tpu.barrier barrier_id(%barrier3A_18)
    %eq3A_19 = arith.constant 0 : i32
    %eq3A_20 = arith.cmpi eq, %arg0, %eq3A_19 : i32
    %convert_element_type3A_21 = arith.extui %eq3A_20 : i1 to i32
    %cond3A_22 = arith.constant 0 : i32
    %cond3A_23 = arith.cmpi ne, %convert_element_type3A_21, %cond3A_22 : i32
    scf.if %cond3A_23 {
      "tpu.region"() ({
        %run_scoped3A = tpu.sem_alloc : memref<!tpu.dma_semaphore, #tpu.memory_space<semaphore_mem>>
        %dma_start3A = arith.constant 0 : i32
        %dma_start3A_29 = tpu.memref_slice %arg7[%multiple_of3A, %dma_start3A] : memref<10112x128xf32, #tpu.memory_space<hbm>> -> memref<632x128xf32, #tpu.memory_space<hbm>>
        %dma_start3A_30 = arith.constant 0 : i32
        %dma_start3A_31 = tpu.memref_slice %arg14[%multiple_of3A, %dma_start3A_30] : memref<10112x128xf32, #tpu.memory_space<vmem_shared>> -> memref<632x128xf32, #tpu.memory_space<vmem_shared>>
        tpu.enqueue_dma source(%dma_start3A_31 : memref<632x128xf32, #tpu.memory_space<vmem_shared>>) target(%dma_start3A_29 : memref<632x128xf32, #tpu.memory_space<hbm>>) target_semaphore(%run_scoped3A : memref<!tpu.dma_semaphore, #tpu.memory_space<semaphore_mem>>)
        %dma_wait3A = arith.constant 0 : i32
        %dma_wait3A_32 = tpu.memref_slice %arg7[%multiple_of3A, %dma_wait3A] : memref<10112x128xf32, #tpu.memory_space<hbm>> -> memref<632x128xf32, #tpu.memory_space<hbm>>
        %dma_wait3A_33 = arith.constant 0 : i32
        %dma_wait3A_34 = tpu.memref_slice %arg14[%multiple_of3A, %dma_wait3A_33] : memref<10112x128xf32, #tpu.memory_space<vmem_shared>> -> memref<632x128xf32, #tpu.memory_space<vmem_shared>>
        tpu.wait_dma2 semaphore(%run_scoped3A : memref<!tpu.dma_semaphore, #tpu.memory_space<semaphore_mem>>) src(%dma_wait3A_34 : memref<632x128xf32, #tpu.memory_space<vmem_shared>>) dst(%dma_wait3A_32 : memref<632x128xf32, #tpu.memory_space<hbm>>)
        tpu.yield
      }) : () -> ()
    } else {
    }
    %eq3A_24 = arith.constant 1 : i32
    %eq3A_25 = arith.cmpi eq, %arg0, %eq3A_24 : i32
    %convert_element_type3A_26 = arith.extui %eq3A_25 : i1 to i32
    %cond3A_27 = arith.constant 0 : i32
    %cond3A_28 = arith.cmpi ne, %convert_element_type3A_26, %cond3A_27 : i32
    scf.if %cond3A_28 {
      "tpu.region"() ({
        %run_scoped3A = tpu.sem_alloc : memref<!tpu.dma_semaphore, #tpu.memory_space<semaphore_mem>>
        %dma_start3A = arith.constant 0 : i32
        %dma_start3A_29 = tpu.memref_slice %arg8[%multiple_of3A, %dma_start3A] : memref<10112x128xf32, #tpu.memory_space<hbm>> -> memref<632x128xf32, #tpu.memory_space<hbm>>
        %dma_start3A_30 = arith.constant 0 : i32
        %dma_start3A_31 = tpu.memref_slice %arg14[%multiple_of3A, %dma_start3A_30] : memref<10112x128xf32, #tpu.memory_space<vmem_shared>> -> memref<632x128xf32, #tpu.memory_space<vmem_shared>>
        tpu.enqueue_dma source(%dma_start3A_31 : memref<632x128xf32, #tpu.memory_space<vmem_shared>>) target(%dma_start3A_29 : memref<632x128xf32, #tpu.memory_space<hbm>>) target_semaphore(%run_scoped3A : memref<!tpu.dma_semaphore, #tpu.memory_space<semaphore_mem>>)
        %dma_wait3A = arith.constant 0 : i32
        %dma_wait3A_32 = tpu.memref_slice %arg8[%multiple_of3A, %dma_wait3A] : memref<10112x128xf32, #tpu.memory_space<hbm>> -> memref<632x128xf32, #tpu.memory_space<hbm>>
        %dma_wait3A_33 = arith.constant 0 : i32
        %dma_wait3A_34 = tpu.memref_slice %arg14[%multiple_of3A, %dma_wait3A_33] : memref<10112x128xf32, #tpu.memory_space<vmem_shared>> -> memref<632x128xf32, #tpu.memory_space<vmem_shared>>
        tpu.wait_dma2 semaphore(%run_scoped3A : memref<!tpu.dma_semaphore, #tpu.memory_space<semaphore_mem>>) src(%dma_wait3A_34 : memref<632x128xf32, #tpu.memory_space<vmem_shared>>) dst(%dma_wait3A_32 : memref<632x128xf32, #tpu.memory_space<hbm>>)
        tpu.yield
      }) : () -> ()
    } else {
    }
    return
  }
}

#map = affine_map<(d0, d1) -> (0, 0)>
module attributes {stable_mosaic.version = 14 : i64} {
  func.func @_deg_body(%arg0: i32, %arg1: i32, %arg2: memref<2560x128xi32, #tpu.memory_space<hbm>>, %arg3: memref<2560x128xi32, #tpu.memory_space<hbm>>, %arg4: memref<10112x128xf32, #tpu.memory_space<hbm>>, %arg5: memref<128x128xf32, #tpu.memory_space<hbm>>, %arg6: memref<10112x128xf32, #tpu.memory_space<hbm>>, %arg7: memref<10112x128xf32, #tpu.memory_space<hbm>>, %arg8: memref<16x128xi32, #tpu.memory_space<vmem>>, %arg9: memref<128x128xf32, #tpu.memory_space<vmem>>, %arg10: memref<10112x128xf32, #tpu.memory_space<vmem_shared>>, %arg11: memref<!tpu.dma_semaphore, #tpu.memory_space<semaphore_mem>>) attributes {dimension_semantics = [#tpu.dimension_semantics<core_parallel>, #tpu.dimension_semantics<subcore_parallel>], iteration_bounds = array<i64: 2, 16>, scalar_prefetch = 0 : i64, scratch_operands = 4 : i64, tpu.core_type = #tpu.core_type<sc_vector_subcore>, window_params = [{transform_indices = #map}, {transform_indices = #map}, {transform_indices = #map}, {transform_indices = #map}, {transform_indices = #map}, {transform_indices = #map}]} {
    %mul3A = arith.constant 632 : i32
    %mul3A_0 = arith.muli %arg1, %mul3A : i32
    %multiple_of3A = tpu.assume_multiple %mul3A_0, 8 : i32
    "tpu.region"() ({
      %run_scoped3A = tpu.sem_alloc : memref<!tpu.dma_semaphore, #tpu.memory_space<semaphore_mem>>
      %dma_start3A = arith.constant 0 : i32
      %dma_start3A_14 = tpu.memref_slice %arg10[%multiple_of3A, %dma_start3A] : memref<10112x128xf32, #tpu.memory_space<vmem_shared>> -> memref<632x128xf32, #tpu.memory_space<vmem_shared>>
      %dma_start3A_15 = arith.constant 0 : i32
      %dma_start3A_16 = tpu.memref_slice %arg4[%multiple_of3A, %dma_start3A_15] : memref<10112x128xf32, #tpu.memory_space<hbm>> -> memref<632x128xf32, #tpu.memory_space<hbm>>
      tpu.enqueue_dma source(%dma_start3A_16 : memref<632x128xf32, #tpu.memory_space<hbm>>) target(%dma_start3A_14 : memref<632x128xf32, #tpu.memory_space<vmem_shared>>) target_semaphore(%run_scoped3A : memref<!tpu.dma_semaphore, #tpu.memory_space<semaphore_mem>>)
      %dma_wait3A = arith.constant 0 : i32
      %dma_wait3A_17 = tpu.memref_slice %arg10[%multiple_of3A, %dma_wait3A] : memref<10112x128xf32, #tpu.memory_space<vmem_shared>> -> memref<632x128xf32, #tpu.memory_space<vmem_shared>>
      %dma_wait3A_18 = arith.constant 0 : i32
      %dma_wait3A_19 = tpu.memref_slice %arg4[%multiple_of3A, %dma_wait3A_18] : memref<10112x128xf32, #tpu.memory_space<hbm>> -> memref<632x128xf32, #tpu.memory_space<hbm>>
      tpu.wait_dma2 semaphore(%run_scoped3A : memref<!tpu.dma_semaphore, #tpu.memory_space<semaphore_mem>>) src(%dma_wait3A_19 : memref<632x128xf32, #tpu.memory_space<hbm>>) dst(%dma_wait3A_17 : memref<632x128xf32, #tpu.memory_space<vmem_shared>>)
      tpu.yield
    }) : () -> ()
    "tpu.region"() ({
      %run_scoped3A = tpu.sem_alloc : memref<!tpu.dma_semaphore, #tpu.memory_space<semaphore_mem>>
      tpu.enqueue_dma source(%arg5 : memref<128x128xf32, #tpu.memory_space<hbm>>) target(%arg9 : memref<128x128xf32, #tpu.memory_space<vmem>>) target_semaphore(%run_scoped3A : memref<!tpu.dma_semaphore, #tpu.memory_space<semaphore_mem>>)
      tpu.wait_dma2 semaphore(%run_scoped3A : memref<!tpu.dma_semaphore, #tpu.memory_space<semaphore_mem>>) src(%arg5 : memref<128x128xf32, #tpu.memory_space<hbm>>) dst(%arg9 : memref<128x128xf32, #tpu.memory_space<vmem>>)
      tpu.yield
    }) : () -> ()
    %barrier3A = arith.constant 0 : index
    tpu.barrier barrier_id(%barrier3A)
    %scan3A = arith.constant 0 : i32
    %scan3A_1 = arith.constant 0 : i32
    %scan3A_2 = arith.constant 10 : i32
    %scan3A_3 = arith.addi %scan3A_1, %scan3A_2 : i32
    %scan3A_4 = arith.constant 1 : i32
    scf.for %scan3A_14 = %scan3A_1 to %scan3A_3 step %scan3A_4  : i32 {
      %mul3A_15 = arith.constant 160 : i32
      %mul3A_16 = arith.muli %arg1, %mul3A_15 : i32
      %mul3A_17 = arith.constant 16 : i32
      %mul3A_18 = arith.muli %scan3A_14, %mul3A_17 : i32
      %add3A = arith.addi %mul3A_16, %mul3A_18 : i32
      %eq3A_19 = arith.constant 0 : i32
      %eq3A_20 = arith.cmpi eq, %arg0, %eq3A_19 : i32
      %convert_element_type3A_21 = arith.extui %eq3A_20 : i1 to i32
      %cond3A_22 = arith.constant 0 : i32
      %cond3A_23 = arith.cmpi ne, %convert_element_type3A_21, %cond3A_22 : i32
      scf.if %cond3A_23 {
        "tpu.region"() ({
          %run_scoped3A = tpu.sem_alloc : memref<!tpu.dma_semaphore, #tpu.memory_space<semaphore_mem>>
          %dma_start3A = arith.constant 0 : i32
          %dma_start3A_34 = tpu.memref_slice %arg2[%add3A, %dma_start3A] : memref<2560x128xi32, #tpu.memory_space<hbm>> -> memref<16x128xi32, #tpu.memory_space<hbm>>
          %dma_start3A_35 = arith.constant 0 : i32
          %dma_start3A_36 = tpu.memref_slice %arg2[%add3A, %dma_start3A_35] : memref<2560x128xi32, #tpu.memory_space<hbm>> -> memref<16x128xi32, #tpu.memory_space<hbm>>
          tpu.enqueue_dma source(%dma_start3A_36 : memref<16x128xi32, #tpu.memory_space<hbm>>) target(%arg8 : memref<16x128xi32, #tpu.memory_space<vmem>>) target_semaphore(%run_scoped3A : memref<!tpu.dma_semaphore, #tpu.memory_space<semaphore_mem>>)
          %dma_wait3A = arith.constant 0 : i32
          %dma_wait3A_37 = tpu.memref_slice %arg2[%add3A, %dma_wait3A] : memref<2560x128xi32, #tpu.memory_space<hbm>> -> memref<16x128xi32, #tpu.memory_space<hbm>>
          %dma_wait3A_38 = arith.constant 0 : i32
          %dma_wait3A_39 = tpu.memref_slice %arg2[%add3A, %dma_wait3A_38] : memref<2560x128xi32, #tpu.memory_space<hbm>> -> memref<16x128xi32, #tpu.memory_space<hbm>>
          tpu.wait_dma2 semaphore(%run_scoped3A : memref<!tpu.dma_semaphore, #tpu.memory_space<semaphore_mem>>) src(%dma_wait3A_39 : memref<16x128xi32, #tpu.memory_space<hbm>>) dst(%arg8 : memref<16x128xi32, #tpu.memory_space<vmem>>)
          tpu.yield
        }) : () -> ()
      } else {
      }
      %eq3A_24 = arith.constant 1 : i32
      %eq3A_25 = arith.cmpi eq, %arg0, %eq3A_24 : i32
      %convert_element_type3A_26 = arith.extui %eq3A_25 : i1 to i32
      %cond3A_27 = arith.constant 0 : i32
      %cond3A_28 = arith.cmpi ne, %convert_element_type3A_26, %cond3A_27 : i32
      scf.if %cond3A_28 {
        "tpu.region"() ({
          %run_scoped3A = tpu.sem_alloc : memref<!tpu.dma_semaphore, #tpu.memory_space<semaphore_mem>>
          %dma_start3A = arith.constant 0 : i32
          %dma_start3A_34 = tpu.memref_slice %arg3[%add3A, %dma_start3A] : memref<2560x128xi32, #tpu.memory_space<hbm>> -> memref<16x128xi32, #tpu.memory_space<hbm>>
          %dma_start3A_35 = arith.constant 0 : i32
          %dma_start3A_36 = tpu.memref_slice %arg3[%add3A, %dma_start3A_35] : memref<2560x128xi32, #tpu.memory_space<hbm>> -> memref<16x128xi32, #tpu.memory_space<hbm>>
          tpu.enqueue_dma source(%dma_start3A_36 : memref<16x128xi32, #tpu.memory_space<hbm>>) target(%arg8 : memref<16x128xi32, #tpu.memory_space<vmem>>) target_semaphore(%run_scoped3A : memref<!tpu.dma_semaphore, #tpu.memory_space<semaphore_mem>>)
          %dma_wait3A = arith.constant 0 : i32
          %dma_wait3A_37 = tpu.memref_slice %arg3[%add3A, %dma_wait3A] : memref<2560x128xi32, #tpu.memory_space<hbm>> -> memref<16x128xi32, #tpu.memory_space<hbm>>
          %dma_wait3A_38 = arith.constant 0 : i32
          %dma_wait3A_39 = tpu.memref_slice %arg3[%add3A, %dma_wait3A_38] : memref<2560x128xi32, #tpu.memory_space<hbm>> -> memref<16x128xi32, #tpu.memory_space<hbm>>
          tpu.wait_dma2 semaphore(%run_scoped3A : memref<!tpu.dma_semaphore, #tpu.memory_space<semaphore_mem>>) src(%dma_wait3A_39 : memref<16x128xi32, #tpu.memory_space<hbm>>) dst(%arg8 : memref<16x128xi32, #tpu.memory_space<vmem>>)
          tpu.yield
        }) : () -> ()
      } else {
      }
      %scan3A_29 = arith.constant 0 : i32
      %scan3A_30 = arith.constant 16 : i32
      %scan3A_31 = arith.addi %scan3A_29, %scan3A_30 : i32
      %scan3A_32 = arith.constant 1 : i32
      scf.for %scan3A_34 = %scan3A_29 to %scan3A_31 step %scan3A_32  : i32 {
        "tpu.region"() ({
          %run_scoped3A = tpu.sem_alloc : memref<!tpu.dma_semaphore, #tpu.memory_space<semaphore_mem>>
          %dma_start3A = arith.constant 0 : i32
          %dma_start3A_35 = tpu.memref_slice %arg8[%scan3A_34, %dma_start3A] : memref<16x128xi32, #tpu.memory_space<vmem>> -> memref<1x128xi32, #tpu.memory_space<vmem>>
          %dma_start3A_36 = tpu.memref_squeeze %dma_start3A_35 : memref<1x128xi32, #tpu.memory_space<vmem>> -> memref<128xi32, #tpu.memory_space<vmem>>
          %dma_start3A_37 = arith.constant 0 : i32
          %dma_start3A_38 = arith.constant 0 : i32
          %dma_start3A_39 = tpu.memref_slice %arg10[%dma_start3A_37, %dma_start3A_38] : memref<10112x128xf32, #tpu.memory_space<vmem_shared>> -> memref<10112x128xf32, #tpu.memory_space<vmem_shared>>
          tpu.enqueue_indirect_dma source(%arg9 : memref<128x128xf32, #tpu.memory_space<vmem>>) target(%dma_start3A_39 : memref<10112x128xf32, #tpu.memory_space<vmem_shared>>) offsets(%dma_start3A_36 : memref<128xi32, #tpu.memory_space<vmem>>) semaphore(%run_scoped3A : memref<!tpu.dma_semaphore, #tpu.memory_space<semaphore_mem>>) {add = true}
          %dma_wait3A = arith.constant 0 : i32
          %dma_wait3A_40 = tpu.memref_slice %arg8[%scan3A_34, %dma_wait3A] : memref<16x128xi32, #tpu.memory_space<vmem>> -> memref<1x128xi32, #tpu.memory_space<vmem>>
          %dma_wait3A_41 = tpu.memref_squeeze %dma_wait3A_40 : memref<1x128xi32, #tpu.memory_space<vmem>> -> memref<128xi32, #tpu.memory_space<vmem>>
          %dma_wait3A_42 = arith.constant 0 : i32
          %dma_wait3A_43 = arith.constant 0 : i32
          %dma_wait3A_44 = tpu.memref_slice %arg10[%dma_wait3A_42, %dma_wait3A_43] : memref<10112x128xf32, #tpu.memory_space<vmem_shared>> -> memref<10112x128xf32, #tpu.memory_space<vmem_shared>>
          tpu.wait_indirect_dma semaphore(%run_scoped3A : memref<!tpu.dma_semaphore, #tpu.memory_space<semaphore_mem>>) src(%arg9 : memref<128x128xf32, #tpu.memory_space<vmem>>) dst(%dma_wait3A_44 : memref<10112x128xf32, #tpu.memory_space<vmem_shared>>)
          tpu.yield
        }) : () -> ()
      }
      %scan3A_33 = arith.constant 16 : i32
    }
    %scan3A_5 = arith.constant 10 : i32
    %barrier3A_6 = arith.constant 0 : index
    tpu.barrier barrier_id(%barrier3A_6)
    %eq3A = arith.constant 0 : i32
    %eq3A_7 = arith.cmpi eq, %arg0, %eq3A : i32
    %convert_element_type3A = arith.extui %eq3A_7 : i1 to i32
    %cond3A = arith.constant 0 : i32
    %cond3A_8 = arith.cmpi ne, %convert_element_type3A, %cond3A : i32
    scf.if %cond3A_8 {
      "tpu.region"() ({
        %run_scoped3A = tpu.sem_alloc : memref<!tpu.dma_semaphore, #tpu.memory_space<semaphore_mem>>
        %dma_start3A = arith.constant 0 : i32
        %dma_start3A_14 = tpu.memref_slice %arg6[%multiple_of3A, %dma_start3A] : memref<10112x128xf32, #tpu.memory_space<hbm>> -> memref<632x128xf32, #tpu.memory_space<hbm>>
        %dma_start3A_15 = arith.constant 0 : i32
        %dma_start3A_16 = tpu.memref_slice %arg10[%multiple_of3A, %dma_start3A_15] : memref<10112x128xf32, #tpu.memory_space<vmem_shared>> -> memref<632x128xf32, #tpu.memory_space<vmem_shared>>
        tpu.enqueue_dma source(%dma_start3A_16 : memref<632x128xf32, #tpu.memory_space<vmem_shared>>) target(%dma_start3A_14 : memref<632x128xf32, #tpu.memory_space<hbm>>) target_semaphore(%run_scoped3A : memref<!tpu.dma_semaphore, #tpu.memory_space<semaphore_mem>>)
        %dma_wait3A = arith.constant 0 : i32
        %dma_wait3A_17 = tpu.memref_slice %arg6[%multiple_of3A, %dma_wait3A] : memref<10112x128xf32, #tpu.memory_space<hbm>> -> memref<632x128xf32, #tpu.memory_space<hbm>>
        %dma_wait3A_18 = arith.constant 0 : i32
        %dma_wait3A_19 = tpu.memref_slice %arg10[%multiple_of3A, %dma_wait3A_18] : memref<10112x128xf32, #tpu.memory_space<vmem_shared>> -> memref<632x128xf32, #tpu.memory_space<vmem_shared>>
        tpu.wait_dma2 semaphore(%run_scoped3A : memref<!tpu.dma_semaphore, #tpu.memory_space<semaphore_mem>>) src(%dma_wait3A_19 : memref<632x128xf32, #tpu.memory_space<vmem_shared>>) dst(%dma_wait3A_17 : memref<632x128xf32, #tpu.memory_space<hbm>>)
        tpu.yield
      }) : () -> ()
    } else {
    }
    %eq3A_9 = arith.constant 1 : i32
    %eq3A_10 = arith.cmpi eq, %arg0, %eq3A_9 : i32
    %convert_element_type3A_11 = arith.extui %eq3A_10 : i1 to i32
    %cond3A_12 = arith.constant 0 : i32
    %cond3A_13 = arith.cmpi ne, %convert_element_type3A_11, %cond3A_12 : i32
    scf.if %cond3A_13 {
      "tpu.region"() ({
        %run_scoped3A = tpu.sem_alloc : memref<!tpu.dma_semaphore, #tpu.memory_space<semaphore_mem>>
        %dma_start3A = arith.constant 0 : i32
        %dma_start3A_14 = tpu.memref_slice %arg7[%multiple_of3A, %dma_start3A] : memref<10112x128xf32, #tpu.memory_space<hbm>> -> memref<632x128xf32, #tpu.memory_space<hbm>>
        %dma_start3A_15 = arith.constant 0 : i32
        %dma_start3A_16 = tpu.memref_slice %arg10[%multiple_of3A, %dma_start3A_15] : memref<10112x128xf32, #tpu.memory_space<vmem_shared>> -> memref<632x128xf32, #tpu.memory_space<vmem_shared>>
        tpu.enqueue_dma source(%dma_start3A_16 : memref<632x128xf32, #tpu.memory_space<vmem_shared>>) target(%dma_start3A_14 : memref<632x128xf32, #tpu.memory_space<hbm>>) target_semaphore(%run_scoped3A : memref<!tpu.dma_semaphore, #tpu.memory_space<semaphore_mem>>)
        %dma_wait3A = arith.constant 0 : i32
        %dma_wait3A_17 = tpu.memref_slice %arg7[%multiple_of3A, %dma_wait3A] : memref<10112x128xf32, #tpu.memory_space<hbm>> -> memref<632x128xf32, #tpu.memory_space<hbm>>
        %dma_wait3A_18 = arith.constant 0 : i32
        %dma_wait3A_19 = tpu.memref_slice %arg10[%multiple_of3A, %dma_wait3A_18] : memref<10112x128xf32, #tpu.memory_space<vmem_shared>> -> memref<632x128xf32, #tpu.memory_space<vmem_shared>>
        tpu.wait_dma2 semaphore(%run_scoped3A : memref<!tpu.dma_semaphore, #tpu.memory_space<semaphore_mem>>) src(%dma_wait3A_19 : memref<632x128xf32, #tpu.memory_space<vmem_shared>>) dst(%dma_wait3A_17 : memref<632x128xf32, #tpu.memory_space<hbm>>)
        tpu.yield
      }) : () -> ()
    } else {
    }
    return
  }
}

#map = affine_map<(d0, d1) -> (0, 0)>
module attributes {stable_mosaic.version = 14 : i64} {
  func.func @body(%arg0: i32, %arg1: i32, %arg2: memref<2560x128xi32, #tpu.memory_space<hbm>>, %arg3: memref<2560x128xi32, #tpu.memory_space<hbm>>, %arg4: memref<10112x128xf32, #tpu.memory_space<hbm>>, %arg5: memref<10112x128xf32, #tpu.memory_space<hbm>>, %arg6: memref<10112x128xf32, #tpu.memory_space<hbm>>, %arg7: memref<10112x128xf32, #tpu.memory_space<hbm>>, %arg8: memref<10112x128xf32, #tpu.memory_space<hbm>>, %arg9: memref<16x128xi32, #tpu.memory_space<vmem>>, %arg10: memref<16x128xi32, #tpu.memory_space<vmem>>, %arg11: memref<16x128xi32, #tpu.memory_space<vmem>>, %arg12: memref<128x128xf32, #tpu.memory_space<vmem>>, %arg13: memref<128x128xf32, #tpu.memory_space<vmem>>, %arg14: memref<10112x128xf32, #tpu.memory_space<vmem_shared>>, %arg15: memref<!tpu.dma_semaphore, #tpu.memory_space<semaphore_mem>>, %arg16: memref<!tpu.dma_semaphore, #tpu.memory_space<semaphore_mem>>) attributes {dimension_semantics = [#tpu.dimension_semantics<core_parallel>, #tpu.dimension_semantics<subcore_parallel>], iteration_bounds = array<i64: 2, 16>, scalar_prefetch = 0 : i64, scratch_operands = 8 : i64, tpu.core_type = #tpu.core_type<sc_vector_subcore>, window_params = [{transform_indices = #map}, {transform_indices = #map}, {transform_indices = #map}, {transform_indices = #map}, {transform_indices = #map}, {transform_indices = #map}, {transform_indices = #map}]} {
    %mul3A = arith.constant 632 : i32
    %mul3A_0 = arith.muli %arg1, %mul3A : i32
    %multiple_of3A = tpu.assume_multiple %mul3A_0, 8 : i32
    "tpu.region"() ({
      %run_scoped3A = tpu.sem_alloc : memref<!tpu.dma_semaphore, #tpu.memory_space<semaphore_mem>>
      %dma_start3A = arith.constant 0 : i32
      %dma_start3A_29 = tpu.memref_slice %arg14[%multiple_of3A, %dma_start3A] : memref<10112x128xf32, #tpu.memory_space<vmem_shared>> -> memref<632x128xf32, #tpu.memory_space<vmem_shared>>
      %dma_start3A_30 = arith.constant 0 : i32
      %dma_start3A_31 = tpu.memref_slice %arg6[%multiple_of3A, %dma_start3A_30] : memref<10112x128xf32, #tpu.memory_space<hbm>> -> memref<632x128xf32, #tpu.memory_space<hbm>>
      tpu.enqueue_dma source(%dma_start3A_31 : memref<632x128xf32, #tpu.memory_space<hbm>>) target(%dma_start3A_29 : memref<632x128xf32, #tpu.memory_space<vmem_shared>>) target_semaphore(%run_scoped3A : memref<!tpu.dma_semaphore, #tpu.memory_space<semaphore_mem>>)
      %dma_wait3A = arith.constant 0 : i32
      %dma_wait3A_32 = tpu.memref_slice %arg14[%multiple_of3A, %dma_wait3A] : memref<10112x128xf32, #tpu.memory_space<vmem_shared>> -> memref<632x128xf32, #tpu.memory_space<vmem_shared>>
      %dma_wait3A_33 = arith.constant 0 : i32
      %dma_wait3A_34 = tpu.memref_slice %arg6[%multiple_of3A, %dma_wait3A_33] : memref<10112x128xf32, #tpu.memory_space<hbm>> -> memref<632x128xf32, #tpu.memory_space<hbm>>
      tpu.wait_dma2 semaphore(%run_scoped3A : memref<!tpu.dma_semaphore, #tpu.memory_space<semaphore_mem>>) src(%dma_wait3A_34 : memref<632x128xf32, #tpu.memory_space<hbm>>) dst(%dma_wait3A_32 : memref<632x128xf32, #tpu.memory_space<vmem_shared>>)
      tpu.yield
    }) : () -> ()
    %mul3A_1 = arith.constant 160 : i32
    %mul3A_2 = arith.muli %arg1, %mul3A_1 : i32
    %barrier3A = arith.constant 0 : index
    tpu.barrier barrier_id(%barrier3A)
    %multiple_of3A_3 = tpu.assume_multiple %mul3A_2, 8 : i32
    "tpu.region"() ({
      %run_scoped3A = tpu.sem_alloc : memref<!tpu.dma_semaphore, #tpu.memory_space<semaphore_mem>>
      %dma_start3A = arith.constant 0 : i32
      %dma_start3A_29 = tpu.memref_slice %arg2[%multiple_of3A_3, %dma_start3A] : memref<2560x128xi32, #tpu.memory_space<hbm>> -> memref<16x128xi32, #tpu.memory_space<hbm>>
      %dma_start3A_30 = arith.constant 0 : i32
      %dma_start3A_31 = tpu.memref_slice %arg2[%multiple_of3A_3, %dma_start3A_30] : memref<2560x128xi32, #tpu.memory_space<hbm>> -> memref<16x128xi32, #tpu.memory_space<hbm>>
      tpu.enqueue_dma source(%dma_start3A_31 : memref<16x128xi32, #tpu.memory_space<hbm>>) target(%arg9 : memref<16x128xi32, #tpu.memory_space<vmem>>) target_semaphore(%run_scoped3A : memref<!tpu.dma_semaphore, #tpu.memory_space<semaphore_mem>>)
      %dma_wait3A = arith.constant 0 : i32
      %dma_wait3A_32 = tpu.memref_slice %arg2[%multiple_of3A_3, %dma_wait3A] : memref<2560x128xi32, #tpu.memory_space<hbm>> -> memref<16x128xi32, #tpu.memory_space<hbm>>
      %dma_wait3A_33 = arith.constant 0 : i32
      %dma_wait3A_34 = tpu.memref_slice %arg2[%multiple_of3A_3, %dma_wait3A_33] : memref<2560x128xi32, #tpu.memory_space<hbm>> -> memref<16x128xi32, #tpu.memory_space<hbm>>
      tpu.wait_dma2 semaphore(%run_scoped3A : memref<!tpu.dma_semaphore, #tpu.memory_space<semaphore_mem>>) src(%dma_wait3A_34 : memref<16x128xi32, #tpu.memory_space<hbm>>) dst(%arg9 : memref<16x128xi32, #tpu.memory_space<vmem>>)
      tpu.yield
    }) : () -> ()
    %eq3A = arith.constant 0 : i32
    %eq3A_4 = arith.cmpi eq, %arg0, %eq3A : i32
    %convert_element_type3A = arith.extui %eq3A_4 : i1 to i32
    %cond3A = arith.constant 0 : i32
    %cond3A_5 = arith.constant 0 : i32
    %cond3A_6 = arith.cmpi ne, %convert_element_type3A, %cond3A_5 : i32
    scf.if %cond3A_6 {
      %dma_start3A = arith.constant 0 : i32
      %dma_start3A_29 = tpu.memref_slice %arg9[%cond3A, %dma_start3A] : memref<16x128xi32, #tpu.memory_space<vmem>> -> memref<1x128xi32, #tpu.memory_space<vmem>>
      %dma_start3A_30 = tpu.memref_squeeze %dma_start3A_29 : memref<1x128xi32, #tpu.memory_space<vmem>> -> memref<128xi32, #tpu.memory_space<vmem>>
      %dma_start3A_31 = arith.constant 0 : i32
      %dma_start3A_32 = arith.constant 0 : i32
      %dma_start3A_33 = tpu.memref_slice %arg4[%dma_start3A_31, %dma_start3A_32] : memref<10112x128xf32, #tpu.memory_space<hbm>> -> memref<10112x128xf32, #tpu.memory_space<hbm>>
      tpu.enqueue_indirect_dma source(%dma_start3A_33 : memref<10112x128xf32, #tpu.memory_space<hbm>>) target(%arg12 : memref<128x128xf32, #tpu.memory_space<vmem>>) offsets(%dma_start3A_30 : memref<128xi32, #tpu.memory_space<vmem>>) semaphore(%arg15 : memref<!tpu.dma_semaphore, #tpu.memory_space<semaphore_mem>>)
    } else {
    }
    %eq3A_7 = arith.constant 1 : i32
    %eq3A_8 = arith.cmpi eq, %arg0, %eq3A_7 : i32
    %convert_element_type3A_9 = arith.extui %eq3A_8 : i1 to i32
    %cond3A_10 = arith.constant 0 : i32
    %cond3A_11 = arith.constant 0 : i32
    %cond3A_12 = arith.cmpi ne, %convert_element_type3A_9, %cond3A_11 : i32
    scf.if %cond3A_12 {
      %dma_start3A = arith.constant 0 : i32
      %dma_start3A_29 = tpu.memref_slice %arg9[%cond3A_10, %dma_start3A] : memref<16x128xi32, #tpu.memory_space<vmem>> -> memref<1x128xi32, #tpu.memory_space<vmem>>
      %dma_start3A_30 = tpu.memref_squeeze %dma_start3A_29 : memref<1x128xi32, #tpu.memory_space<vmem>> -> memref<128xi32, #tpu.memory_space<vmem>>
      %dma_start3A_31 = arith.constant 0 : i32
      %dma_start3A_32 = arith.constant 0 : i32
      %dma_start3A_33 = tpu.memref_slice %arg5[%dma_start3A_31, %dma_start3A_32] : memref<10112x128xf32, #tpu.memory_space<hbm>> -> memref<10112x128xf32, #tpu.memory_space<hbm>>
      tpu.enqueue_indirect_dma source(%dma_start3A_33 : memref<10112x128xf32, #tpu.memory_space<hbm>>) target(%arg12 : memref<128x128xf32, #tpu.memory_space<vmem>>) offsets(%dma_start3A_30 : memref<128xi32, #tpu.memory_space<vmem>>) semaphore(%arg15 : memref<!tpu.dma_semaphore, #tpu.memory_space<semaphore_mem>>)
    } else {
    }
    %scan3A = arith.constant 0 : i32
    %scan3A_13 = arith.constant 0 : i32
    %scan3A_14 = arith.constant 160 : i32
    %scan3A_15 = arith.addi %scan3A_13, %scan3A_14 : i32
    %scan3A_16 = arith.constant 1 : i32
    scf.for %scan3A_29 = %scan3A_13 to %scan3A_15 step %scan3A_16  : i32 {
      %add3A = arith.constant 1 : i32
      %add3A_30 = arith.addi %scan3A_29, %add3A : i32
      %lt3A = arith.constant 160 : i32
      %lt3A_31 = arith.cmpi slt, %add3A_30, %lt3A : i32
      %convert_element_type3A_32 = arith.extui %lt3A_31 : i1 to i32
      %cond3A_33 = arith.constant 0 : i32
      %cond3A_34 = arith.cmpi ne, %convert_element_type3A_32, %cond3A_33 : i32
      scf.if %cond3A_34 {
        %jit3A_109 = arith.constant 16 : i32
        %eq3A_110 = arith.constant 0 : i32
        %eq3A_111 = arith.cmpi eq, %jit3A_109, %eq3A_110 : i32
        %jit3A_112 = arith.constant 1 : i32
        %select_n3A_113 = arith.select %eq3A_111, %jit3A_112, %jit3A_109 : i32
        %rem3A_114 = arith.remsi %add3A_30, %select_n3A_113 : i32
        %ne3A_115 = arith.constant 0 : i32
        %ne3A_116 = arith.cmpi ne, %rem3A_114, %ne3A_115 : i32
        %lt3A_117 = arith.constant 0 : i32
        %lt3A_118 = arith.cmpi slt, %rem3A_114, %lt3A_117 : i32
        %lt3A_119 = arith.constant 0 : i32
        %lt3A_120 = arith.cmpi slt, %select_n3A_113, %lt3A_119 : i32
        %ne3A_121 = arith.xori %lt3A_118, %lt3A_120 : i1
        %and3A_122 = arith.andi %ne3A_121, %ne3A_116 : i1
        %add3A_123 = arith.addi %rem3A_114, %select_n3A_113 : i32
        %select_n3A_124 = arith.select %and3A_122, %add3A_123, %rem3A_114 : i32
        %eq3A_125 = arith.constant 0 : i32
        %eq3A_126 = arith.cmpi eq, %select_n3A_124, %eq3A_125 : i32
        %convert_element_type3A_127 = arith.extui %eq3A_126 : i1 to i32
        %cond3A_128 = arith.constant 0 : i32
        %cond3A_129 = arith.cmpi ne, %convert_element_type3A_127, %cond3A_128 : i32
        scf.if %cond3A_129 {
          %jit3A_399 = arith.constant 16 : i32
          %div3A_400 = arith.divsi %add3A_30, %jit3A_399 : i32
          %sign3A_401 = arith.constant 0 : i32
          %sign3A_402 = arith.cmpi sgt, %add3A_30, %sign3A_401 : i32
          %sign3A_403 = arith.extui %sign3A_402 : i1 to i32
          %sign3A_404 = arith.constant 0 : i32
          %sign3A_405 = arith.cmpi slt, %add3A_30, %sign3A_404 : i32
          %sign3A_406 = arith.extui %sign3A_405 : i1 to i32
          %sign3A_407 = arith.subi %sign3A_403, %sign3A_406 : i32
          %sign3A_408 = arith.constant 0 : i32
          %sign3A_409 = arith.cmpi sgt, %jit3A_399, %sign3A_408 : i32
          %sign3A_410 = arith.extui %sign3A_409 : i1 to i32
          %sign3A_411 = arith.constant 0 : i32
          %sign3A_412 = arith.cmpi slt, %jit3A_399, %sign3A_411 : i32
          %sign3A_413 = arith.extui %sign3A_412 : i1 to i32
          %sign3A_414 = arith.subi %sign3A_410, %sign3A_413 : i32
          %ne3A_415 = arith.cmpi ne, %sign3A_407, %sign3A_414 : i32
          %rem3A_416 = arith.remsi %add3A_30, %jit3A_399 : i32
          %ne3A_417 = arith.constant 0 : i32
          %ne3A_418 = arith.cmpi ne, %rem3A_416, %ne3A_417 : i32
          %and3A_419 = arith.andi %ne3A_415, %ne3A_418 : i1
          %sub3A_420 = arith.constant 1 : i32
          %sub3A_421 = arith.subi %div3A_400, %sub3A_420 : i32
          %select_n3A_422 = arith.select %and3A_419, %sub3A_421, %div3A_400 : i32
          %jit3A_423 = arith.constant 2 : i32
          %eq3A_424 = arith.constant 0 : i32
          %eq3A_425 = arith.cmpi eq, %jit3A_423, %eq3A_424 : i32
          %jit3A_426 = arith.constant 1 : i32
          %select_n3A_427 = arith.select %eq3A_425, %jit3A_426, %jit3A_423 : i32
          %rem3A_428 = arith.remsi %select_n3A_422, %select_n3A_427 : i32
          %ne3A_429 = arith.constant 0 : i32
          %ne3A_430 = arith.cmpi ne, %rem3A_428, %ne3A_429 : i32
          %lt3A_431 = arith.constant 0 : i32
          %lt3A_432 = arith.cmpi slt, %rem3A_428, %lt3A_431 : i32
          %lt3A_433 = arith.constant 0 : i32
          %lt3A_434 = arith.cmpi slt, %select_n3A_427, %lt3A_433 : i32
          %ne3A_435 = arith.xori %lt3A_432, %lt3A_434 : i1
          %and3A_436 = arith.andi %ne3A_435, %ne3A_430 : i1
          %add3A_437 = arith.addi %rem3A_428, %select_n3A_427 : i32
          %select_n3A_438 = arith.select %and3A_436, %add3A_437, %rem3A_428 : i32
          %eq3A_439 = arith.constant 0 : i32
          %eq3A_440 = arith.cmpi eq, %select_n3A_438, %eq3A_439 : i32
          %convert_element_type3A_441 = arith.extui %eq3A_440 : i1 to i32
          %cond3A_442 = arith.constant 0 : i32
          %cond3A_443 = arith.cmpi ne, %convert_element_type3A_441, %cond3A_442 : i32
          scf.if %cond3A_443 {
            %add3A_489 = arith.addi %mul3A_2, %add3A_30 : i32
            %multiple_of3A_490 = tpu.assume_multiple %add3A_489, 8 : i32
            "tpu.region"() ({
              %run_scoped3A = tpu.sem_alloc : memref<!tpu.dma_semaphore, #tpu.memory_space<semaphore_mem>>
              %dma_start3A = arith.constant 0 : i32
              %dma_start3A_491 = tpu.memref_slice %arg2[%multiple_of3A_490, %dma_start3A] : memref<2560x128xi32, #tpu.memory_space<hbm>> -> memref<16x128xi32, #tpu.memory_space<hbm>>
              %dma_start3A_492 = arith.constant 0 : i32
              %dma_start3A_493 = tpu.memref_slice %arg2[%multiple_of3A_490, %dma_start3A_492] : memref<2560x128xi32, #tpu.memory_space<hbm>> -> memref<16x128xi32, #tpu.memory_space<hbm>>
              tpu.enqueue_dma source(%dma_start3A_493 : memref<16x128xi32, #tpu.memory_space<hbm>>) target(%arg9 : memref<16x128xi32, #tpu.memory_space<vmem>>) target_semaphore(%run_scoped3A : memref<!tpu.dma_semaphore, #tpu.memory_space<semaphore_mem>>)
              %dma_wait3A = arith.constant 0 : i32
              %dma_wait3A_494 = tpu.memref_slice %arg2[%multiple_of3A_490, %dma_wait3A] : memref<2560x128xi32, #tpu.memory_space<hbm>> -> memref<16x128xi32, #tpu.memory_space<hbm>>
              %dma_wait3A_495 = arith.constant 0 : i32
              %dma_wait3A_496 = tpu.memref_slice %arg2[%multiple_of3A_490, %dma_wait3A_495] : memref<2560x128xi32, #tpu.memory_space<hbm>> -> memref<16x128xi32, #tpu.memory_space<hbm>>
              tpu.wait_dma2 semaphore(%run_scoped3A : memref<!tpu.dma_semaphore, #tpu.memory_space<semaphore_mem>>) src(%dma_wait3A_496 : memref<16x128xi32, #tpu.memory_space<hbm>>) dst(%arg9 : memref<16x128xi32, #tpu.memory_space<vmem>>)
              tpu.yield
            }) : () -> ()
          } else {
          }
          %jit3A_444 = arith.constant 16 : i32
          %div3A_445 = arith.divsi %add3A_30, %jit3A_444 : i32
          %sign3A_446 = arith.constant 0 : i32
          %sign3A_447 = arith.cmpi sgt, %add3A_30, %sign3A_446 : i32
          %sign3A_448 = arith.extui %sign3A_447 : i1 to i32
          %sign3A_449 = arith.constant 0 : i32
          %sign3A_450 = arith.cmpi slt, %add3A_30, %sign3A_449 : i32
          %sign3A_451 = arith.extui %sign3A_450 : i1 to i32
          %sign3A_452 = arith.subi %sign3A_448, %sign3A_451 : i32
          %sign3A_453 = arith.constant 0 : i32
          %sign3A_454 = arith.cmpi sgt, %jit3A_444, %sign3A_453 : i32
          %sign3A_455 = arith.extui %sign3A_454 : i1 to i32
          %sign3A_456 = arith.constant 0 : i32
          %sign3A_457 = arith.cmpi slt, %jit3A_444, %sign3A_456 : i32
          %sign3A_458 = arith.extui %sign3A_457 : i1 to i32
          %sign3A_459 = arith.subi %sign3A_455, %sign3A_458 : i32
          %ne3A_460 = arith.cmpi ne, %sign3A_452, %sign3A_459 : i32
          %rem3A_461 = arith.remsi %add3A_30, %jit3A_444 : i32
          %ne3A_462 = arith.constant 0 : i32
          %ne3A_463 = arith.cmpi ne, %rem3A_461, %ne3A_462 : i32
          %and3A_464 = arith.andi %ne3A_460, %ne3A_463 : i1
          %sub3A_465 = arith.constant 1 : i32
          %sub3A_466 = arith.subi %div3A_445, %sub3A_465 : i32
          %select_n3A_467 = arith.select %and3A_464, %sub3A_466, %div3A_445 : i32
          %jit3A_468 = arith.constant 2 : i32
          %eq3A_469 = arith.constant 0 : i32
          %eq3A_470 = arith.cmpi eq, %jit3A_468, %eq3A_469 : i32
          %jit3A_471 = arith.constant 1 : i32
          %select_n3A_472 = arith.select %eq3A_470, %jit3A_471, %jit3A_468 : i32
          %rem3A_473 = arith.remsi %select_n3A_467, %select_n3A_472 : i32
          %ne3A_474 = arith.constant 0 : i32
          %ne3A_475 = arith.cmpi ne, %rem3A_473, %ne3A_474 : i32
          %lt3A_476 = arith.constant 0 : i32
          %lt3A_477 = arith.cmpi slt, %rem3A_473, %lt3A_476 : i32
          %lt3A_478 = arith.constant 0 : i32
          %lt3A_479 = arith.cmpi slt, %select_n3A_472, %lt3A_478 : i32
          %ne3A_480 = arith.xori %lt3A_477, %lt3A_479 : i1
          %and3A_481 = arith.andi %ne3A_480, %ne3A_475 : i1
          %add3A_482 = arith.addi %rem3A_473, %select_n3A_472 : i32
          %select_n3A_483 = arith.select %and3A_481, %add3A_482, %rem3A_473 : i32
          %eq3A_484 = arith.constant 1 : i32
          %eq3A_485 = arith.cmpi eq, %select_n3A_483, %eq3A_484 : i32
          %convert_element_type3A_486 = arith.extui %eq3A_485 : i1 to i32
          %cond3A_487 = arith.constant 0 : i32
          %cond3A_488 = arith.cmpi ne, %convert_element_type3A_486, %cond3A_487 : i32
          scf.if %cond3A_488 {
            %add3A_489 = arith.addi %mul3A_2, %add3A_30 : i32
            %multiple_of3A_490 = tpu.assume_multiple %add3A_489, 8 : i32
            "tpu.region"() ({
              %run_scoped3A = tpu.sem_alloc : memref<!tpu.dma_semaphore, #tpu.memory_space<semaphore_mem>>
              %dma_start3A = arith.constant 0 : i32
              %dma_start3A_491 = tpu.memref_slice %arg2[%multiple_of3A_490, %dma_start3A] : memref<2560x128xi32, #tpu.memory_space<hbm>> -> memref<16x128xi32, #tpu.memory_space<hbm>>
              %dma_start3A_492 = arith.constant 0 : i32
              %dma_start3A_493 = tpu.memref_slice %arg2[%multiple_of3A_490, %dma_start3A_492] : memref<2560x128xi32, #tpu.memory_space<hbm>> -> memref<16x128xi32, #tpu.memory_space<hbm>>
              tpu.enqueue_dma source(%dma_start3A_493 : memref<16x128xi32, #tpu.memory_space<hbm>>) target(%arg10 : memref<16x128xi32, #tpu.memory_space<vmem>>) target_semaphore(%run_scoped3A : memref<!tpu.dma_semaphore, #tpu.memory_space<semaphore_mem>>)
              %dma_wait3A = arith.constant 0 : i32
              %dma_wait3A_494 = tpu.memref_slice %arg2[%multiple_of3A_490, %dma_wait3A] : memref<2560x128xi32, #tpu.memory_space<hbm>> -> memref<16x128xi32, #tpu.memory_space<hbm>>
              %dma_wait3A_495 = arith.constant 0 : i32
              %dma_wait3A_496 = tpu.memref_slice %arg2[%multiple_of3A_490, %dma_wait3A_495] : memref<2560x128xi32, #tpu.memory_space<hbm>> -> memref<16x128xi32, #tpu.memory_space<hbm>>
              tpu.wait_dma2 semaphore(%run_scoped3A : memref<!tpu.dma_semaphore, #tpu.memory_space<semaphore_mem>>) src(%dma_wait3A_496 : memref<16x128xi32, #tpu.memory_space<hbm>>) dst(%arg10 : memref<16x128xi32, #tpu.memory_space<vmem>>)
              tpu.yield
            }) : () -> ()
          } else {
          }
        } else {
        }
        %jit3A_130 = arith.constant 16 : i32
        %eq3A_131 = arith.constant 0 : i32
        %eq3A_132 = arith.cmpi eq, %jit3A_130, %eq3A_131 : i32
        %jit3A_133 = arith.constant 1 : i32
        %select_n3A_134 = arith.select %eq3A_132, %jit3A_133, %jit3A_130 : i32
        %rem3A_135 = arith.remsi %add3A_30, %select_n3A_134 : i32
        %ne3A_136 = arith.constant 0 : i32
        %ne3A_137 = arith.cmpi ne, %rem3A_135, %ne3A_136 : i32
        %lt3A_138 = arith.constant 0 : i32
        %lt3A_139 = arith.cmpi slt, %rem3A_135, %lt3A_138 : i32
        %lt3A_140 = arith.constant 0 : i32
        %lt3A_141 = arith.cmpi slt, %select_n3A_134, %lt3A_140 : i32
        %ne3A_142 = arith.xori %lt3A_139, %lt3A_141 : i1
        %and3A_143 = arith.andi %ne3A_142, %ne3A_137 : i1
        %add3A_144 = arith.addi %rem3A_135, %select_n3A_134 : i32
        %select_n3A_145 = arith.select %and3A_143, %add3A_144, %rem3A_135 : i32
        %jit3A_146 = arith.constant 16 : i32
        %div3A = arith.divsi %add3A_30, %jit3A_146 : i32
        %sign3A = arith.constant 0 : i32
        %sign3A_147 = arith.cmpi sgt, %add3A_30, %sign3A : i32
        %sign3A_148 = arith.extui %sign3A_147 : i1 to i32
        %sign3A_149 = arith.constant 0 : i32
        %sign3A_150 = arith.cmpi slt, %add3A_30, %sign3A_149 : i32
        %sign3A_151 = arith.extui %sign3A_150 : i1 to i32
        %sign3A_152 = arith.subi %sign3A_148, %sign3A_151 : i32
        %sign3A_153 = arith.constant 0 : i32
        %sign3A_154 = arith.cmpi sgt, %jit3A_146, %sign3A_153 : i32
        %sign3A_155 = arith.extui %sign3A_154 : i1 to i32
        %sign3A_156 = arith.constant 0 : i32
        %sign3A_157 = arith.cmpi slt, %jit3A_146, %sign3A_156 : i32
        %sign3A_158 = arith.extui %sign3A_157 : i1 to i32
        %sign3A_159 = arith.subi %sign3A_155, %sign3A_158 : i32
        %ne3A_160 = arith.cmpi ne, %sign3A_152, %sign3A_159 : i32
        %rem3A_161 = arith.remsi %add3A_30, %jit3A_146 : i32
        %ne3A_162 = arith.constant 0 : i32
        %ne3A_163 = arith.cmpi ne, %rem3A_161, %ne3A_162 : i32
        %and3A_164 = arith.andi %ne3A_160, %ne3A_163 : i1
        %sub3A = arith.constant 1 : i32
        %sub3A_165 = arith.subi %div3A, %sub3A : i32
        %select_n3A_166 = arith.select %and3A_164, %sub3A_165, %div3A : i32
        %jit3A_167 = arith.constant 2 : i32
        %eq3A_168 = arith.constant 0 : i32
        %eq3A_169 = arith.cmpi eq, %jit3A_167, %eq3A_168 : i32
        %jit3A_170 = arith.constant 1 : i32
        %select_n3A_171 = arith.select %eq3A_169, %jit3A_170, %jit3A_167 : i32
        %rem3A_172 = arith.remsi %select_n3A_166, %select_n3A_171 : i32
        %ne3A_173 = arith.constant 0 : i32
        %ne3A_174 = arith.cmpi ne, %rem3A_172, %ne3A_173 : i32
        %lt3A_175 = arith.constant 0 : i32
        %lt3A_176 = arith.cmpi slt, %rem3A_172, %lt3A_175 : i32
        %lt3A_177 = arith.constant 0 : i32
        %lt3A_178 = arith.cmpi slt, %select_n3A_171, %lt3A_177 : i32
        %ne3A_179 = arith.xori %lt3A_176, %lt3A_178 : i1
        %and3A_180 = arith.andi %ne3A_179, %ne3A_174 : i1
        %add3A_181 = arith.addi %rem3A_172, %select_n3A_171 : i32
        %select_n3A_182 = arith.select %and3A_180, %add3A_181, %rem3A_172 : i32
        %eq3A_183 = arith.constant 0 : i32
        %eq3A_184 = arith.cmpi eq, %select_n3A_182, %eq3A_183 : i32
        %jit3A_185 = arith.constant 2 : i32
        %eq3A_186 = arith.constant 0 : i32
        %eq3A_187 = arith.cmpi eq, %jit3A_185, %eq3A_186 : i32
        %jit3A_188 = arith.constant 1 : i32
        %select_n3A_189 = arith.select %eq3A_187, %jit3A_188, %jit3A_185 : i32
        %rem3A_190 = arith.remsi %add3A_30, %select_n3A_189 : i32
        %ne3A_191 = arith.constant 0 : i32
        %ne3A_192 = arith.cmpi ne, %rem3A_190, %ne3A_191 : i32
        %lt3A_193 = arith.constant 0 : i32
        %lt3A_194 = arith.cmpi slt, %rem3A_190, %lt3A_193 : i32
        %lt3A_195 = arith.constant 0 : i32
        %lt3A_196 = arith.cmpi slt, %select_n3A_189, %lt3A_195 : i32
        %ne3A_197 = arith.xori %lt3A_194, %lt3A_196 : i1
        %and3A_198 = arith.andi %ne3A_197, %ne3A_192 : i1
        %add3A_199 = arith.addi %rem3A_190, %select_n3A_189 : i32
        %select_n3A_200 = arith.select %and3A_198, %add3A_199, %rem3A_190 : i32
        %eq3A_201 = arith.constant 0 : i32
        %eq3A_202 = arith.cmpi eq, %select_n3A_200, %eq3A_201 : i32
        %and3A_203 = arith.andi %eq3A_184, %eq3A_202 : i1
        %convert_element_type3A_204 = arith.extui %and3A_203 : i1 to i32
        %cond3A_205 = arith.constant 0 : i32
        %cond3A_206 = arith.cmpi ne, %convert_element_type3A_204, %cond3A_205 : i32
        scf.if %cond3A_206 {
          %eq3A_399 = arith.constant 0 : i32
          %eq3A_400 = arith.cmpi eq, %arg0, %eq3A_399 : i32
          %convert_element_type3A_401 = arith.extui %eq3A_400 : i1 to i32
          %cond3A_402 = arith.constant 0 : i32
          %cond3A_403 = arith.cmpi ne, %convert_element_type3A_401, %cond3A_402 : i32
          scf.if %cond3A_403 {
            %dma_start3A = arith.constant 0 : i32
            %dma_start3A_409 = tpu.memref_slice %arg9[%select_n3A_145, %dma_start3A] : memref<16x128xi32, #tpu.memory_space<vmem>> -> memref<1x128xi32, #tpu.memory_space<vmem>>
            %dma_start3A_410 = tpu.memref_squeeze %dma_start3A_409 : memref<1x128xi32, #tpu.memory_space<vmem>> -> memref<128xi32, #tpu.memory_space<vmem>>
            %dma_start3A_411 = arith.constant 0 : i32
            %dma_start3A_412 = arith.constant 0 : i32
            %dma_start3A_413 = tpu.memref_slice %arg4[%dma_start3A_411, %dma_start3A_412] : memref<10112x128xf32, #tpu.memory_space<hbm>> -> memref<10112x128xf32, #tpu.memory_space<hbm>>
            tpu.enqueue_indirect_dma source(%dma_start3A_413 : memref<10112x128xf32, #tpu.memory_space<hbm>>) target(%arg12 : memref<128x128xf32, #tpu.memory_space<vmem>>) offsets(%dma_start3A_410 : memref<128xi32, #tpu.memory_space<vmem>>) semaphore(%arg15 : memref<!tpu.dma_semaphore, #tpu.memory_space<semaphore_mem>>)
          } else {
          }
          %eq3A_404 = arith.constant 1 : i32
          %eq3A_405 = arith.cmpi eq, %arg0, %eq3A_404 : i32
          %convert_element_type3A_406 = arith.extui %eq3A_405 : i1 to i32
          %cond3A_407 = arith.constant 0 : i32
          %cond3A_408 = arith.cmpi ne, %convert_element_type3A_406, %cond3A_407 : i32
          scf.if %cond3A_408 {
            %dma_start3A = arith.constant 0 : i32
            %dma_start3A_409 = tpu.memref_slice %arg9[%select_n3A_145, %dma_start3A] : memref<16x128xi32, #tpu.memory_space<vmem>> -> memref<1x128xi32, #tpu.memory_space<vmem>>
            %dma_start3A_410 = tpu.memref_squeeze %dma_start3A_409 : memref<1x128xi32, #tpu.memory_space<vmem>> -> memref<128xi32, #tpu.memory_space<vmem>>
            %dma_start3A_411 = arith.constant 0 : i32
            %dma_start3A_412 = arith.constant 0 : i32
            %dma_start3A_413 = tpu.memref_slice %arg5[%dma_start3A_411, %dma_start3A_412] : memref<10112x128xf32, #tpu.memory_space<hbm>> -> memref<10112x128xf32, #tpu.memory_space<hbm>>
            tpu.enqueue_indirect_dma source(%dma_start3A_413 : memref<10112x128xf32, #tpu.memory_space<hbm>>) target(%arg12 : memref<128x128xf32, #tpu.memory_space<vmem>>) offsets(%dma_start3A_410 : memref<128xi32, #tpu.memory_space<vmem>>) semaphore(%arg15 : memref<!tpu.dma_semaphore, #tpu.memory_space<semaphore_mem>>)
          } else {
          }
        } else {
        }
        %jit3A_207 = arith.constant 16 : i32
        %div3A_208 = arith.divsi %add3A_30, %jit3A_207 : i32
        %sign3A_209 = arith.constant 0 : i32
        %sign3A_210 = arith.cmpi sgt, %add3A_30, %sign3A_209 : i32
        %sign3A_211 = arith.extui %sign3A_210 : i1 to i32
        %sign3A_212 = arith.constant 0 : i32
        %sign3A_213 = arith.cmpi slt, %add3A_30, %sign3A_212 : i32
        %sign3A_214 = arith.extui %sign3A_213 : i1 to i32
        %sign3A_215 = arith.subi %sign3A_211, %sign3A_214 : i32
        %sign3A_216 = arith.constant 0 : i32
        %sign3A_217 = arith.cmpi sgt, %jit3A_207, %sign3A_216 : i32
        %sign3A_218 = arith.extui %sign3A_217 : i1 to i32
        %sign3A_219 = arith.constant 0 : i32
        %sign3A_220 = arith.cmpi slt, %jit3A_207, %sign3A_219 : i32
        %sign3A_221 = arith.extui %sign3A_220 : i1 to i32
        %sign3A_222 = arith.subi %sign3A_218, %sign3A_221 : i32
        %ne3A_223 = arith.cmpi ne, %sign3A_215, %sign3A_222 : i32
        %rem3A_224 = arith.remsi %add3A_30, %jit3A_207 : i32
        %ne3A_225 = arith.constant 0 : i32
        %ne3A_226 = arith.cmpi ne, %rem3A_224, %ne3A_225 : i32
        %and3A_227 = arith.andi %ne3A_223, %ne3A_226 : i1
        %sub3A_228 = arith.constant 1 : i32
        %sub3A_229 = arith.subi %div3A_208, %sub3A_228 : i32
        %select_n3A_230 = arith.select %and3A_227, %sub3A_229, %div3A_208 : i32
        %jit3A_231 = arith.constant 2 : i32
        %eq3A_232 = arith.constant 0 : i32
        %eq3A_233 = arith.cmpi eq, %jit3A_231, %eq3A_232 : i32
        %jit3A_234 = arith.constant 1 : i32
        %select_n3A_235 = arith.select %eq3A_233, %jit3A_234, %jit3A_231 : i32
        %rem3A_236 = arith.remsi %select_n3A_230, %select_n3A_235 : i32
        %ne3A_237 = arith.constant 0 : i32
        %ne3A_238 = arith.cmpi ne, %rem3A_236, %ne3A_237 : i32
        %lt3A_239 = arith.constant 0 : i32
        %lt3A_240 = arith.cmpi slt, %rem3A_236, %lt3A_239 : i32
        %lt3A_241 = arith.constant 0 : i32
        %lt3A_242 = arith.cmpi slt, %select_n3A_235, %lt3A_241 : i32
        %ne3A_243 = arith.xori %lt3A_240, %lt3A_242 : i1
        %and3A_244 = arith.andi %ne3A_243, %ne3A_238 : i1
        %add3A_245 = arith.addi %rem3A_236, %select_n3A_235 : i32
        %select_n3A_246 = arith.select %and3A_244, %add3A_245, %rem3A_236 : i32
        %eq3A_247 = arith.constant 0 : i32
        %eq3A_248 = arith.cmpi eq, %select_n3A_246, %eq3A_247 : i32
        %jit3A_249 = arith.constant 2 : i32
        %eq3A_250 = arith.constant 0 : i32
        %eq3A_251 = arith.cmpi eq, %jit3A_249, %eq3A_250 : i32
        %jit3A_252 = arith.constant 1 : i32
        %select_n3A_253 = arith.select %eq3A_251, %jit3A_252, %jit3A_249 : i32
        %rem3A_254 = arith.remsi %add3A_30, %select_n3A_253 : i32
        %ne3A_255 = arith.constant 0 : i32
        %ne3A_256 = arith.cmpi ne, %rem3A_254, %ne3A_255 : i32
        %lt3A_257 = arith.constant 0 : i32
        %lt3A_258 = arith.cmpi slt, %rem3A_254, %lt3A_257 : i32
        %lt3A_259 = arith.constant 0 : i32
        %lt3A_260 = arith.cmpi slt, %select_n3A_253, %lt3A_259 : i32
        %ne3A_261 = arith.xori %lt3A_258, %lt3A_260 : i1
        %and3A_262 = arith.andi %ne3A_261, %ne3A_256 : i1
        %add3A_263 = arith.addi %rem3A_254, %select_n3A_253 : i32
        %select_n3A_264 = arith.select %and3A_262, %add3A_263, %rem3A_254 : i32
        %eq3A_265 = arith.constant 1 : i32
        %eq3A_266 = arith.cmpi eq, %select_n3A_264, %eq3A_265 : i32
        %and3A_267 = arith.andi %eq3A_248, %eq3A_266 : i1
        %convert_element_type3A_268 = arith.extui %and3A_267 : i1 to i32
        %cond3A_269 = arith.constant 0 : i32
        %cond3A_270 = arith.cmpi ne, %convert_element_type3A_268, %cond3A_269 : i32
        scf.if %cond3A_270 {
          %eq3A_399 = arith.constant 0 : i32
          %eq3A_400 = arith.cmpi eq, %arg0, %eq3A_399 : i32
          %convert_element_type3A_401 = arith.extui %eq3A_400 : i1 to i32
          %cond3A_402 = arith.constant 0 : i32
          %cond3A_403 = arith.cmpi ne, %convert_element_type3A_401, %cond3A_402 : i32
          scf.if %cond3A_403 {
            %dma_start3A = arith.constant 0 : i32
            %dma_start3A_409 = tpu.memref_slice %arg9[%select_n3A_145, %dma_start3A] : memref<16x128xi32, #tpu.memory_space<vmem>> -> memref<1x128xi32, #tpu.memory_space<vmem>>
            %dma_start3A_410 = tpu.memref_squeeze %dma_start3A_409 : memref<1x128xi32, #tpu.memory_space<vmem>> -> memref<128xi32, #tpu.memory_space<vmem>>
            %dma_start3A_411 = arith.constant 0 : i32
            %dma_start3A_412 = arith.constant 0 : i32
            %dma_start3A_413 = tpu.memref_slice %arg4[%dma_start3A_411, %dma_start3A_412] : memref<10112x128xf32, #tpu.memory_space<hbm>> -> memref<10112x128xf32, #tpu.memory_space<hbm>>
            tpu.enqueue_indirect_dma source(%dma_start3A_413 : memref<10112x128xf32, #tpu.memory_space<hbm>>) target(%arg13 : memref<128x128xf32, #tpu.memory_space<vmem>>) offsets(%dma_start3A_410 : memref<128xi32, #tpu.memory_space<vmem>>) semaphore(%arg16 : memref<!tpu.dma_semaphore, #tpu.memory_space<semaphore_mem>>)
          } else {
          }
          %eq3A_404 = arith.constant 1 : i32
          %eq3A_405 = arith.cmpi eq, %arg0, %eq3A_404 : i32
          %convert_element_type3A_406 = arith.extui %eq3A_405 : i1 to i32
          %cond3A_407 = arith.constant 0 : i32
          %cond3A_408 = arith.cmpi ne, %convert_element_type3A_406, %cond3A_407 : i32
          scf.if %cond3A_408 {
            %dma_start3A = arith.constant 0 : i32
            %dma_start3A_409 = tpu.memref_slice %arg9[%select_n3A_145, %dma_start3A] : memref<16x128xi32, #tpu.memory_space<vmem>> -> memref<1x128xi32, #tpu.memory_space<vmem>>
            %dma_start3A_410 = tpu.memref_squeeze %dma_start3A_409 : memref<1x128xi32, #tpu.memory_space<vmem>> -> memref<128xi32, #tpu.memory_space<vmem>>
            %dma_start3A_411 = arith.constant 0 : i32
            %dma_start3A_412 = arith.constant 0 : i32
            %dma_start3A_413 = tpu.memref_slice %arg5[%dma_start3A_411, %dma_start3A_412] : memref<10112x128xf32, #tpu.memory_space<hbm>> -> memref<10112x128xf32, #tpu.memory_space<hbm>>
            tpu.enqueue_indirect_dma source(%dma_start3A_413 : memref<10112x128xf32, #tpu.memory_space<hbm>>) target(%arg13 : memref<128x128xf32, #tpu.memory_space<vmem>>) offsets(%dma_start3A_410 : memref<128xi32, #tpu.memory_space<vmem>>) semaphore(%arg16 : memref<!tpu.dma_semaphore, #tpu.memory_space<semaphore_mem>>)
          } else {
          }
        } else {
        }
        %jit3A_271 = arith.constant 16 : i32
        %div3A_272 = arith.divsi %add3A_30, %jit3A_271 : i32
        %sign3A_273 = arith.constant 0 : i32
        %sign3A_274 = arith.cmpi sgt, %add3A_30, %sign3A_273 : i32
        %sign3A_275 = arith.extui %sign3A_274 : i1 to i32
        %sign3A_276 = arith.constant 0 : i32
        %sign3A_277 = arith.cmpi slt, %add3A_30, %sign3A_276 : i32
        %sign3A_278 = arith.extui %sign3A_277 : i1 to i32
        %sign3A_279 = arith.subi %sign3A_275, %sign3A_278 : i32
        %sign3A_280 = arith.constant 0 : i32
        %sign3A_281 = arith.cmpi sgt, %jit3A_271, %sign3A_280 : i32
        %sign3A_282 = arith.extui %sign3A_281 : i1 to i32
        %sign3A_283 = arith.constant 0 : i32
        %sign3A_284 = arith.cmpi slt, %jit3A_271, %sign3A_283 : i32
        %sign3A_285 = arith.extui %sign3A_284 : i1 to i32
        %sign3A_286 = arith.subi %sign3A_282, %sign3A_285 : i32
        %ne3A_287 = arith.cmpi ne, %sign3A_279, %sign3A_286 : i32
        %rem3A_288 = arith.remsi %add3A_30, %jit3A_271 : i32
        %ne3A_289 = arith.constant 0 : i32
        %ne3A_290 = arith.cmpi ne, %rem3A_288, %ne3A_289 : i32
        %and3A_291 = arith.andi %ne3A_287, %ne3A_290 : i1
        %sub3A_292 = arith.constant 1 : i32
        %sub3A_293 = arith.subi %div3A_272, %sub3A_292 : i32
        %select_n3A_294 = arith.select %and3A_291, %sub3A_293, %div3A_272 : i32
        %jit3A_295 = arith.constant 2 : i32
        %eq3A_296 = arith.constant 0 : i32
        %eq3A_297 = arith.cmpi eq, %jit3A_295, %eq3A_296 : i32
        %jit3A_298 = arith.constant 1 : i32
        %select_n3A_299 = arith.select %eq3A_297, %jit3A_298, %jit3A_295 : i32
        %rem3A_300 = arith.remsi %select_n3A_294, %select_n3A_299 : i32
        %ne3A_301 = arith.constant 0 : i32
        %ne3A_302 = arith.cmpi ne, %rem3A_300, %ne3A_301 : i32
        %lt3A_303 = arith.constant 0 : i32
        %lt3A_304 = arith.cmpi slt, %rem3A_300, %lt3A_303 : i32
        %lt3A_305 = arith.constant 0 : i32
        %lt3A_306 = arith.cmpi slt, %select_n3A_299, %lt3A_305 : i32
        %ne3A_307 = arith.xori %lt3A_304, %lt3A_306 : i1
        %and3A_308 = arith.andi %ne3A_307, %ne3A_302 : i1
        %add3A_309 = arith.addi %rem3A_300, %select_n3A_299 : i32
        %select_n3A_310 = arith.select %and3A_308, %add3A_309, %rem3A_300 : i32
        %eq3A_311 = arith.constant 1 : i32
        %eq3A_312 = arith.cmpi eq, %select_n3A_310, %eq3A_311 : i32
        %jit3A_313 = arith.constant 2 : i32
        %eq3A_314 = arith.constant 0 : i32
        %eq3A_315 = arith.cmpi eq, %jit3A_313, %eq3A_314 : i32
        %jit3A_316 = arith.constant 1 : i32
        %select_n3A_317 = arith.select %eq3A_315, %jit3A_316, %jit3A_313 : i32
        %rem3A_318 = arith.remsi %add3A_30, %select_n3A_317 : i32
        %ne3A_319 = arith.constant 0 : i32
        %ne3A_320 = arith.cmpi ne, %rem3A_318, %ne3A_319 : i32
        %lt3A_321 = arith.constant 0 : i32
        %lt3A_322 = arith.cmpi slt, %rem3A_318, %lt3A_321 : i32
        %lt3A_323 = arith.constant 0 : i32
        %lt3A_324 = arith.cmpi slt, %select_n3A_317, %lt3A_323 : i32
        %ne3A_325 = arith.xori %lt3A_322, %lt3A_324 : i1
        %and3A_326 = arith.andi %ne3A_325, %ne3A_320 : i1
        %add3A_327 = arith.addi %rem3A_318, %select_n3A_317 : i32
        %select_n3A_328 = arith.select %and3A_326, %add3A_327, %rem3A_318 : i32
        %eq3A_329 = arith.constant 0 : i32
        %eq3A_330 = arith.cmpi eq, %select_n3A_328, %eq3A_329 : i32
        %and3A_331 = arith.andi %eq3A_312, %eq3A_330 : i1
        %convert_element_type3A_332 = arith.extui %and3A_331 : i1 to i32
        %cond3A_333 = arith.constant 0 : i32
        %cond3A_334 = arith.cmpi ne, %convert_element_type3A_332, %cond3A_333 : i32
        scf.if %cond3A_334 {
          %eq3A_399 = arith.constant 0 : i32
          %eq3A_400 = arith.cmpi eq, %arg0, %eq3A_399 : i32
          %convert_element_type3A_401 = arith.extui %eq3A_400 : i1 to i32
          %cond3A_402 = arith.constant 0 : i32
          %cond3A_403 = arith.cmpi ne, %convert_element_type3A_401, %cond3A_402 : i32
          scf.if %cond3A_403 {
            %dma_start3A = arith.constant 0 : i32
            %dma_start3A_409 = tpu.memref_slice %arg10[%select_n3A_145, %dma_start3A] : memref<16x128xi32, #tpu.memory_space<vmem>> -> memref<1x128xi32, #tpu.memory_space<vmem>>
            %dma_start3A_410 = tpu.memref_squeeze %dma_start3A_409 : memref<1x128xi32, #tpu.memory_space<vmem>> -> memref<128xi32, #tpu.memory_space<vmem>>
            %dma_start3A_411 = arith.constant 0 : i32
            %dma_start3A_412 = arith.constant 0 : i32
            %dma_start3A_413 = tpu.memref_slice %arg4[%dma_start3A_411, %dma_start3A_412] : memref<10112x128xf32, #tpu.memory_space<hbm>> -> memref<10112x128xf32, #tpu.memory_space<hbm>>
            tpu.enqueue_indirect_dma source(%dma_start3A_413 : memref<10112x128xf32, #tpu.memory_space<hbm>>) target(%arg12 : memref<128x128xf32, #tpu.memory_space<vmem>>) offsets(%dma_start3A_410 : memref<128xi32, #tpu.memory_space<vmem>>) semaphore(%arg15 : memref<!tpu.dma_semaphore, #tpu.memory_space<semaphore_mem>>)
          } else {
          }
          %eq3A_404 = arith.constant 1 : i32
          %eq3A_405 = arith.cmpi eq, %arg0, %eq3A_404 : i32
          %convert_element_type3A_406 = arith.extui %eq3A_405 : i1 to i32
          %cond3A_407 = arith.constant 0 : i32
          %cond3A_408 = arith.cmpi ne, %convert_element_type3A_406, %cond3A_407 : i32
          scf.if %cond3A_408 {
            %dma_start3A = arith.constant 0 : i32
            %dma_start3A_409 = tpu.memref_slice %arg10[%select_n3A_145, %dma_start3A] : memref<16x128xi32, #tpu.memory_space<vmem>> -> memref<1x128xi32, #tpu.memory_space<vmem>>
            %dma_start3A_410 = tpu.memref_squeeze %dma_start3A_409 : memref<1x128xi32, #tpu.memory_space<vmem>> -> memref<128xi32, #tpu.memory_space<vmem>>
            %dma_start3A_411 = arith.constant 0 : i32
            %dma_start3A_412 = arith.constant 0 : i32
            %dma_start3A_413 = tpu.memref_slice %arg5[%dma_start3A_411, %dma_start3A_412] : memref<10112x128xf32, #tpu.memory_space<hbm>> -> memref<10112x128xf32, #tpu.memory_space<hbm>>
            tpu.enqueue_indirect_dma source(%dma_start3A_413 : memref<10112x128xf32, #tpu.memory_space<hbm>>) target(%arg12 : memref<128x128xf32, #tpu.memory_space<vmem>>) offsets(%dma_start3A_410 : memref<128xi32, #tpu.memory_space<vmem>>) semaphore(%arg15 : memref<!tpu.dma_semaphore, #tpu.memory_space<semaphore_mem>>)
          } else {
          }
        } else {
        }
        %jit3A_335 = arith.constant 16 : i32
        %div3A_336 = arith.divsi %add3A_30, %jit3A_335 : i32
        %sign3A_337 = arith.constant 0 : i32
        %sign3A_338 = arith.cmpi sgt, %add3A_30, %sign3A_337 : i32
        %sign3A_339 = arith.extui %sign3A_338 : i1 to i32
        %sign3A_340 = arith.constant 0 : i32
        %sign3A_341 = arith.cmpi slt, %add3A_30, %sign3A_340 : i32
        %sign3A_342 = arith.extui %sign3A_341 : i1 to i32
        %sign3A_343 = arith.subi %sign3A_339, %sign3A_342 : i32
        %sign3A_344 = arith.constant 0 : i32
        %sign3A_345 = arith.cmpi sgt, %jit3A_335, %sign3A_344 : i32
        %sign3A_346 = arith.extui %sign3A_345 : i1 to i32
        %sign3A_347 = arith.constant 0 : i32
        %sign3A_348 = arith.cmpi slt, %jit3A_335, %sign3A_347 : i32
        %sign3A_349 = arith.extui %sign3A_348 : i1 to i32
        %sign3A_350 = arith.subi %sign3A_346, %sign3A_349 : i32
        %ne3A_351 = arith.cmpi ne, %sign3A_343, %sign3A_350 : i32
        %rem3A_352 = arith.remsi %add3A_30, %jit3A_335 : i32
        %ne3A_353 = arith.constant 0 : i32
        %ne3A_354 = arith.cmpi ne, %rem3A_352, %ne3A_353 : i32
        %and3A_355 = arith.andi %ne3A_351, %ne3A_354 : i1
        %sub3A_356 = arith.constant 1 : i32
        %sub3A_357 = arith.subi %div3A_336, %sub3A_356 : i32
        %select_n3A_358 = arith.select %and3A_355, %sub3A_357, %div3A_336 : i32
        %jit3A_359 = arith.constant 2 : i32
        %eq3A_360 = arith.constant 0 : i32
        %eq3A_361 = arith.cmpi eq, %jit3A_359, %eq3A_360 : i32
        %jit3A_362 = arith.constant 1 : i32
        %select_n3A_363 = arith.select %eq3A_361, %jit3A_362, %jit3A_359 : i32
        %rem3A_364 = arith.remsi %select_n3A_358, %select_n3A_363 : i32
        %ne3A_365 = arith.constant 0 : i32
        %ne3A_366 = arith.cmpi ne, %rem3A_364, %ne3A_365 : i32
        %lt3A_367 = arith.constant 0 : i32
        %lt3A_368 = arith.cmpi slt, %rem3A_364, %lt3A_367 : i32
        %lt3A_369 = arith.constant 0 : i32
        %lt3A_370 = arith.cmpi slt, %select_n3A_363, %lt3A_369 : i32
        %ne3A_371 = arith.xori %lt3A_368, %lt3A_370 : i1
        %and3A_372 = arith.andi %ne3A_371, %ne3A_366 : i1
        %add3A_373 = arith.addi %rem3A_364, %select_n3A_363 : i32
        %select_n3A_374 = arith.select %and3A_372, %add3A_373, %rem3A_364 : i32
        %eq3A_375 = arith.constant 1 : i32
        %eq3A_376 = arith.cmpi eq, %select_n3A_374, %eq3A_375 : i32
        %jit3A_377 = arith.constant 2 : i32
        %eq3A_378 = arith.constant 0 : i32
        %eq3A_379 = arith.cmpi eq, %jit3A_377, %eq3A_378 : i32
        %jit3A_380 = arith.constant 1 : i32
        %select_n3A_381 = arith.select %eq3A_379, %jit3A_380, %jit3A_377 : i32
        %rem3A_382 = arith.remsi %add3A_30, %select_n3A_381 : i32
        %ne3A_383 = arith.constant 0 : i32
        %ne3A_384 = arith.cmpi ne, %rem3A_382, %ne3A_383 : i32
        %lt3A_385 = arith.constant 0 : i32
        %lt3A_386 = arith.cmpi slt, %rem3A_382, %lt3A_385 : i32
        %lt3A_387 = arith.constant 0 : i32
        %lt3A_388 = arith.cmpi slt, %select_n3A_381, %lt3A_387 : i32
        %ne3A_389 = arith.xori %lt3A_386, %lt3A_388 : i1
        %and3A_390 = arith.andi %ne3A_389, %ne3A_384 : i1
        %add3A_391 = arith.addi %rem3A_382, %select_n3A_381 : i32
        %select_n3A_392 = arith.select %and3A_390, %add3A_391, %rem3A_382 : i32
        %eq3A_393 = arith.constant 1 : i32
        %eq3A_394 = arith.cmpi eq, %select_n3A_392, %eq3A_393 : i32
        %and3A_395 = arith.andi %eq3A_376, %eq3A_394 : i1
        %convert_element_type3A_396 = arith.extui %and3A_395 : i1 to i32
        %cond3A_397 = arith.constant 0 : i32
        %cond3A_398 = arith.cmpi ne, %convert_element_type3A_396, %cond3A_397 : i32
        scf.if %cond3A_398 {
          %eq3A_399 = arith.constant 0 : i32
          %eq3A_400 = arith.cmpi eq, %arg0, %eq3A_399 : i32
          %convert_element_type3A_401 = arith.extui %eq3A_400 : i1 to i32
          %cond3A_402 = arith.constant 0 : i32
          %cond3A_403 = arith.cmpi ne, %convert_element_type3A_401, %cond3A_402 : i32
          scf.if %cond3A_403 {
            %dma_start3A = arith.constant 0 : i32
            %dma_start3A_409 = tpu.memref_slice %arg10[%select_n3A_145, %dma_start3A] : memref<16x128xi32, #tpu.memory_space<vmem>> -> memref<1x128xi32, #tpu.memory_space<vmem>>
            %dma_start3A_410 = tpu.memref_squeeze %dma_start3A_409 : memref<1x128xi32, #tpu.memory_space<vmem>> -> memref<128xi32, #tpu.memory_space<vmem>>
            %dma_start3A_411 = arith.constant 0 : i32
            %dma_start3A_412 = arith.constant 0 : i32
            %dma_start3A_413 = tpu.memref_slice %arg4[%dma_start3A_411, %dma_start3A_412] : memref<10112x128xf32, #tpu.memory_space<hbm>> -> memref<10112x128xf32, #tpu.memory_space<hbm>>
            tpu.enqueue_indirect_dma source(%dma_start3A_413 : memref<10112x128xf32, #tpu.memory_space<hbm>>) target(%arg13 : memref<128x128xf32, #tpu.memory_space<vmem>>) offsets(%dma_start3A_410 : memref<128xi32, #tpu.memory_space<vmem>>) semaphore(%arg16 : memref<!tpu.dma_semaphore, #tpu.memory_space<semaphore_mem>>)
          } else {
          }
          %eq3A_404 = arith.constant 1 : i32
          %eq3A_405 = arith.cmpi eq, %arg0, %eq3A_404 : i32
          %convert_element_type3A_406 = arith.extui %eq3A_405 : i1 to i32
          %cond3A_407 = arith.constant 0 : i32
          %cond3A_408 = arith.cmpi ne, %convert_element_type3A_406, %cond3A_407 : i32
          scf.if %cond3A_408 {
            %dma_start3A = arith.constant 0 : i32
            %dma_start3A_409 = tpu.memref_slice %arg10[%select_n3A_145, %dma_start3A] : memref<16x128xi32, #tpu.memory_space<vmem>> -> memref<1x128xi32, #tpu.memory_space<vmem>>
            %dma_start3A_410 = tpu.memref_squeeze %dma_start3A_409 : memref<1x128xi32, #tpu.memory_space<vmem>> -> memref<128xi32, #tpu.memory_space<vmem>>
            %dma_start3A_411 = arith.constant 0 : i32
            %dma_start3A_412 = arith.constant 0 : i32
            %dma_start3A_413 = tpu.memref_slice %arg5[%dma_start3A_411, %dma_start3A_412] : memref<10112x128xf32, #tpu.memory_space<hbm>> -> memref<10112x128xf32, #tpu.memory_space<hbm>>
            tpu.enqueue_indirect_dma source(%dma_start3A_413 : memref<10112x128xf32, #tpu.memory_space<hbm>>) target(%arg13 : memref<128x128xf32, #tpu.memory_space<vmem>>) offsets(%dma_start3A_410 : memref<128xi32, #tpu.memory_space<vmem>>) semaphore(%arg16 : memref<!tpu.dma_semaphore, #tpu.memory_space<semaphore_mem>>)
          } else {
          }
        } else {
        }
      } else {
      }
      %jit3A = arith.constant 16 : i32
      %eq3A_35 = arith.constant 0 : i32
      %eq3A_36 = arith.cmpi eq, %jit3A, %eq3A_35 : i32
      %jit3A_37 = arith.constant 1 : i32
      %select_n3A = arith.select %eq3A_36, %jit3A_37, %jit3A : i32
      %rem3A = arith.remsi %scan3A_29, %select_n3A : i32
      %ne3A = arith.constant 0 : i32
      %ne3A_38 = arith.cmpi ne, %rem3A, %ne3A : i32
      %lt3A_39 = arith.constant 0 : i32
      %lt3A_40 = arith.cmpi slt, %rem3A, %lt3A_39 : i32
      %lt3A_41 = arith.constant 0 : i32
      %lt3A_42 = arith.cmpi slt, %select_n3A, %lt3A_41 : i32
      %ne3A_43 = arith.xori %lt3A_40, %lt3A_42 : i1
      %and3A = arith.andi %ne3A_43, %ne3A_38 : i1
      %add3A_44 = arith.addi %rem3A, %select_n3A : i32
      %select_n3A_45 = arith.select %and3A, %add3A_44, %rem3A : i32
      %eq3A_46 = arith.constant 0 : i32
      %eq3A_47 = arith.cmpi eq, %select_n3A_45, %eq3A_46 : i32
      %convert_element_type3A_48 = arith.extui %eq3A_47 : i1 to i32
      %cond3A_49 = arith.constant 0 : i32
      %cond3A_50 = arith.cmpi ne, %convert_element_type3A_48, %cond3A_49 : i32
      scf.if %cond3A_50 {
        %add3A_109 = arith.addi %mul3A_2, %scan3A_29 : i32
        %multiple_of3A_110 = tpu.assume_multiple %add3A_109, 8 : i32
        "tpu.region"() ({
          %run_scoped3A = tpu.sem_alloc : memref<!tpu.dma_semaphore, #tpu.memory_space<semaphore_mem>>
          %dma_start3A = arith.constant 0 : i32
          %dma_start3A_111 = tpu.memref_slice %arg3[%multiple_of3A_110, %dma_start3A] : memref<2560x128xi32, #tpu.memory_space<hbm>> -> memref<16x128xi32, #tpu.memory_space<hbm>>
          %dma_start3A_112 = arith.constant 0 : i32
          %dma_start3A_113 = tpu.memref_slice %arg3[%multiple_of3A_110, %dma_start3A_112] : memref<2560x128xi32, #tpu.memory_space<hbm>> -> memref<16x128xi32, #tpu.memory_space<hbm>>
          tpu.enqueue_dma source(%dma_start3A_113 : memref<16x128xi32, #tpu.memory_space<hbm>>) target(%arg11 : memref<16x128xi32, #tpu.memory_space<vmem>>) target_semaphore(%run_scoped3A : memref<!tpu.dma_semaphore, #tpu.memory_space<semaphore_mem>>)
          %dma_wait3A = arith.constant 0 : i32
          %dma_wait3A_114 = tpu.memref_slice %arg3[%multiple_of3A_110, %dma_wait3A] : memref<2560x128xi32, #tpu.memory_space<hbm>> -> memref<16x128xi32, #tpu.memory_space<hbm>>
          %dma_wait3A_115 = arith.constant 0 : i32
          %dma_wait3A_116 = tpu.memref_slice %arg3[%multiple_of3A_110, %dma_wait3A_115] : memref<2560x128xi32, #tpu.memory_space<hbm>> -> memref<16x128xi32, #tpu.memory_space<hbm>>
          tpu.wait_dma2 semaphore(%run_scoped3A : memref<!tpu.dma_semaphore, #tpu.memory_space<semaphore_mem>>) src(%dma_wait3A_116 : memref<16x128xi32, #tpu.memory_space<hbm>>) dst(%arg11 : memref<16x128xi32, #tpu.memory_space<vmem>>)
          tpu.yield
        }) : () -> ()
      } else {
      }
      %jit3A_51 = arith.constant 16 : i32
      %eq3A_52 = arith.constant 0 : i32
      %eq3A_53 = arith.cmpi eq, %jit3A_51, %eq3A_52 : i32
      %jit3A_54 = arith.constant 1 : i32
      %select_n3A_55 = arith.select %eq3A_53, %jit3A_54, %jit3A_51 : i32
      %rem3A_56 = arith.remsi %scan3A_29, %select_n3A_55 : i32
      %ne3A_57 = arith.constant 0 : i32
      %ne3A_58 = arith.cmpi ne, %rem3A_56, %ne3A_57 : i32
      %lt3A_59 = arith.constant 0 : i32
      %lt3A_60 = arith.cmpi slt, %rem3A_56, %lt3A_59 : i32
      %lt3A_61 = arith.constant 0 : i32
      %lt3A_62 = arith.cmpi slt, %select_n3A_55, %lt3A_61 : i32
      %ne3A_63 = arith.xori %lt3A_60, %lt3A_62 : i1
      %and3A_64 = arith.andi %ne3A_63, %ne3A_58 : i1
      %add3A_65 = arith.addi %rem3A_56, %select_n3A_55 : i32
      %select_n3A_66 = arith.select %and3A_64, %add3A_65, %rem3A_56 : i32
      %jit3A_67 = arith.constant 2 : i32
      %eq3A_68 = arith.constant 0 : i32
      %eq3A_69 = arith.cmpi eq, %jit3A_67, %eq3A_68 : i32
      %jit3A_70 = arith.constant 1 : i32
      %select_n3A_71 = arith.select %eq3A_69, %jit3A_70, %jit3A_67 : i32
      %rem3A_72 = arith.remsi %scan3A_29, %select_n3A_71 : i32
      %ne3A_73 = arith.constant 0 : i32
      %ne3A_74 = arith.cmpi ne, %rem3A_72, %ne3A_73 : i32
      %lt3A_75 = arith.constant 0 : i32
      %lt3A_76 = arith.cmpi slt, %rem3A_72, %lt3A_75 : i32
      %lt3A_77 = arith.constant 0 : i32
      %lt3A_78 = arith.cmpi slt, %select_n3A_71, %lt3A_77 : i32
      %ne3A_79 = arith.xori %lt3A_76, %lt3A_78 : i1
      %and3A_80 = arith.andi %ne3A_79, %ne3A_74 : i1
      %add3A_81 = arith.addi %rem3A_72, %select_n3A_71 : i32
      %select_n3A_82 = arith.select %and3A_80, %add3A_81, %rem3A_72 : i32
      %eq3A_83 = arith.constant 0 : i32
      %eq3A_84 = arith.cmpi eq, %select_n3A_82, %eq3A_83 : i32
      %convert_element_type3A_85 = arith.extui %eq3A_84 : i1 to i32
      %cond3A_86 = arith.constant 0 : i32
      %cond3A_87 = arith.cmpi ne, %convert_element_type3A_85, %cond3A_86 : i32
      scf.if %cond3A_87 {
        %dma_wait3A = arith.constant 0 : i32
        %dma_wait3A_109 = arith.constant 0 : i32
        %dma_wait3A_110 = tpu.memref_slice %arg4[%dma_wait3A, %dma_wait3A_109] : memref<10112x128xf32, #tpu.memory_space<hbm>> -> memref<128x128xf32, #tpu.memory_space<hbm>>
        %dma_wait3A_111 = arith.constant 0 : i32
        %dma_wait3A_112 = arith.constant 0 : i32
        %dma_wait3A_113 = tpu.memref_slice %arg4[%dma_wait3A_111, %dma_wait3A_112] : memref<10112x128xf32, #tpu.memory_space<hbm>> -> memref<128x128xf32, #tpu.memory_space<hbm>>
        tpu.wait_dma2 semaphore(%arg15 : memref<!tpu.dma_semaphore, #tpu.memory_space<semaphore_mem>>) src(%dma_wait3A_113 : memref<128x128xf32, #tpu.memory_space<hbm>>) dst(%arg12 : memref<128x128xf32, #tpu.memory_space<vmem>>)
        "tpu.region"() ({
          %run_scoped3A = tpu.sem_alloc : memref<!tpu.dma_semaphore, #tpu.memory_space<semaphore_mem>>
          %dma_start3A = arith.constant 0 : i32
          %dma_start3A_114 = tpu.memref_slice %arg11[%select_n3A_66, %dma_start3A] : memref<16x128xi32, #tpu.memory_space<vmem>> -> memref<1x128xi32, #tpu.memory_space<vmem>>
          %dma_start3A_115 = tpu.memref_squeeze %dma_start3A_114 : memref<1x128xi32, #tpu.memory_space<vmem>> -> memref<128xi32, #tpu.memory_space<vmem>>
          %dma_start3A_116 = arith.constant 0 : i32
          %dma_start3A_117 = arith.constant 0 : i32
          %dma_start3A_118 = tpu.memref_slice %arg14[%dma_start3A_116, %dma_start3A_117] : memref<10112x128xf32, #tpu.memory_space<vmem_shared>> -> memref<10112x128xf32, #tpu.memory_space<vmem_shared>>
          tpu.enqueue_indirect_dma source(%arg12 : memref<128x128xf32, #tpu.memory_space<vmem>>) target(%dma_start3A_118 : memref<10112x128xf32, #tpu.memory_space<vmem_shared>>) offsets(%dma_start3A_115 : memref<128xi32, #tpu.memory_space<vmem>>) semaphore(%run_scoped3A : memref<!tpu.dma_semaphore, #tpu.memory_space<semaphore_mem>>) {add = true}
          %dma_wait3A_119 = arith.constant 0 : i32
          %dma_wait3A_120 = tpu.memref_slice %arg11[%select_n3A_66, %dma_wait3A_119] : memref<16x128xi32, #tpu.memory_space<vmem>> -> memref<1x128xi32, #tpu.memory_space<vmem>>
          %dma_wait3A_121 = tpu.memref_squeeze %dma_wait3A_120 : memref<1x128xi32, #tpu.memory_space<vmem>> -> memref<128xi32, #tpu.memory_space<vmem>>
          %dma_wait3A_122 = arith.constant 0 : i32
          %dma_wait3A_123 = arith.constant 0 : i32
          %dma_wait3A_124 = tpu.memref_slice %arg14[%dma_wait3A_122, %dma_wait3A_123] : memref<10112x128xf32, #tpu.memory_space<vmem_shared>> -> memref<10112x128xf32, #tpu.memory_space<vmem_shared>>
          tpu.wait_indirect_dma semaphore(%run_scoped3A : memref<!tpu.dma_semaphore, #tpu.memory_space<semaphore_mem>>) src(%arg12 : memref<128x128xf32, #tpu.memory_space<vmem>>) dst(%dma_wait3A_124 : memref<10112x128xf32, #tpu.memory_space<vmem_shared>>)
          tpu.yield
        }) : () -> ()
      } else {
      }
      %jit3A_88 = arith.constant 2 : i32
      %eq3A_89 = arith.constant 0 : i32
      %eq3A_90 = arith.cmpi eq, %jit3A_88, %eq3A_89 : i32
      %jit3A_91 = arith.constant 1 : i32
      %select_n3A_92 = arith.select %eq3A_90, %jit3A_91, %jit3A_88 : i32
      %rem3A_93 = arith.remsi %scan3A_29, %select_n3A_92 : i32
      %ne3A_94 = arith.constant 0 : i32
      %ne3A_95 = arith.cmpi ne, %rem3A_93, %ne3A_94 : i32
      %lt3A_96 = arith.constant 0 : i32
      %lt3A_97 = arith.cmpi slt, %rem3A_93, %lt3A_96 : i32
      %lt3A_98 = arith.constant 0 : i32
      %lt3A_99 = arith.cmpi slt, %select_n3A_92, %lt3A_98 : i32
      %ne3A_100 = arith.xori %lt3A_97, %lt3A_99 : i1
      %and3A_101 = arith.andi %ne3A_100, %ne3A_95 : i1
      %add3A_102 = arith.addi %rem3A_93, %select_n3A_92 : i32
      %select_n3A_103 = arith.select %and3A_101, %add3A_102, %rem3A_93 : i32
      %eq3A_104 = arith.constant 1 : i32
      %eq3A_105 = arith.cmpi eq, %select_n3A_103, %eq3A_104 : i32
      %convert_element_type3A_106 = arith.extui %eq3A_105 : i1 to i32
      %cond3A_107 = arith.constant 0 : i32
      %cond3A_108 = arith.cmpi ne, %convert_element_type3A_106, %cond3A_107 : i32
      scf.if %cond3A_108 {
        %dma_wait3A = arith.constant 0 : i32
        %dma_wait3A_109 = arith.constant 0 : i32
        %dma_wait3A_110 = tpu.memref_slice %arg4[%dma_wait3A, %dma_wait3A_109] : memref<10112x128xf32, #tpu.memory_space<hbm>> -> memref<128x128xf32, #tpu.memory_space<hbm>>
        %dma_wait3A_111 = arith.constant 0 : i32
        %dma_wait3A_112 = arith.constant 0 : i32
        %dma_wait3A_113 = tpu.memref_slice %arg4[%dma_wait3A_111, %dma_wait3A_112] : memref<10112x128xf32, #tpu.memory_space<hbm>> -> memref<128x128xf32, #tpu.memory_space<hbm>>
        tpu.wait_dma2 semaphore(%arg16 : memref<!tpu.dma_semaphore, #tpu.memory_space<semaphore_mem>>) src(%dma_wait3A_113 : memref<128x128xf32, #tpu.memory_space<hbm>>) dst(%arg13 : memref<128x128xf32, #tpu.memory_space<vmem>>)
        "tpu.region"() ({
          %run_scoped3A = tpu.sem_alloc : memref<!tpu.dma_semaphore, #tpu.memory_space<semaphore_mem>>
          %dma_start3A = arith.constant 0 : i32
          %dma_start3A_114 = tpu.memref_slice %arg11[%select_n3A_66, %dma_start3A] : memref<16x128xi32, #tpu.memory_space<vmem>> -> memref<1x128xi32, #tpu.memory_space<vmem>>
          %dma_start3A_115 = tpu.memref_squeeze %dma_start3A_114 : memref<1x128xi32, #tpu.memory_space<vmem>> -> memref<128xi32, #tpu.memory_space<vmem>>
          %dma_start3A_116 = arith.constant 0 : i32
          %dma_start3A_117 = arith.constant 0 : i32
          %dma_start3A_118 = tpu.memref_slice %arg14[%dma_start3A_116, %dma_start3A_117] : memref<10112x128xf32, #tpu.memory_space<vmem_shared>> -> memref<10112x128xf32, #tpu.memory_space<vmem_shared>>
          tpu.enqueue_indirect_dma source(%arg13 : memref<128x128xf32, #tpu.memory_space<vmem>>) target(%dma_start3A_118 : memref<10112x128xf32, #tpu.memory_space<vmem_shared>>) offsets(%dma_start3A_115 : memref<128xi32, #tpu.memory_space<vmem>>) semaphore(%run_scoped3A : memref<!tpu.dma_semaphore, #tpu.memory_space<semaphore_mem>>) {add = true}
          %dma_wait3A_119 = arith.constant 0 : i32
          %dma_wait3A_120 = tpu.memref_slice %arg11[%select_n3A_66, %dma_wait3A_119] : memref<16x128xi32, #tpu.memory_space<vmem>> -> memref<1x128xi32, #tpu.memory_space<vmem>>
          %dma_wait3A_121 = tpu.memref_squeeze %dma_wait3A_120 : memref<1x128xi32, #tpu.memory_space<vmem>> -> memref<128xi32, #tpu.memory_space<vmem>>
          %dma_wait3A_122 = arith.constant 0 : i32
          %dma_wait3A_123 = arith.constant 0 : i32
          %dma_wait3A_124 = tpu.memref_slice %arg14[%dma_wait3A_122, %dma_wait3A_123] : memref<10112x128xf32, #tpu.memory_space<vmem_shared>> -> memref<10112x128xf32, #tpu.memory_space<vmem_shared>>
          tpu.wait_indirect_dma semaphore(%run_scoped3A : memref<!tpu.dma_semaphore, #tpu.memory_space<semaphore_mem>>) src(%arg13 : memref<128x128xf32, #tpu.memory_space<vmem>>) dst(%dma_wait3A_124 : memref<10112x128xf32, #tpu.memory_space<vmem_shared>>)
          tpu.yield
        }) : () -> ()
      } else {
      }
    }
    %scan3A_17 = arith.constant 160 : i32
    %barrier3A_18 = arith.constant 0 : index
    tpu.barrier barrier_id(%barrier3A_18)
    %eq3A_19 = arith.constant 0 : i32
    %eq3A_20 = arith.cmpi eq, %arg0, %eq3A_19 : i32
    %convert_element_type3A_21 = arith.extui %eq3A_20 : i1 to i32
    %cond3A_22 = arith.constant 0 : i32
    %cond3A_23 = arith.cmpi ne, %convert_element_type3A_21, %cond3A_22 : i32
    scf.if %cond3A_23 {
      "tpu.region"() ({
        %run_scoped3A = tpu.sem_alloc : memref<!tpu.dma_semaphore, #tpu.memory_space<semaphore_mem>>
        %dma_start3A = arith.constant 0 : i32
        %dma_start3A_29 = tpu.memref_slice %arg7[%multiple_of3A, %dma_start3A] : memref<10112x128xf32, #tpu.memory_space<hbm>> -> memref<632x128xf32, #tpu.memory_space<hbm>>
        %dma_start3A_30 = arith.constant 0 : i32
        %dma_start3A_31 = tpu.memref_slice %arg14[%multiple_of3A, %dma_start3A_30] : memref<10112x128xf32, #tpu.memory_space<vmem_shared>> -> memref<632x128xf32, #tpu.memory_space<vmem_shared>>
        tpu.enqueue_dma source(%dma_start3A_31 : memref<632x128xf32, #tpu.memory_space<vmem_shared>>) target(%dma_start3A_29 : memref<632x128xf32, #tpu.memory_space<hbm>>) target_semaphore(%run_scoped3A : memref<!tpu.dma_semaphore, #tpu.memory_space<semaphore_mem>>)
        %dma_wait3A = arith.constant 0 : i32
        %dma_wait3A_32 = tpu.memref_slice %arg7[%multiple_of3A, %dma_wait3A] : memref<10112x128xf32, #tpu.memory_space<hbm>> -> memref<632x128xf32, #tpu.memory_space<hbm>>
        %dma_wait3A_33 = arith.constant 0 : i32
        %dma_wait3A_34 = tpu.memref_slice %arg14[%multiple_of3A, %dma_wait3A_33] : memref<10112x128xf32, #tpu.memory_space<vmem_shared>> -> memref<632x128xf32, #tpu.memory_space<vmem_shared>>
        tpu.wait_dma2 semaphore(%run_scoped3A : memref<!tpu.dma_semaphore, #tpu.memory_space<semaphore_mem>>) src(%dma_wait3A_34 : memref<632x128xf32, #tpu.memory_space<vmem_shared>>) dst(%dma_wait3A_32 : memref<632x128xf32, #tpu.memory_space<hbm>>)
        tpu.yield
      }) : () -> ()
    } else {
    }
    %eq3A_24 = arith.constant 1 : i32
    %eq3A_25 = arith.cmpi eq, %arg0, %eq3A_24 : i32
    %convert_element_type3A_26 = arith.extui %eq3A_25 : i1 to i32
    %cond3A_27 = arith.constant 0 : i32
    %cond3A_28 = arith.cmpi ne, %convert_element_type3A_26, %cond3A_27 : i32
    scf.if %cond3A_28 {
      "tpu.region"() ({
        %run_scoped3A = tpu.sem_alloc : memref<!tpu.dma_semaphore, #tpu.memory_space<semaphore_mem>>
        %dma_start3A = arith.constant 0 : i32
        %dma_start3A_29 = tpu.memref_slice %arg8[%multiple_of3A, %dma_start3A] : memref<10112x128xf32, #tpu.memory_space<hbm>> -> memref<632x128xf32, #tpu.memory_space<hbm>>
        %dma_start3A_30 = arith.constant 0 : i32
        %dma_start3A_31 = tpu.memref_slice %arg14[%multiple_of3A, %dma_start3A_30] : memref<10112x128xf32, #tpu.memory_space<vmem_shared>> -> memref<632x128xf32, #tpu.memory_space<vmem_shared>>
        tpu.enqueue_dma source(%dma_start3A_31 : memref<632x128xf32, #tpu.memory_space<vmem_shared>>) target(%dma_start3A_29 : memref<632x128xf32, #tpu.memory_space<hbm>>) target_semaphore(%run_scoped3A : memref<!tpu.dma_semaphore, #tpu.memory_space<semaphore_mem>>)
        %dma_wait3A = arith.constant 0 : i32
        %dma_wait3A_32 = tpu.memref_slice %arg8[%multiple_of3A, %dma_wait3A] : memref<10112x128xf32, #tpu.memory_space<hbm>> -> memref<632x128xf32, #tpu.memory_space<hbm>>
        %dma_wait3A_33 = arith.constant 0 : i32
        %dma_wait3A_34 = tpu.memref_slice %arg14[%multiple_of3A, %dma_wait3A_33] : memref<10112x128xf32, #tpu.memory_space<vmem_shared>> -> memref<632x128xf32, #tpu.memory_space<vmem_shared>>
        tpu.wait_dma2 semaphore(%run_scoped3A : memref<!tpu.dma_semaphore, #tpu.memory_space<semaphore_mem>>) src(%dma_wait3A_34 : memref<632x128xf32, #tpu.memory_space<vmem_shared>>) dst(%dma_wait3A_32 : memref<632x128xf32, #tpu.memory_space<hbm>>)
        tpu.yield
      }) : () -> ()
    } else {
    }
    return
  }
}

module attributes {stable_mosaic.version = 14 : i64} {
  func.func @_prep_body(%arg0: i32, %arg1: memref<632x128xf32, #tpu.memory_space<vmem>>, %arg2: memref<632x1xf32, #tpu.memory_space<vmem>>, %arg3: memref<632x128xf32, #tpu.memory_space<vmem>>) attributes {dimension_semantics = [#tpu.dimension_semantics<arbitrary>], iteration_bounds = array<i64: 16>, scalar_prefetch = 0 : i64, scratch_operands = 0 : i64, tpu.core_type = #tpu.core_type<tc>, window_params = [{transform_indices = @transform_0, window_bounds = array<i64: 632, 128>}, {transform_indices = @transform_1, window_bounds = array<i64: 632, 1>}, {transform_indices = @transform_2, window_bounds = array<i64: 632, 128>}]} {
    %get3A = arith.constant 0 : index
    %get3A_0 = arith.constant 0 : index
    %get3A_1 = vector.load %arg1[%get3A, %get3A_0] : memref<632x128xf32, #tpu.memory_space<vmem>>, vector<632x128xf32>
    %get3A_2 = arith.constant 0 : index
    %get3A_3 = arith.constant 0 : index
    %get3A_4 = vector.load %arg2[%get3A_2, %get3A_3] : memref<632x1xf32, #tpu.memory_space<vmem>>, vector<632x1xf32>
    %max3A = arith.constant 1.000000e+00 : f32
    %max3A_5 = vector.broadcast %max3A : f32 to vector<632x1xf32>
    %max3A_6 = arith.maximumf %get3A_4, %max3A_5 : vector<632x1xf32>
    %rsqrt3A = math.rsqrt %max3A_6 : vector<632x1xf32>
    %mul3A = vector.broadcast %rsqrt3A : vector<632x1xf32> to vector<632x128xf32>
    %mul3A_7 = arith.mulf %get3A_1, %mul3A : vector<632x128xf32>
    %swap3A = arith.constant 0 : index
    %swap3A_8 = arith.constant 0 : index
    %swap3A_9 = vector.load %arg3[%swap3A, %swap3A_8] : memref<632x128xf32, #tpu.memory_space<vmem>>, vector<632x128xf32>
    tpu.vector_store %arg3[%swap3A, %swap3A_8], %mul3A_7 {strides = array<i32>} : memref<632x128xf32, #tpu.memory_space<vmem>>, vector<632x128xf32>,
    return
  }
  func.func @transform_0(%arg0: i32) -> (i32, i32) {
    %c0_i32 = arith.constant 0 : i32
    %c0_i32_0 = arith.constant 0 : i32
    return %arg0, %c0_i32 : i32, i32
  }
  func.func @transform_1(%arg0: i32) -> (i32, i32) {
    %c0_i32 = arith.constant 0 : i32
    %c0_i32_0 = arith.constant 0 : i32
    return %arg0, %c0_i32 : i32, i32
  }
  func.func @transform_2(%arg0: i32) -> (i32, i32) {
    %c0_i32 = arith.constant 0 : i32
    %c0_i32_0 = arith.constant 0 : i32
    return %arg0, %c0_i32 : i32, i32
  }
}

module attributes {stable_mosaic.version = 14 : i64} {
  func.func @_layer1_body(%arg0: i32, %arg1: memref<632x128xf32, #tpu.memory_space<vmem>>, %arg2: memref<632x128xf32, #tpu.memory_space<vmem>>, %arg3: memref<632x1xf32, #tpu.memory_space<vmem>>, %arg4: memref<632x1xf32, #tpu.memory_space<vmem>>, %arg5: memref<128x256xf32, #tpu.memory_space<vmem>>, %arg6: memref<1x256xf32, #tpu.memory_space<vmem>>, %arg7: memref<632x128xf32, #tpu.memory_space<vmem>>, %arg8: memref<632x128xf32, #tpu.memory_space<vmem>>) attributes {dimension_semantics = [#tpu.dimension_semantics<arbitrary>], iteration_bounds = array<i64: 16>, scalar_prefetch = 0 : i64, scratch_operands = 0 : i64, tpu.core_type = #tpu.core_type<tc>, window_params = [{transform_indices = @transform_0, window_bounds = array<i64: 632, 128>}, {transform_indices = @transform_1, window_bounds = array<i64: 632, 128>}, {transform_indices = @transform_2, window_bounds = array<i64: 632, 1>}, {transform_indices = @transform_3, window_bounds = array<i64: 632, 1>}, {pipeline_mode = #tpu.pipeline_mode<synchronous>, transform_indices = @transform_4, window_bounds = array<i64: 128, 256>}, {pipeline_mode = #tpu.pipeline_mode<synchronous>, transform_indices = @transform_5, window_bounds = array<i64: 1, 256>}, {transform_indices = @transform_6, window_bounds = array<i64: 632, 128>}, {transform_indices = @transform_7, window_bounds = array<i64: 632, 128>}]} {
    %get3A = arith.constant 0 : index
    %get3A_0 = arith.constant 0 : index
    %get3A_1 = vector.load %arg1[%get3A, %get3A_0] : memref<632x128xf32, #tpu.memory_space<vmem>>, vector<632x128xf32>
    %get3A_2 = arith.constant 0 : index
    %get3A_3 = arith.constant 0 : index
    %get3A_4 = vector.load %arg2[%get3A_2, %get3A_3] : memref<632x128xf32, #tpu.memory_space<vmem>>, vector<632x128xf32>
    %add3A = arith.addf %get3A_1, %get3A_4 : vector<632x128xf32>
    %get3A_5 = arith.constant 0 : index
    %get3A_6 = arith.constant 0 : index
    %get3A_7 = vector.load %arg3[%get3A_5, %get3A_6] : memref<632x1xf32, #tpu.memory_space<vmem>>, vector<632x1xf32>
    %max3A = arith.constant 1.000000e+00 : f32
    %max3A_8 = vector.broadcast %max3A : f32 to vector<632x1xf32>
    %max3A_9 = arith.maximumf %get3A_7, %max3A_8 : vector<632x1xf32>
    %rsqrt3A = math.rsqrt %max3A_9 : vector<632x1xf32>
    %mul3A = vector.broadcast %rsqrt3A : vector<632x1xf32> to vector<632x128xf32>
    %mul3A_10 = arith.mulf %add3A, %mul3A : vector<632x128xf32>
    %get3A_11 = arith.constant 0 : index
    %get3A_12 = arith.constant 0 : index
    %get3A_13 = vector.load %arg5[%get3A_11, %get3A_12] : memref<128x256xf32, #tpu.memory_space<vmem>>, vector<128x256xf32>
    %dot_general3A = arith.constant dense<0.000000e+00> : vector<632x256xf32>
    %dot_general3A_14 = tpu.matmul %mul3A_10, %get3A_13, %dot_general3A {dimension_numbers = #tpu.dot_dimension_numbers<[1], [0], [0], [1], [0, 0, 1, 1], [], []>, transpose_lhs_hint = false} : vector<632x128xf32>, vector<128x256xf32>, vector<632x256xf32> -> vector<632x256xf32>
    %get3A_15 = arith.constant 0 : index
    %get3A_16 = arith.constant 0 : index
    %get3A_17 = vector.load %arg6[%get3A_15, %get3A_16] : memref<1x256xf32, #tpu.memory_space<vmem>>, vector<1x256xf32>
    %add3A_18 = vector.broadcast %get3A_17 : vector<1x256xf32> to vector<632x256xf32>
    %add3A_19 = arith.addf %dot_general3A_14, %add3A_18 : vector<632x256xf32>
    %max3A_20 = arith.constant 0.000000e+00 : f32
    %max3A_21 = vector.broadcast %max3A_20 : f32 to vector<632x256xf32>
    %max3A_22 = arith.maximumf %add3A_19, %max3A_21 : vector<632x256xf32>
    %get3A_23 = arith.constant 0 : index
    %get3A_24 = arith.constant 0 : index
    %get3A_25 = vector.load %arg4[%get3A_23, %get3A_24] : memref<632x1xf32, #tpu.memory_space<vmem>>, vector<632x1xf32>
    %max3A_26 = arith.constant 1.000000e+00 : f32
    %max3A_27 = vector.broadcast %max3A_26 : f32 to vector<632x1xf32>
    %max3A_28 = arith.maximumf %get3A_25, %max3A_27 : vector<632x1xf32>
    %rsqrt3A_29 = math.rsqrt %max3A_28 : vector<632x1xf32>
    %mul3A_30 = vector.broadcast %rsqrt3A_29 : vector<632x1xf32> to vector<632x256xf32>
    %mul3A_31 = arith.mulf %max3A_22, %mul3A_30 : vector<632x256xf32>
    %slice3A = vector.extract_strided_slice %mul3A_31 {offsets = [0, 0], sizes = [632, 128], strides = [1, 1]} : vector<632x256xf32> to vector<632x128xf32>
    %swap3A = arith.constant 0 : index
    %swap3A_32 = arith.constant 0 : index
    %swap3A_33 = vector.load %arg7[%swap3A, %swap3A_32] : memref<632x128xf32, #tpu.memory_space<vmem>>, vector<632x128xf32>
    tpu.vector_store %arg7[%swap3A, %swap3A_32], %slice3A {strides = array<i32>} : memref<632x128xf32, #tpu.memory_space<vmem>>, vector<632x128xf32>,
    %slice3A_34 = vector.extract_strided_slice %mul3A_31 {offsets = [0, 128], sizes = [632, 128], strides = [1, 1]} : vector<632x256xf32> to vector<632x128xf32>
    %swap3A_35 = arith.constant 0 : index
    %swap3A_36 = arith.constant 0 : index
    %swap3A_37 = vector.load %arg8[%swap3A_35, %swap3A_36] : memref<632x128xf32, #tpu.memory_space<vmem>>, vector<632x128xf32>
    tpu.vector_store %arg8[%swap3A_35, %swap3A_36], %slice3A_34 {strides = array<i32>} : memref<632x128xf32, #tpu.memory_space<vmem>>, vector<632x128xf32>,
    return
  }
  func.func @transform_0(%arg0: i32) -> (i32, i32) {
    %c0_i32 = arith.constant 0 : i32
    %c0_i32_0 = arith.constant 0 : i32
    return %arg0, %c0_i32 : i32, i32
  }
  func.func @transform_1(%arg0: i32) -> (i32, i32) {
    %c0_i32 = arith.constant 0 : i32
    %c0_i32_0 = arith.constant 0 : i32
    return %arg0, %c0_i32 : i32, i32
  }
  func.func @transform_2(%arg0: i32) -> (i32, i32) {
    %c0_i32 = arith.constant 0 : i32
    %c0_i32_0 = arith.constant 0 : i32
    return %arg0, %c0_i32 : i32, i32
  }
  func.func @transform_3(%arg0: i32) -> (i32, i32) {
    %c0_i32 = arith.constant 0 : i32
    %c0_i32_0 = arith.constant 0 : i32
    return %arg0, %c0_i32 : i32, i32
  }
  func.func @transform_4(%arg0: i32) -> (i32, i32) {
    %c0_i32 = arith.constant 0 : i32
    %c0_i32_0 = arith.constant 0 : i32
    %c0_i32_1 = arith.constant 0 : i32
    return %c0_i32, %c0_i32_0 : i32, i32
  }
  func.func @transform_5(%arg0: i32) -> (i32, i32) {
    %c0_i32 = arith.constant 0 : i32
    %c0_i32_0 = arith.constant 0 : i32
    %c0_i32_1 = arith.constant 0 : i32
    return %c0_i32, %c0_i32_0 : i32, i32
  }
  func.func @transform_6(%arg0: i32) -> (i32, i32) {
    %c0_i32 = arith.constant 0 : i32
    %c0_i32_0 = arith.constant 0 : i32
    return %arg0, %c0_i32 : i32, i32
  }
  func.func @transform_7(%arg0: i32) -> (i32, i32) {
    %c0_i32 = arith.constant 0 : i32
    %c0_i32_0 = arith.constant 0 : i32
    return %arg0, %c0_i32 : i32, i32
  }
}

module attributes {stable_mosaic.version = 14 : i64} {
  func.func @_layer2_body(%arg0: i32, %arg1: memref<632x128xf32, #tpu.memory_space<vmem>>, %arg2: memref<632x128xf32, #tpu.memory_space<vmem>>, %arg3: memref<632x1xf32, #tpu.memory_space<vmem>>, %arg4: memref<632x1xf32, #tpu.memory_space<vmem>>, %arg5: memref<256x256xf32, #tpu.memory_space<vmem>>, %arg6: memref<1x256xf32, #tpu.memory_space<vmem>>, %arg7: memref<632x128xf32, #tpu.memory_space<vmem>>, %arg8: memref<632x128xf32, #tpu.memory_space<vmem>>) attributes {dimension_semantics = [#tpu.dimension_semantics<arbitrary>], iteration_bounds = array<i64: 16>, scalar_prefetch = 0 : i64, scratch_operands = 0 : i64, tpu.core_type = #tpu.core_type<tc>, window_params = [{transform_indices = @transform_0, window_bounds = array<i64: 632, 128>}, {transform_indices = @transform_1, window_bounds = array<i64: 632, 128>}, {transform_indices = @transform_2, window_bounds = array<i64: 632, 1>}, {transform_indices = @transform_3, window_bounds = array<i64: 632, 1>}, {pipeline_mode = #tpu.pipeline_mode<synchronous>, transform_indices = @transform_4, window_bounds = array<i64: 256, 256>}, {pipeline_mode = #tpu.pipeline_mode<synchronous>, transform_indices = @transform_5, window_bounds = array<i64: 1, 256>}, {transform_indices = @transform_6, window_bounds = array<i64: 632, 128>}, {transform_indices = @transform_7, window_bounds = array<i64: 632, 128>}]} {
    %get3A = arith.constant 0 : index
    %get3A_0 = arith.constant 0 : index
    %get3A_1 = vector.load %arg3[%get3A, %get3A_0] : memref<632x1xf32, #tpu.memory_space<vmem>>, vector<632x1xf32>
    %max3A = arith.constant 1.000000e+00 : f32
    %max3A_2 = vector.broadcast %max3A : f32 to vector<632x1xf32>
    %max3A_3 = arith.maximumf %get3A_1, %max3A_2 : vector<632x1xf32>
    %rsqrt3A = math.rsqrt %max3A_3 : vector<632x1xf32>
    %get3A_4 = arith.constant 0 : index
    %get3A_5 = arith.constant 0 : index
    %get3A_6 = vector.load %arg5[%get3A_4, %get3A_5] : memref<256x256xf32, #tpu.memory_space<vmem>>, vector<256x256xf32>
    %get3A_7 = arith.constant 0 : index
    %get3A_8 = arith.constant 0 : index
    %get3A_9 = vector.load %arg1[%get3A_7, %get3A_8] : memref<632x128xf32, #tpu.memory_space<vmem>>, vector<632x128xf32>
    %mul3A = vector.broadcast %rsqrt3A : vector<632x1xf32> to vector<632x128xf32>
    %mul3A_10 = arith.mulf %get3A_9, %mul3A : vector<632x128xf32>
    %slice3A = vector.extract_strided_slice %get3A_6 {offsets = [0, 0], sizes = [128, 256], strides = [1, 1]} : vector<256x256xf32> to vector<128x256xf32>
    %dot_general3A = arith.constant dense<0.000000e+00> : vector<632x256xf32>
    %dot_general3A_11 = tpu.matmul %mul3A_10, %slice3A, %dot_general3A {dimension_numbers = #tpu.dot_dimension_numbers<[1], [0], [0], [1], [0, 0, 1, 1], [], []>, transpose_lhs_hint = false} : vector<632x128xf32>, vector<128x256xf32>, vector<632x256xf32> -> vector<632x256xf32>
    %get3A_12 = arith.constant 0 : index
    %get3A_13 = arith.constant 0 : index
    %get3A_14 = vector.load %arg2[%get3A_12, %get3A_13] : memref<632x128xf32, #tpu.memory_space<vmem>>, vector<632x128xf32>
    %mul3A_15 = vector.broadcast %rsqrt3A : vector<632x1xf32> to vector<632x128xf32>
    %mul3A_16 = arith.mulf %get3A_14, %mul3A_15 : vector<632x128xf32>
    %slice3A_17 = vector.extract_strided_slice %get3A_6 {offsets = [128, 0], sizes = [128, 256], strides = [1, 1]} : vector<256x256xf32> to vector<128x256xf32>
    %dot_general3A_18 = arith.constant dense<0.000000e+00> : vector<632x256xf32>
    %dot_general3A_19 = tpu.matmul %mul3A_16, %slice3A_17, %dot_general3A_18 {dimension_numbers = #tpu.dot_dimension_numbers<[1], [0], [0], [1], [0, 0, 1, 1], [], []>, transpose_lhs_hint = false} : vector<632x128xf32>, vector<128x256xf32>, vector<632x256xf32> -> vector<632x256xf32>
    %add3A = arith.addf %dot_general3A_11, %dot_general3A_19 : vector<632x256xf32>
    %get3A_20 = arith.constant 0 : index
    %get3A_21 = arith.constant 0 : index
    %get3A_22 = vector.load %arg6[%get3A_20, %get3A_21] : memref<1x256xf32, #tpu.memory_space<vmem>>, vector<1x256xf32>
    %add3A_23 = vector.broadcast %get3A_22 : vector<1x256xf32> to vector<632x256xf32>
    %add3A_24 = arith.addf %add3A, %add3A_23 : vector<632x256xf32>
    %max3A_25 = arith.constant 0.000000e+00 : f32
    %max3A_26 = vector.broadcast %max3A_25 : f32 to vector<632x256xf32>
    %max3A_27 = arith.maximumf %add3A_24, %max3A_26 : vector<632x256xf32>
    %get3A_28 = arith.constant 0 : index
    %get3A_29 = arith.constant 0 : index
    %get3A_30 = vector.load %arg4[%get3A_28, %get3A_29] : memref<632x1xf32, #tpu.memory_space<vmem>>, vector<632x1xf32>
    %max3A_31 = arith.constant 1.000000e+00 : f32
    %max3A_32 = vector.broadcast %max3A_31 : f32 to vector<632x1xf32>
    %max3A_33 = arith.maximumf %get3A_30, %max3A_32 : vector<632x1xf32>
    %rsqrt3A_34 = math.rsqrt %max3A_33 : vector<632x1xf32>
    %mul3A_35 = vector.broadcast %rsqrt3A_34 : vector<632x1xf32> to vector<632x256xf32>
    %mul3A_36 = arith.mulf %max3A_27, %mul3A_35 : vector<632x256xf32>
    %slice3A_37 = vector.extract_strided_slice %mul3A_36 {offsets = [0, 0], sizes = [632, 128], strides = [1, 1]} : vector<632x256xf32> to vector<632x128xf32>
    %swap3A = arith.constant 0 : index
    %swap3A_38 = arith.constant 0 : index
    %swap3A_39 = vector.load %arg7[%swap3A, %swap3A_38] : memref<632x128xf32, #tpu.memory_space<vmem>>, vector<632x128xf32>
    tpu.vector_store %arg7[%swap3A, %swap3A_38], %slice3A_37 {strides = array<i32>} : memref<632x128xf32, #tpu.memory_space<vmem>>, vector<632x128xf32>,
    %slice3A_40 = vector.extract_strided_slice %mul3A_36 {offsets = [0, 128], sizes = [632, 128], strides = [1, 1]} : vector<632x256xf32> to vector<632x128xf32>
    %swap3A_41 = arith.constant 0 : index
    %swap3A_42 = arith.constant 0 : index
    %swap3A_43 = vector.load %arg8[%swap3A_41, %swap3A_42] : memref<632x128xf32, #tpu.memory_space<vmem>>, vector<632x128xf32>
    tpu.vector_store %arg8[%swap3A_41, %swap3A_42], %slice3A_40 {strides = array<i32>} : memref<632x128xf32, #tpu.memory_space<vmem>>, vector<632x128xf32>,
    return
  }
  func.func @transform_0(%arg0: i32) -> (i32, i32) {
    %c0_i32 = arith.constant 0 : i32
    %c0_i32_0 = arith.constant 0 : i32
    return %arg0, %c0_i32 : i32, i32
  }
  func.func @transform_1(%arg0: i32) -> (i32, i32) {
    %c0_i32 = arith.constant 0 : i32
    %c0_i32_0 = arith.constant 0 : i32
    return %arg0, %c0_i32 : i32, i32
  }
  func.func @transform_2(%arg0: i32) -> (i32, i32) {
    %c0_i32 = arith.constant 0 : i32
    %c0_i32_0 = arith.constant 0 : i32
    return %arg0, %c0_i32 : i32, i32
  }
  func.func @transform_3(%arg0: i32) -> (i32, i32) {
    %c0_i32 = arith.constant 0 : i32
    %c0_i32_0 = arith.constant 0 : i32
    return %arg0, %c0_i32 : i32, i32
  }
  func.func @transform_4(%arg0: i32) -> (i32, i32) {
    %c0_i32 = arith.constant 0 : i32
    %c0_i32_0 = arith.constant 0 : i32
    %c0_i32_1 = arith.constant 0 : i32
    return %c0_i32, %c0_i32_0 : i32, i32
  }
  func.func @transform_5(%arg0: i32) -> (i32, i32) {
    %c0_i32 = arith.constant 0 : i32
    %c0_i32_0 = arith.constant 0 : i32
    %c0_i32_1 = arith.constant 0 : i32
    return %c0_i32, %c0_i32_0 : i32, i32
  }
  func.func @transform_6(%arg0: i32) -> (i32, i32) {
    %c0_i32 = arith.constant 0 : i32
    %c0_i32_0 = arith.constant 0 : i32
    return %arg0, %c0_i32 : i32, i32
  }
  func.func @transform_7(%arg0: i32) -> (i32, i32) {
    %c0_i32 = arith.constant 0 : i32
    %c0_i32_0 = arith.constant 0 : i32
    return %arg0, %c0_i32 : i32, i32
  }
}

module attributes {stable_mosaic.version = 14 : i64} {
  func.func @_final_body(%arg0: i32, %arg1: memref<400x128xf32, #tpu.memory_space<vmem>>, %arg2: memref<400x128xf32, #tpu.memory_space<vmem>>, %arg3: memref<400x1xf32, #tpu.memory_space<vmem>>, %arg4: memref<256x256xf32, #tpu.memory_space<vmem>>, %arg5: memref<1x256xf32, #tpu.memory_space<vmem>>, %arg6: memref<256x128xf32, #tpu.memory_space<vmem>>, %arg7: memref<1x128xf32, #tpu.memory_space<vmem>>, %arg8: memref<400x256xf32, #tpu.memory_space<vmem>>, %arg9: memref<400x128xf32, #tpu.memory_space<vmem>>) attributes {dimension_semantics = [#tpu.dimension_semantics<arbitrary>], iteration_bounds = array<i64: 25>, scalar_prefetch = 0 : i64, scratch_operands = 0 : i64, tpu.core_type = #tpu.core_type<tc>, window_params = [{transform_indices = @transform_0, window_bounds = array<i64: 400, 128>}, {transform_indices = @transform_1, window_bounds = array<i64: 400, 128>}, {transform_indices = @transform_2, window_bounds = array<i64: 400, 1>}, {pipeline_mode = #tpu.pipeline_mode<synchronous>, transform_indices = @transform_3, window_bounds = array<i64: 256, 256>}, {pipeline_mode = #tpu.pipeline_mode<synchronous>, transform_indices = @transform_4, window_bounds = array<i64: 1, 256>}, {pipeline_mode = #tpu.pipeline_mode<synchronous>, transform_indices = @transform_5, window_bounds = array<i64: 256, 128>}, {pipeline_mode = #tpu.pipeline_mode<synchronous>, transform_indices = @transform_6, window_bounds = array<i64: 1, 128>}, {transform_indices = @transform_7, window_bounds = array<i64: 400, 256>}, {transform_indices = @transform_8, window_bounds = array<i64: 400, 128>}]} {
    %get3A = arith.constant 0 : index
    %get3A_0 = arith.constant 0 : index
    %get3A_1 = vector.load %arg3[%get3A, %get3A_0] : memref<400x1xf32, #tpu.memory_space<vmem>>, vector<400x1xf32>
    %max3A = arith.constant 1.000000e+00 : f32
    %max3A_2 = vector.broadcast %max3A : f32 to vector<400x1xf32>
    %max3A_3 = arith.maximumf %get3A_1, %max3A_2 : vector<400x1xf32>
    %rsqrt3A = math.rsqrt %max3A_3 : vector<400x1xf32>
    %get3A_4 = arith.constant 0 : index
    %get3A_5 = arith.constant 0 : index
    %get3A_6 = vector.load %arg4[%get3A_4, %get3A_5] : memref<256x256xf32, #tpu.memory_space<vmem>>, vector<256x256xf32>
    %get3A_7 = arith.constant 0 : index
    %get3A_8 = arith.constant 0 : index
    %get3A_9 = vector.load %arg1[%get3A_7, %get3A_8] : memref<400x128xf32, #tpu.memory_space<vmem>>, vector<400x128xf32>
    %mul3A = vector.broadcast %rsqrt3A : vector<400x1xf32> to vector<400x128xf32>
    %mul3A_10 = arith.mulf %get3A_9, %mul3A : vector<400x128xf32>
    %slice3A = vector.extract_strided_slice %get3A_6 {offsets = [0, 0], sizes = [128, 256], strides = [1, 1]} : vector<256x256xf32> to vector<128x256xf32>
    %dot_general3A = arith.constant dense<0.000000e+00> : vector<400x256xf32>
    %dot_general3A_11 = tpu.matmul %mul3A_10, %slice3A, %dot_general3A {dimension_numbers = #tpu.dot_dimension_numbers<[1], [0], [0], [1], [0, 0, 1, 1], [], []>, transpose_lhs_hint = false} : vector<400x128xf32>, vector<128x256xf32>, vector<400x256xf32> -> vector<400x256xf32>
    %get3A_12 = arith.constant 0 : index
    %get3A_13 = arith.constant 0 : index
    %get3A_14 = vector.load %arg2[%get3A_12, %get3A_13] : memref<400x128xf32, #tpu.memory_space<vmem>>, vector<400x128xf32>
    %mul3A_15 = vector.broadcast %rsqrt3A : vector<400x1xf32> to vector<400x128xf32>
    %mul3A_16 = arith.mulf %get3A_14, %mul3A_15 : vector<400x128xf32>
    %slice3A_17 = vector.extract_strided_slice %get3A_6 {offsets = [128, 0], sizes = [128, 256], strides = [1, 1]} : vector<256x256xf32> to vector<128x256xf32>
    %dot_general3A_18 = arith.constant dense<0.000000e+00> : vector<400x256xf32>
    %dot_general3A_19 = tpu.matmul %mul3A_16, %slice3A_17, %dot_general3A_18 {dimension_numbers = #tpu.dot_dimension_numbers<[1], [0], [0], [1], [0, 0, 1, 1], [], []>, transpose_lhs_hint = false} : vector<400x128xf32>, vector<128x256xf32>, vector<400x256xf32> -> vector<400x256xf32>
    %add3A = arith.addf %dot_general3A_11, %dot_general3A_19 : vector<400x256xf32>
    %get3A_20 = arith.constant 0 : index
    %get3A_21 = arith.constant 0 : index
    %get3A_22 = vector.load %arg5[%get3A_20, %get3A_21] : memref<1x256xf32, #tpu.memory_space<vmem>>, vector<1x256xf32>
    %add3A_23 = vector.broadcast %get3A_22 : vector<1x256xf32> to vector<400x256xf32>
    %add3A_24 = arith.addf %add3A, %add3A_23 : vector<400x256xf32>
    %max3A_25 = arith.constant 0.000000e+00 : f32
    %max3A_26 = vector.broadcast %max3A_25 : f32 to vector<400x256xf32>
    %max3A_27 = arith.maximumf %add3A_24, %max3A_26 : vector<400x256xf32>
    %swap3A = arith.constant 0 : index
    %swap3A_28 = arith.constant 0 : index
    %swap3A_29 = vector.load %arg8[%swap3A, %swap3A_28] : memref<400x256xf32, #tpu.memory_space<vmem>>, vector<400x256xf32>
    tpu.vector_store %arg8[%swap3A, %swap3A_28], %max3A_27 {strides = array<i32>} : memref<400x256xf32, #tpu.memory_space<vmem>>, vector<400x256xf32>,
    %get3A_30 = arith.constant 0 : index
    %get3A_31 = arith.constant 0 : index
    %get3A_32 = vector.load %arg6[%get3A_30, %get3A_31] : memref<256x128xf32, #tpu.memory_space<vmem>>, vector<256x128xf32>
    %dot_general3A_33 = arith.constant dense<0.000000e+00> : vector<400x128xf32>
    %dot_general3A_34 = tpu.matmul %max3A_27, %get3A_32, %dot_general3A_33 {dimension_numbers = #tpu.dot_dimension_numbers<[1], [0], [0], [1], [0, 0, 1, 1], [], []>, transpose_lhs_hint = false} : vector<400x256xf32>, vector<256x128xf32>, vector<400x128xf32> -> vector<400x128xf32>
    %get3A_35 = arith.constant 0 : index
    %get3A_36 = arith.constant 0 : index
    %get3A_37 = vector.load %arg7[%get3A_35, %get3A_36] : memref<1x128xf32, #tpu.memory_space<vmem>>, vector<1x128xf32>
    %add3A_38 = vector.broadcast %get3A_37 : vector<1x128xf32> to vector<400x128xf32>
    %add3A_39 = arith.addf %dot_general3A_34, %add3A_38 : vector<400x128xf32>
    %swap3A_40 = arith.constant 0 : index
    %swap3A_41 = arith.constant 0 : index
    %swap3A_42 = vector.load %arg9[%swap3A_40, %swap3A_41] : memref<400x128xf32, #tpu.memory_space<vmem>>, vector<400x128xf32>
    tpu.vector_store %arg9[%swap3A_40, %swap3A_41], %add3A_39 {strides = array<i32>} : memref<400x128xf32, #tpu.memory_space<vmem>>, vector<400x128xf32>,
    return
  }
  func.func @transform_0(%arg0: i32) -> (i32, i32) {
    %c0_i32 = arith.constant 0 : i32
    %c0_i32_0 = arith.constant 0 : i32
    return %arg0, %c0_i32 : i32, i32
  }
  func.func @transform_1(%arg0: i32) -> (i32, i32) {
    %c0_i32 = arith.constant 0 : i32
    %c0_i32_0 = arith.constant 0 : i32
    return %arg0, %c0_i32 : i32, i32
  }
  func.func @transform_2(%arg0: i32) -> (i32, i32) {
    %c0_i32 = arith.constant 0 : i32
    %c0_i32_0 = arith.constant 0 : i32
    return %arg0, %c0_i32 : i32, i32
  }
  func.func @transform_3(%arg0: i32) -> (i32, i32) {
    %c0_i32 = arith.constant 0 : i32
    %c0_i32_0 = arith.constant 0 : i32
    %c0_i32_1 = arith.constant 0 : i32
    return %c0_i32, %c0_i32_0 : i32, i32
  }
  func.func @transform_4(%arg0: i32) -> (i32, i32) {
    %c0_i32 = arith.constant 0 : i32
    %c0_i32_0 = arith.constant 0 : i32
    %c0_i32_1 = arith.constant 0 : i32
    return %c0_i32, %c0_i32_0 : i32, i32
  }
  func.func @transform_5(%arg0: i32) -> (i32, i32) {
    %c0_i32 = arith.constant 0 : i32
    %c0_i32_0 = arith.constant 0 : i32
    %c0_i32_1 = arith.constant 0 : i32
    return %c0_i32, %c0_i32_0 : i32, i32
  }
  func.func @transform_6(%arg0: i32) -> (i32, i32) {
    %c0_i32 = arith.constant 0 : i32
    %c0_i32_0 = arith.constant 0 : i32
    %c0_i32_1 = arith.constant 0 : i32
    return %c0_i32, %c0_i32_0 : i32, i32
  }
  func.func @transform_7(%arg0: i32) -> (i32, i32) {
    %c0_i32 = arith.constant 0 : i32
    %c0_i32_0 = arith.constant 0 : i32
    return %arg0, %c0_i32 : i32, i32
  }
  func.func @transform_8(%arg0: i32) -> (i32, i32) {
    %c0_i32 = arith.constant 0 : i32
    %c0_i32_0 = arith.constant 0 : i32
    return %arg0, %c0_i32 : i32, i32
  }
}

</mosaic_0001>

<sc_bundles>
// kernel: kernel.10.cloned.1.call-start
scs
__scs_entry_jumppad:
0x0: {  	(pc) =	sbr.rel $0x88, $3  }
0x1: {  	(tag) =	ssettag $0x0;
	lr =	simm.s32 $0x1  }
0x2: {  	[smem:$0x3F97] =	sst lr;
	_ =	strace $0xD0000000  }
0x3: {  	_ = 	snop  }
0x4: {  	_ = 	snop  }
0x5: {  	_ = 	snop  }
0x6: {  	_ = 	snop  }
0x7: {  	_ = 	snop  }
__scs_overlays_trampoline_lowered:
0x8: {  	[smem:$0x3FA6] =	sst s0  }
0x9: {  	[smem:$0x3FA7] =	sst s1  }
0xa: {  	[smem:$0x3FA8] =	sst s2  }
0xb: {  	[smem:$0x3FA9] =	sst s3  }
0xc: {  	[smem:$0x3FAA] =	sst s4  }
0xd: {  	[smem:$0x3FAB] =	sst s5  }
0xe: {  	[smem:$0x3FAC] =	sst s6  }
0xf: {  	[smem:$0x3FAD] =	sst s7  }
0x10: {  	[smem:$0x3FAE] =	sst s8  }
0x11: {  	[smem:$0x3FAF] =	sst s9;
	s0 =	simm.s32 @!p0 $0x0  }
0x12: {  	s1 =	sld [smem:$0x3F95];
	s0 =	simm.s32 @p0 $0x1  }
0x13: {  	[smem:$0x3FB0] =	sst s0;
	s0 =	simm.s32 @!p1 $0x0  }
0x14: {  	s2 =	sld [smem:$0x3F94];
	s0 =	simm.s32 @p1 $0x1  }
0x15: {  	[smem:$0x3FB1] =	sst s0;
	s0 =	simm.s32 @!p2 $0x0  }
0x16: {  	s3 =	sld [smem:$0x3FDB];
	s0 =	simm.s32 @p2 $0x1  }
0x17: {  	s4 =	simm.s32 $0x1BF5;
	[smem:$0x3FB3] =	sst s0  }
0x18: {  	s0 =	sld [smem:$0x3F96];
	_ =	swait.ge [sflag:s4], $0x0  }
0x19: {  	s7 =	sld [smem:$0x3F97]  }
0x1a: {  	s8 =	sadd.s32 $0xFFFFE003, lr  }
0x1b: {  	s9 =	sadd.s32 $0xFFFFFEF7, lr;
	s5 =	simm.s32 $0xFFFFFFFF;
	p2 =	slt.u32 s8, $0xFFFFF086  }
0x1c: {  	p1 =	slt.u32 s9, $0xF7A;
	s5 =	simm.s32 @!p2 $0x0  }
0x1d: {  	s5 =	simm.s32 @p1 $0x1;
	p0 =	seq.s32 s7, s2  }
0x1e: {  	s7 =	smul.u32 @!p0 $0xF7A, s2;
	p2 =	seq.s32 @!p0 s5, $0x0  }
0x1f: {  	s9 =	smul.u32 $0xF7A, s1;
	s8 =	simm.s32 @!p0 $0x1BF5;
	p2 =	por !p2, p0  }
0x20: {  	[sflag:s8] =	ssyncset.s32 @!p0 $0xFFFFF086;
	s6 =	sadd.s32 @!p0 s3, s7;
	s7 =	simm.s32 @!p0 $0x108  }
0x21: {  	s3 =	sadd.s32 s3, s9;
	s6 =	sadd.s32 @!p0 $0x88, s6;
	s7 =	simm.s32 @p2 $0x1082  }
0x22: {  	[simem:s7], [sflag:s8] =	dma.local @!p0 [hbm:s6], $0xF7A  }
0x23: {  	s9 =	sor.u32 $0xD0000000, s2;
	s6 =	simm.s32 $0x108;
	_ =	swait.ge @!p0 [sflag:s8], $0x0  }
0x24: {  	s3 =	sadd.s32 $0x88, s3;
	s6 =	simm.s32 @!p1 $0x1082;
	[sflag:s4] =	ssyncset.s32 $0xFFFFF086  }
0x25: {  	[simem:s6], [sflag:s4] =	dma.local [hbm:s3], $0xF7A  }
0x26: {  	[smem:$0x3F97] =	sst s1;
	(tag) =	ssettag s2;
	_ =	strace s9  }
0x27: {  	s1 =	sld [smem:$0x3FA7]  }
0x28: {  	s2 =	sld [smem:$0x3FA8]  }
0x29: {  	s4 =	sld [smem:$0x3FAA]  }
0x2a: {  	p0 =	seq.s32 s5, $0x0;
	s5 =	sld [smem:$0x3FAB]  }
0x2b: {  	s6 =	sld [smem:$0x3FAC]  }
0x2c: {  	s7 =	sld [smem:$0x3FAD]  }
0x2d: {  	s3 =	simm.s32 $0x108;
	s8 =	sld [smem:$0x3FAE]  }
0x2e: {  	s3 =	simm.s32 @!p0 $0x1082;
	s9 =	sld [smem:$0x3FAF]  }
0x2f: {  	lr =	sadd.s32 s0, s3;
	s0 =	sld [smem:$0x3FA6]  }
0x30: {  	s3 =	sld [smem:$0x3FA9]  }
0x31: {  	[smem:$0x3FB2] =	sst s10  }
0x32: {  	s10 =	sld [smem:$0x3FB0];
	_ =	sdelay $0x3  }
0x33: {  	p0 =	seq.s32 s10, $0x1;
	s10 =	sld [smem:$0x3FB2];
	_ =	sdelay $0x3  }
0x34: {  	[smem:$0x3FB2] =	sst s10  }
0x35: {  	s10 =	sld [smem:$0x3FB1];
	_ =	sdelay $0x3  }
0x36: {  	p1 =	seq.s32 s10, $0x1;
	s10 =	sld [smem:$0x3FB2];
	_ =	sdelay $0x3  }
0x37: {  	[smem:$0x3FB2] =	sst s10  }
0x38: {  	s10 =	sld [smem:$0x3FB3]  }
0x39: {  	_ = 	snop;
	(pc) =	sbr.ind lr, $3  }
0x3a: {  	_ = 	snop  }
0x3b: {  	_ = 	snop  }
0x3c: {  	p2 =	seq.s32 s10, $0x1;
	s10 =	sld [smem:$0x3FB2]  }
0x3d: {  	_ =	shalt  }
0x3e: {  	_ =	shalt  }
0x3f: {  	_ =	shalt  }
0x40: {  	_ =	shalt  }
0x41: {  	_ =	shalt  }
0x42: {  	_ =	shalt  }
0x43: {  	_ =	shalt  }
0x44: {  	_ =	shalt  }
0x45: {  	_ =	shalt  }
0x46: {  	_ =	shalt  }
0x47: {  	_ =	shalt  }
0x48: {  	_ =	shalt  }
0x49: {  	_ =	shalt  }
0x4a: {  	_ =	shalt  }
0x4b: {  	_ =	shalt  }
0x4c: {  	_ =	shalt  }
0x4d: {  	_ =	shalt  }
0x4e: {  	_ =	shalt  }
0x4f: {  	_ =	shalt  }
0x50: {  	_ =	shalt  }
0x51: {  	_ =	shalt  }
0x52: {  	_ =	shalt  }
0x53: {  	_ =	shalt  }
0x54: {  	_ =	shalt  }
0x55: {  	_ =	shalt  }
0x56: {  	_ =	shalt  }
0x57: {  	_ =	shalt  }
0x58: {  	_ =	shalt  }
0x59: {  	_ =	shalt  }
0x5a: {  	_ =	shalt  }
0x5b: {  	_ =	shalt  }
0x5c: {  	_ =	shalt  }
0x5d: {  	_ =	shalt  }
0x5e: {  	_ =	shalt  }
0x5f: {  	_ =	shalt  }
0x60: {  	_ =	shalt  }
0x61: {  	_ =	shalt  }
0x62: {  	_ =	shalt  }
0x63: {  	_ =	shalt  }
0x64: {  	_ =	shalt  }
0x65: {  	_ =	shalt  }
0x66: {  	_ =	shalt  }
0x67: {  	_ =	shalt  }
0x68: {  	_ =	shalt  }
0x69: {  	_ =	shalt  }
0x6a: {  	_ =	shalt  }
0x6b: {  	_ =	shalt  }
0x6c: {  	_ =	shalt  }
0x6d: {  	_ =	shalt  }
0x6e: {  	_ =	shalt  }
0x6f: {  	_ =	shalt  }
0x70: {  	_ =	shalt  }
0x71: {  	_ =	shalt  }
0x72: {  	_ =	shalt  }
0x73: {  	_ =	shalt  }
0x74: {  	_ =	shalt  }
0x75: {  	_ =	shalt  }
0x76: {  	_ =	shalt  }
0x77: {  	_ =	shalt  }
0x78: {  	_ =	shalt  }
0x79: {  	_ =	shalt  }
0x7a: {  	_ =	shalt  }
0x7b: {  	_ =	shalt  }
0x7c: {  	_ =	shalt  }
0x7d: {  	_ =	shalt  }
0x7e: {  	_ =	shalt  }
0x7f: {  	_ =	shalt  }
0x80: {  	_ =	shalt  }
0x81: {  	_ =	shalt  }
0x82: {  	_ =	shalt  }
0x83: {  	_ =	shalt  }
0x84: {  	_ =	shalt  }
0x85: {  	_ =	shalt  }
0x86: {  	_ =	shalt  }
0x87: {  	_ =	shalt  }
.Lfunc_end0:
.L_simem_size_0:
called_computation_lowered:
.L_overlay_start_0:
0x88: {  	s2 =	sld [smem:$0x3FD9]  }
0x89: {  	s3 =	sld [smem:$0x3FFE];
	_ =	sdelay $0x1  }
0x8a: {  	s1 =	srdreg.scid  }
0x8b: {  	s0 =	sand.u32 $0x1, s1  }
0x8c: {  	s14 =	sshll.u32 s0, $0xA;
	s2 =	sadd.s32 s3, s2  }
0x8d: {  	s2 =	sadd.s32 s2, s14  }
0x8e: {  	[smem:$0x3FBE] =	sst s2  }
0x8f: {  	_ = 	snop  }
0x90: {  	s2 =	sld [smem:$0x3FD0];
	_ =	sdelay $0x2  }
0x91: {  	s15 =	simm.s32 $0xA;
	s4 =	simm.s32 $0x10  }
0x92: {  	[smem:s4], [sflag:s15] =	dma.local [hbm:s2], $0x1  }
0x93: {  	_ =	swait.eq [sflag:s15], $0x1  }
0x94: {  	[sflag:s15] =	ssyncset.done $0x0  }
0x95: {  	s16 =	sld [smem:$0x10];
	[sflag:s15] =	ssyncadd.s32 $0xFFFFFFFF  }
0x96: {  	s17 =	sld [smem:$0x11];
	(tm) =	ssettm $0x1  }
0x97: {  	s18 =	sld [smem:$0x3FFB];
	_ =	sdelay $0x3  }
0x98: {  	_ =	strace s18  }
0x99: {  	s4 =	sld [smem:$0x3FFC];
	_ =	sdelay $0x3  }
0x9a: {  	_ =	strace s4  }
0x9b: {  	s4 =	sld [smem:$0x3FFD];
	_ =	sdelay $0x3  }
0x9c: {  	_ =	strace s4  }
0x9d: {  	_ =	strace $0x8FFFFFFF  }
0x9e: {  	s19 =	sld [smem:$0x3FDB];
	_ =	sdelay $0x1  }
0x9f: {  	s5 =	simm.s32 $_scs_section_size  }
0xa0: {  	s6 =	simm.s32 $_size__tile_overlayer_lowered;
	s7 =	simm.s32 $_tile_overlayer_lowered  }
0xa1: {  	s22 =	simm.s32 $0x1BFF;
	s21 =	sshll.u32 s7, $0x1;
	s4 =	sadd.s32 s5, s19  }
0xa2: {  	s8 =	simm.s32 $0x0;
	s20 =	sshll.u32 s6, $0x1;
	s6 =	sadd.s32 s21, s4  }
0xa3: {  	[timem:s8], [sflag:s22] =	dma.local [hbm:s6], s20  }
0xa4: {  	_ =	swait.ge [sflag:s22], s20  }
0xa5: {  	s5 =	ssub.s32 $0x0, s20;
	[sflag:s22] =	ssyncset.done $0x0  }
0xa6: {  	[sflag:s22] =	ssyncadd.s32 s5;
	_ =	sdelay $0x1  }
0xa7: {  	s23 =	simm.s32 $0x1B8B  }
0xa8: {  	_ =	swait.ge [sflag:s23], $0x1  }
0xa9: {  	[sflag:s23] =	ssyncset.done $0x0  }
0xaa: {  	s25 =	simm.s32 $0x1B8E;
	s24 =	sld [smem:$0x3FFE];
	[sflag:s23] =	ssyncadd.s32 $0xFFFFFFFF  }
0xab: {  	s26 =	simm.s32 $execute0_lowered;
	[smem:$0x3FD2] =	sst s25  }
0xac: {  	s6 =	sshll.u32 s26, $0x1;
	_ =	strace $0x80000046;
	[dreg:$0x1] =	wrdreg $0xFFFFFFFF  }
0xad: {  	s28 =	simm.s32 $_size_execute0_lowered;
	s4 =	sadd.s32 s4, s6;
	[dreg:$0x0] =	wrdreg $0x0  }
0xae: {  	s6 =	sshll.u32 s28, $0x1;
	[dreg:$0x2] =	wrdreg s4  }
0xaf: {  	[dreg:$0x3] =	wrdreg s6  }
0xb0: {  	[dreg:$0x4] =	wrdreg $0xC0  }
0xb1: {  	_ =	task [dreg:s8], $0x5FFFF  }
0xb2: {  	[dreg:$0x1] =	wrdreg $0xFFFFFFFF  }
0xb3: {  	[dreg:$0x0] =	wrdreg $0x60  }
0xb4: {  	[dreg:$0x2] =	wrdreg s24  }
0xb5: {  	[dreg:$0x3] =	wrdreg s17  }
0xb6: {  	[dreg:$0x4] =	wrdreg s16  }
0xb7: {  	[dreg:$0x5] =	wrdreg $0x48000  }
0xb8: {  	[dreg:$0x6] =	wrdreg $0x9  }
0xb9: {  	_ =	task.clear_ibuf [dreg:s8], $0x7FFFF;
	_ =	strace $0x90000046  }
0xba: {  	s29 =	simm.s32 $0x9;
	_ =	strace $0x80000048  }
0xbb: {  	_ =	swait.ge [sflag:s29], $0x1  }
0xbc: {  	[sflag:s29] =	ssyncadd.s32 $0xFFFFFFFF  }
0xbd: {  	_ =	strace $0x90000048  }
0xbe: {  	_ =	sfence  }
0xbf: {  	s30 =	sld [smem:$0x0];
	_ =	sdelay $0x2  }
0xc0: {  	s31 =	sshll.u32 s1, $0xD;
	s1 =	sshrl.u32 s1, $0x2  }
0xc1: {  	s3 =	sand.u32 $0x4000, s31;
	s1 =	sadd.s32 s1, s30  }
0xc2: {  	s0 =	sor.u32 s3, s0;
	s1 =	sshll.u32 s1, $0x11  }
0xc3: {  	s0 =	sor.u32 s1, s0  }
0xc4: {  	s0 =	sadd.s32 $0x8F2B, s0  }
0xc5: {  	[sflag:s0] =	ssyncadd.remote.s32 $0x1  }
0xc6: {  	_ =	sfence.sel $0xFFFF  }
0xc7: {  	[dreg:$0x0] =	wrdreg $0xFFFFFFFF;
	(pc) =	sbr.abs _section_cstart, $3  }
0xc8: {  	[dreg:$0x1] =	wrdreg $0xFFFFFFFF  }
0xc9: {  	_ =	task.clear_ibuf [dreg:s8], $0x2FFFF;
	_ =	strace $0x9FFFFFFF  }
0xca: {  	(tm) =	ssettm $0x7FFFFFFF  }
0xcb: {  	_ =	shalt  }
tec
execute0_lowered:
.L_overlay_start_1:
0x0: {  	(tag) =	ssettag $0x1  }
0x1: {  	s0 =	rddreg [dreg:$0x0]  }
0x2: {  	s8 =	rddreg [dreg:$0x1]  }
0x3: {  	s5 =	rddreg [dreg:$0x2]  }
0x4: {  	s1 =	rddreg [dreg:$0x3];
	s2 =	simm.s32 $0x0  }
0x5: {  	s4 =	srdreg.scid;
	s3 =	stileid.u32;
	s15 =	simm.s32 $0x180  }
0x6: {  	s16 =	simm.s32 $0x200;
	s17 =	simm.s32 $0x280;
	s18 =	simm.s32 $0x300  }
0x7: {  	s19 =	simm.s32 $0x380;
	s20 =	simm.s32 $0x400;
	s21 =	simm.s32 $0x480  }
0x8: {  	s22 =	simm.s32 $0x500;
	s23 =	simm.s32 $0x580;
	s24 =	simm.s32 $0x600  }
0x9: {  	s25 =	simm.s32 $0x680;
	s26 =	simm.s32 $0x700;
	s28 =	simm.s32 $0x780  }
0xa: {  	s29 =	simm.s32 $0x0;
	[smem:$0x7FF] =	sst s2;
	s9 =	sadd.s32 $0x5800, s0  }
0xb: {  	s7 =	sand.u32 $0x1, s4;
	s4 =	sadd.s32 $0xF800, s0;
	s10 =	smul.u32 $0x4F000, s3  }
0xc: {  	s11 =	sadd.s32 $0x10000, s0;
	s13 =	smul.u32 $0x2780, s3;
	s0 =	sadd.s32 $0x37800, s0  }
0xd: {  	s31 =	sshll.u32 s3, $0x6;
	s14 =	smul.u32 $0xA00, s3;
	s6 =	ssub.s32 $0x2, s7  }
0xe: {  	_ =	strace $0x80000047;
	p0 =	seq.s32 s7, $0x1;
	s12 =	sshrl.u32 s6, $0x1  }
0xf: {  	s30 =	sshrl.u32 s10, $0x2;
	s5 =	sadd.s32 s5, s13;
	s9 =	smov.u32 @p0 s8  }
0x10: {  	s11 =	smov.u32 @p0 s0;
	s12 =	ssub.s32 s6, s12;
	s10 =	sadd.s32 s30, s1  }
0x11: {  	s6 =	sor.u32 $0x1C01, s31;
	s8 =	sadd.s32 s9, s14;
	s9 =	sadd.s32 s11, s13  }
0x12: {  	s11 =	simm.s32 $0x1;
	s13 =	simm.s32 $0x80;
	s14 =	simm.s32 $0x100  }
0x13: {  	s7 =	smax.u32 s12, $0x1;
	s10 =	sshrl.u32 s10, $0x3;
	s12 =	simm.s32 $0x800  }
.LBB2_1:
0x14: {  	[spmem:s10], [sflag:s6] =	dma.local [hbm:s5], $0x2780  }
0x15: {  	_ =	swait.ge [sflag:s11], $0x2780  }
0x16: {  	[sflag:s11] =	ssyncset.done $0x0  }
0x17: {  	[sflag:s11] =	ssyncadd.s32 $0xFFFFD880  }
0x18: {  	[tilespmem:s12], [sflag:$0x1] =	stream.linear.gather [hbm4b:s4+s2], $0x4000, $0x38;
	[tilespmem:$0x18400] =	vst v63  }
0x19: {  	_ =	swait.ge [sflag:s11], $0x4000  }
0x1a: {  	[sflag:s11] =	ssyncset.done $0x0  }
0x1b: {  	[sflag:s11] =	ssyncadd.s32 $0xFFFFC000  }
0x1c: {  	s0 =	sadd.s32 $0x0, s8;
	[bflag:$0x0] =	sbarrier.arrive $0xFFFF  }
0x1d: {  	[tilespmem:s2], [sflag:$0x1] =	stream.linear.gather [hbm4b:s0+s2], $0x800, $0x38;
	[tilespmem:$0x18400] =	vst v63  }
0x1e: {  	_ =	swait.ge [sflag:s11], $0x800  }
0x1f: {  	[sflag:s11] =	ssyncset.done $0x0  }
0x20: {  	[sflag:s11] =	ssyncadd.s32 $0xFFFFF800  }
0x21: {  	[spmem:s1] =	stream.indirect.scatter.add.f32 [tilespmem:s12], [sflag:$0x1], $0x80, s2, s13, $0xb8;
	[tilespmem:$0x18400] =	vst v63  }
0x22: {  	_ =	swait.ge [sflag:s11], $0x4000  }
0x23: {  	[sflag:s11] =	ssyncset.done $0x0  }
0x24: {  	[sflag:s11] =	ssyncadd.s32 $0xFFFFC000  }
0x25: {  	[spmem:s1] =	stream.indirect.scatter.add.f32 [tilespmem:s12], [sflag:$0x1], $0x80, s13, s13, $0xb8;
	[tilespmem:$0x18400] =	vst v63  }
0x26: {  	_ =	swait.ge [sflag:s11], $0x4000  }
0x27: {  	[sflag:s11] =	ssyncset.done $0x0  }
0x28: {  	[sflag:s11] =	ssyncadd.s32 $0xFFFFC000  }
0x29: {  	[spmem:s1] =	stream.indirect.scatter.add.f32 [tilespmem:s12], [sflag:$0x1], $0x80, s14, s13, $0xb8;
	[tilespmem:$0x18400] =	vst v63  }
0x2a: {  	_ =	swait.ge [sflag:s11], $0x4000  }
0x2b: {  	[sflag:s11] =	ssyncset.done $0x0  }
0x2c: {  	[sflag:s11] =	ssyncadd.s32 $0xFFFFC000  }
0x2d: {  	[spmem:s1] =	stream.indirect.scatter.add.f32 [tilespmem:s12], [sflag:$0x1], $0x80, s15, s13, $0xb8;
	[tilespmem:$0x18400] =	vst v63  }
0x2e: {  	_ =	swait.ge [sflag:s11], $0x4000  }
0x2f: {  	[sflag:s11] =	ssyncset.done $0x0  }
0x30: {  	[sflag:s11] =	ssyncadd.s32 $0xFFFFC000  }
0x31: {  	[spmem:s1] =	stream.indirect.scatter.add.f32 [tilespmem:s12], [sflag:$0x1], $0x80, s16, s13, $0xb8;
	[tilespmem:$0x18400] =	vst v63  }
0x32: {  	_ =	swait.ge [sflag:s11], $0x4000  }
0x33: {  	[sflag:s11] =	ssyncset.done $0x0  }
0x34: {  	[sflag:s11] =	ssyncadd.s32 $0xFFFFC000  }
0x35: {  	[spmem:s1] =	stream.indirect.scatter.add.f32 [tilespmem:s12], [sflag:$0x1], $0x80, s17, s13, $0xb8;
	[tilespmem:$0x18400] =	vst v63  }
0x36: {  	_ =	swait.ge [sflag:s11], $0x4000  }
0x37: {  	[sflag:s11] =	ssyncset.done $0x0  }
0x38: {  	[sflag:s11] =	ssyncadd.s32 $0xFFFFC000  }
0x39: {  	[spmem:s1] =	stream.indirect.scatter.add.f32 [tilespmem:s12], [sflag:$0x1], $0x80, s18, s13, $0xb8;
	[tilespmem:$0x18400] =	vst v63  }
0x3a: {  	_ =	swait.ge [sflag:s11], $0x4000  }
0x3b: {  	[sflag:s11] =	ssyncset.done $0x0  }
0x3c: {  	[sflag:s11] =	ssyncadd.s32 $0xFFFFC000  }
0x3d: {  	[spmem:s1] =	stream.indirect.scatter.add.f32 [tilespmem:s12], [sflag:$0x1], $0x80, s19, s13, $0xb8;
	[tilespmem:$0x18400] =	vst v63  }
0x3e: {  	_ =	swait.ge [sflag:s11], $0x4000  }
0x3f: {  	[sflag:s11] =	ssyncset.done $0x0  }
0x40: {  	[sflag:s11] =	ssyncadd.s32 $0xFFFFC000  }
0x41: {  	[spmem:s1] =	stream.indirect.scatter.add.f32 [tilespmem:s12], [sflag:$0x1], $0x80, s20, s13, $0xb8;
	[tilespmem:$0x18400] =	vst v63  }
0x42: {  	_ =	swait.ge [sflag:s11], $0x4000  }
0x43: {  	[sflag:s11] =	ssyncset.done $0x0  }
0x44: {  	[sflag:s11] =	ssyncadd.s32 $0xFFFFC000  }
0x45: {  	[spmem:s1] =	stream.indirect.scatter.add.f32 [tilespmem:s12], [sflag:$0x1], $0x80, s21, s13, $0xb8;
	[tilespmem:$0x18400] =	vst v63  }
0x46: {  	_ =	swait.ge [sflag:s11], $0x4000  }
0x47: {  	[sflag:s11] =	ssyncset.done $0x0  }
0x48: {  	[sflag:s11] =	ssyncadd.s32 $0xFFFFC000  }
0x49: {  	[spmem:s1] =	stream.indirect.scatter.add.f32 [tilespmem:s12], [sflag:$0x1], $0x80, s22, s13, $0xb8;
	[tilespmem:$0x18400] =	vst v63  }
0x4a: {  	_ =	swait.ge [sflag:s11], $0x4000  }
0x4b: {  	[sflag:s11] =	ssyncset.done $0x0  }
0x4c: {  	[sflag:s11] =	ssyncadd.s32 $0xFFFFC000  }
0x4d: {  	[spmem:s1] =	stream.indirect.scatter.add.f32 [tilespmem:s12], [sflag:$0x1], $0x80, s23, s13, $0xb8;
	[tilespmem:$0x18400] =	vst v63  }
0x4e: {  	_ =	swait.ge [sflag:s11], $0x4000  }
0x4f: {  	[sflag:s11] =	ssyncset.done $0x0  }
0x50: {  	[sflag:s11] =	ssyncadd.s32 $0xFFFFC000  }
0x51: {  	[spmem:s1] =	stream.indirect.scatter.add.f32 [tilespmem:s12], [sflag:$0x1], $0x80, s24, s13, $0xb8;
	[tilespmem:$0x18400] =	vst v63  }
0x52: {  	_ =	swait.ge [sflag:s11], $0x4000  }
0x53: {  	[sflag:s11] =	ssyncset.done $0x0  }
0x54: {  	[sflag:s11] =	ssyncadd.s32 $0xFFFFC000  }
0x55: {  	[spmem:s1] =	stream.indirect.scatter.add.f32 [tilespmem:s12], [sflag:$0x1], $0x80, s25, s13, $0xb8;
	[tilespmem:$0x18400] =	vst v63  }
0x56: {  	_ =	swait.ge [sflag:s11], $0x4000  }
0x57: {  	[sflag:s11] =	ssyncset.done $0x0  }
0x58: {  	[sflag:s11] =	ssyncadd.s32 $0xFFFFC000  }
0x59: {  	[spmem:s1] =	stream.indirect.scatter.add.f32 [tilespmem:s12], [sflag:$0x1], $0x80, s26, s13, $0xb8;
	[tilespmem:$0x18400] =	vst v63  }
0x5a: {  	_ =	swait.ge [sflag:s11], $0x4000  }
0x5b: {  	[sflag:s11] =	ssyncset.done $0x0  }
0x5c: {  	[sflag:s11] =	ssyncadd.s32 $0xFFFFC000  }
0x5d: {  	[spmem:s1] =	stream.indirect.scatter.add.f32 [tilespmem:s12], [sflag:$0x1], $0x80, s28, s13, $0xb8;
	[tilespmem:$0x18400] =	vst v63  }
0x5e: {  	_ =	swait.ge [sflag:s11], $0x4000  }
0x5f: {  	s30 =	simm.s32 $0x100;
	s31 =	simm.s32 $0x200;
	[sflag:s11] =	ssyncset.done $0x0  }
.LBB2_2:
0x60: {  	s3 =	sadd.s32 s30, s8  }
0x61: {  	[sflag:s11] =	ssyncadd.s32 $0xFFFFC000;
	s30 =	smov.u32 s31;
	s0 =	sadd.s32 $0x100, s31  }
0x62: {  	[tilespmem:s2], [sflag:$0x1] =	stream.linear.gather [hbm4b:s3+s2], $0x800, $0x38;
	[tilespmem:$0x18400] =	vst v63  }
0x63: {  	p0 =	sne.s32 s31, $0x900;
	_ =	swait.ge [sflag:s11], $0x800  }
0x64: {  	[sflag:s11] =	ssyncset.done $0x0  }
0x65: {  	[sflag:s11] =	ssyncadd.s32 $0xFFFFF800  }
0x66: {  	[spmem:s1] =	stream.indirect.scatter.add.f32 [tilespmem:s12], [sflag:$0x1], $0x80, s2, s13, $0xb8;
	[tilespmem:$0x18400] =	vst v63  }
0x67: {  	_ =	swait.ge [sflag:s11], $0x4000  }
0x68: {  	[sflag:s11] =	ssyncset.done $0x0  }
0x69: {  	[sflag:s11] =	ssyncadd.s32 $0xFFFFC000  }
0x6a: {  	[spmem:s1] =	stream.indirect.scatter.add.f32 [tilespmem:s12], [sflag:$0x1], $0x80, s13, s13, $0xb8;
	[tilespmem:$0x18400] =	vst v63  }
0x6b: {  	_ =	swait.ge [sflag:s11], $0x4000  }
0x6c: {  	[sflag:s11] =	ssyncset.done $0x0  }
0x6d: {  	[sflag:s11] =	ssyncadd.s32 $0xFFFFC000  }
0x6e: {  	[spmem:s1] =	stream.indirect.scatter.add.f32 [tilespmem:s12], [sflag:$0x1], $0x80, s14, s13, $0xb8;
	[tilespmem:$0x18400] =	vst v63  }
0x6f: {  	_ =	swait.ge [sflag:s11], $0x4000  }
0x70: {  	[sflag:s11] =	ssyncset.done $0x0  }
0x71: {  	[sflag:s11] =	ssyncadd.s32 $0xFFFFC000  }
0x72: {  	[spmem:s1] =	stream.indirect.scatter.add.f32 [tilespmem:s12], [sflag:$0x1], $0x80, s15, s13, $0xb8;
	[tilespmem:$0x18400] =	vst v63  }
0x73: {  	_ =	swait.ge [sflag:s11], $0x4000  }
0x74: {  	[sflag:s11] =	ssyncset.done $0x0  }
0x75: {  	[sflag:s11] =	ssyncadd.s32 $0xFFFFC000  }
0x76: {  	[spmem:s1] =	stream.indirect.scatter.add.f32 [tilespmem:s12], [sflag:$0x1], $0x80, s16, s13, $0xb8;
	[tilespmem:$0x18400] =	vst v63  }
0x77: {  	_ =	swait.ge [sflag:s11], $0x4000  }
0x78: {  	[sflag:s11] =	ssyncset.done $0x0  }
0x79: {  	[sflag:s11] =	ssyncadd.s32 $0xFFFFC000  }
0x7a: {  	[spmem:s1] =	stream.indirect.scatter.add.f32 [tilespmem:s12], [sflag:$0x1], $0x80, s17, s13, $0xb8;
	[tilespmem:$0x18400] =	vst v63  }
0x7b: {  	_ =	swait.ge [sflag:s11], $0x4000  }
0x7c: {  	[sflag:s11] =	ssyncset.done $0x0  }
0x7d: {  	[sflag:s11] =	ssyncadd.s32 $0xFFFFC000  }
0x7e: {  	[spmem:s1] =	stream.indirect.scatter.add.f32 [tilespmem:s12], [sflag:$0x1], $0x80, s18, s13, $0xb8;
	[tilespmem:$0x18400] =	vst v63  }
0x7f: {  	_ =	swait.ge [sflag:s11], $0x4000  }
0x80: {  	[sflag:s11] =	ssyncset.done $0x0  }
0x81: {  	[sflag:s11] =	ssyncadd.s32 $0xFFFFC000  }
0x82: {  	[spmem:s1] =	stream.indirect.scatter.add.f32 [tilespmem:s12], [sflag:$0x1], $0x80, s19, s13, $0xb8;
	[tilespmem:$0x18400] =	vst v63  }
0x83: {  	_ =	swait.ge [sflag:s11], $0x4000  }
0x84: {  	[sflag:s11] =	ssyncset.done $0x0  }
0x85: {  	[sflag:s11] =	ssyncadd.s32 $0xFFFFC000  }
0x86: {  	[spmem:s1] =	stream.indirect.scatter.add.f32 [tilespmem:s12], [sflag:$0x1], $0x80, s20, s13, $0xb8;
	[tilespmem:$0x18400] =	vst v63  }
0x87: {  	_ =	swait.ge [sflag:s11], $0x4000  }
0x88: {  	[sflag:s11] =	ssyncset.done $0x0  }
0x89: {  	[sflag:s11] =	ssyncadd.s32 $0xFFFFC000  }
0x8a: {  	[spmem:s1] =	stream.indirect.scatter.add.f32 [tilespmem:s12], [sflag:$0x1], $0x80, s21, s13, $0xb8;
	[tilespmem:$0x18400] =	vst v63  }
0x8b: {  	_ =	swait.ge [sflag:s11], $0x4000  }
0x8c: {  	[sflag:s11] =	ssyncset.done $0x0  }
0x8d: {  	[sflag:s11] =	ssyncadd.s32 $0xFFFFC000  }
0x8e: {  	[spmem:s1] =	stream.indirect.scatter.add.f32 [tilespmem:s12], [sflag:$0x1], $0x80, s22, s13, $0xb8;
	[tilespmem:$0x18400] =	vst v63  }
0x8f: {  	_ =	swait.ge [sflag:s11], $0x4000  }
0x90: {  	[sflag:s11] =	ssyncset.done $0x0  }
0x91: {  	[sflag:s11] =	ssyncadd.s32 $0xFFFFC000  }
0x92: {  	[spmem:s1] =	stream.indirect.scatter.add.f32 [tilespmem:s12], [sflag:$0x1], $0x80, s23, s13, $0xb8;
	[tilespmem:$0x18400] =	vst v63  }
0x93: {  	_ =	swait.ge [sflag:s11], $0x4000  }
0x94: {  	[sflag:s11] =	ssyncset.done $0x0  }
0x95: {  	[sflag:s11] =	ssyncadd.s32 $0xFFFFC000  }
0x96: {  	[spmem:s1] =	stream.indirect.scatter.add.f32 [tilespmem:s12], [sflag:$0x1], $0x80, s24, s13, $0xb8;
	[tilespmem:$0x18400] =	vst v63  }
0x97: {  	_ =	swait.ge [sflag:s11], $0x4000  }
0x98: {  	[sflag:s11] =	ssyncset.done $0x0  }
0x99: {  	[sflag:s11] =	ssyncadd.s32 $0xFFFFC000  }
0x9a: {  	[spmem:s1] =	stream.indirect.scatter.add.f32 [tilespmem:s12], [sflag:$0x1], $0x80, s25, s13, $0xb8;
	[tilespmem:$0x18400] =	vst v63  }
0x9b: {  	_ =	swait.ge [sflag:s11], $0x4000  }
0x9c: {  	[sflag:s11] =	ssyncset.done $0x0  }
0x9d: {  	[sflag:s11] =	ssyncadd.s32 $0xFFFFC000  }
0x9e: {  	[spmem:s1] =	stream.indirect.scatter.add.f32 [tilespmem:s12], [sflag:$0x1], $0x80, s26, s13, $0xb8;
	[tilespmem:$0x18400] =	vst v63  }
0x9f: {  	_ =	swait.ge [sflag:s11], $0x4000  }
.Ltmp0:
0xa0: {  	[sflag:s11] =	ssyncset.done $0x0;
	(pc) =	sbr.rel @p0 .LBB2_2-.Ltmp0, $4  }
0xa1: {  	[sflag:s11] =	ssyncadd.s32 $0xFFFFC000  }
0xa2: {  	[spmem:s1] =	stream.indirect.scatter.add.f32 [tilespmem:s12], [sflag:$0x1], $0x80, s28, s13, $0xb8;
	[tilespmem:$0x18400] =	vst v63  }
0xa3: {  	_ =	swait.ge [sflag:s11], $0x4000  }
0xa4: {  	s31 =	smov.u32 s0;
	[sflag:s11] =	ssyncset.done $0x0  }
0xa5: {  	s0 =	sadd.s32 s30, s8;
	[sflag:s11] =	ssyncadd.s32 $0xFFFFC000  }
0xa6: {  	[tilespmem:s2], [sflag:$0x1] =	stream.linear.gather [hbm4b:s0+s2], $0x800, $0x38;
	[tilespmem:$0x18400] =	vst v63  }
0xa7: {  	_ =	swait.ge [sflag:s11], $0x800  }
0xa8: {  	[sflag:s11] =	ssyncset.done $0x0  }
0xa9: {  	[sflag:s11] =	ssyncadd.s32 $0xFFFFF800  }
0xaa: {  	[spmem:s1] =	stream.indirect.scatter.add.f32 [tilespmem:s12], [sflag:$0x1], $0x80, s2, s13, $0xb8;
	[tilespmem:$0x18400] =	vst v63  }
0xab: {  	_ =	swait.ge [sflag:s11], $0x4000  }
0xac: {  	[sflag:s11] =	ssyncset.done $0x0  }
0xad: {  	[sflag:s11] =	ssyncadd.s32 $0xFFFFC000  }
0xae: {  	[spmem:s1] =	stream.indirect.scatter.add.f32 [tilespmem:s12], [sflag:$0x1], $0x80, s13, s13, $0xb8;
	[tilespmem:$0x18400] =	vst v63  }
0xaf: {  	_ =	swait.ge [sflag:s11], $0x4000  }
0xb0: {  	[sflag:s11] =	ssyncset.done $0x0  }
0xb1: {  	[sflag:s11] =	ssyncadd.s32 $0xFFFFC000  }
0xb2: {  	[spmem:s1] =	stream.indirect.scatter.add.f32 [tilespmem:s12], [sflag:$0x1], $0x80, s14, s13, $0xb8;
	[tilespmem:$0x18400] =	vst v63  }
0xb3: {  	_ =	swait.ge [sflag:s11], $0x4000  }
0xb4: {  	[sflag:s11] =	ssyncset.done $0x0  }
0xb5: {  	[sflag:s11] =	ssyncadd.s32 $0xFFFFC000  }
0xb6: {  	[spmem:s1] =	stream.indirect.scatter.add.f32 [tilespmem:s12], [sflag:$0x1], $0x80, s15, s13, $0xb8;
	[tilespmem:$0x18400] =	vst v63  }
0xb7: {  	_ =	swait.ge [sflag:s11], $0x4000  }
0xb8: {  	[sflag:s11] =	ssyncset.done $0x0  }
0xb9: {  	[sflag:s11] =	ssyncadd.s32 $0xFFFFC000  }
0xba: {  	[spmem:s1] =	stream.indirect.scatter.add.f32 [tilespmem:s12], [sflag:$0x1], $0x80, s16, s13, $0xb8;
	[tilespmem:$0x18400] =	vst v63  }
0xbb: {  	_ =	swait.ge [sflag:s11], $0x4000  }
0xbc: {  	[sflag:s11] =	ssyncset.done $0x0  }
0xbd: {  	[sflag:s11] =	ssyncadd.s32 $0xFFFFC000  }
0xbe: {  	[spmem:s1] =	stream.indirect.scatter.add.f32 [tilespmem:s12], [sflag:$0x1], $0x80, s17, s13, $0xb8;
	[tilespmem:$0x18400] =	vst v63  }
0xbf: {  	_ =	swait.ge [sflag:s11], $0x4000  }
0xc0: {  	[sflag:s11] =	ssyncset.done $0x0  }
0xc1: {  	[sflag:s11] =	ssyncadd.s32 $0xFFFFC000  }
0xc2: {  	[spmem:s1] =	stream.indirect.scatter.add.f32 [tilespmem:s12], [sflag:$0x1], $0x80, s18, s13, $0xb8;
	[tilespmem:$0x18400] =	vst v63  }
0xc3: {  	_ =	swait.ge [sflag:s11], $0x4000  }
0xc4: {  	[sflag:s11] =	ssyncset.done $0x0  }
0xc5: {  	[sflag:s11] =	ssyncadd.s32 $0xFFFFC000  }
0xc6: {  	[spmem:s1] =	stream.indirect.scatter.add.f32 [tilespmem:s12], [sflag:$0x1], $0x80, s19, s13, $0xb8;
	[tilespmem:$0x18400] =	vst v63  }
0xc7: {  	_ =	swait.ge [sflag:s11], $0x4000  }
0xc8: {  	[sflag:s11] =	ssyncset.done $0x0  }
0xc9: {  	[sflag:s11] =	ssyncadd.s32 $0xFFFFC000  }
0xca: {  	[spmem:s1] =	stream.indirect.scatter.add.f32 [tilespmem:s12], [sflag:$0x1], $0x80, s20, s13, $0xb8;
	[tilespmem:$0x18400] =	vst v63  }
0xcb: {  	_ =	swait.ge [sflag:s11], $0x4000  }
0xcc: {  	[sflag:s11] =	ssyncset.done $0x0  }
0xcd: {  	[sflag:s11] =	ssyncadd.s32 $0xFFFFC000  }
0xce: {  	[spmem:s1] =	stream.indirect.scatter.add.f32 [tilespmem:s12], [sflag:$0x1], $0x80, s21, s13, $0xb8;
	[tilespmem:$0x18400] =	vst v63  }
0xcf: {  	_ =	swait.ge [sflag:s11], $0x4000  }
0xd0: {  	[sflag:s11] =	ssyncset.done $0x0  }
0xd1: {  	[sflag:s11] =	ssyncadd.s32 $0xFFFFC000  }
0xd2: {  	[spmem:s1] =	stream.indirect.scatter.add.f32 [tilespmem:s12], [sflag:$0x1], $0x80, s22, s13, $0xb8;
	[tilespmem:$0x18400] =	vst v63  }
0xd3: {  	_ =	swait.ge [sflag:s11], $0x4000  }
0xd4: {  	[sflag:s11] =	ssyncset.done $0x0  }
0xd5: {  	[sflag:s11] =	ssyncadd.s32 $0xFFFFC000  }
0xd6: {  	[spmem:s1] =	stream.indirect.scatter.add.f32 [tilespmem:s12], [sflag:$0x1], $0x80, s23, s13, $0xb8;
	[tilespmem:$0x18400] =	vst v63  }
0xd7: {  	_ =	swait.ge [sflag:s11], $0x4000  }
0xd8: {  	[sflag:s11] =	ssyncset.done $0x0  }
0xd9: {  	[sflag:s11] =	ssyncadd.s32 $0xFFFFC000  }
0xda: {  	[spmem:s1] =	stream.indirect.scatter.add.f32 [tilespmem:s12], [sflag:$0x1], $0x80, s24, s13, $0xb8;
	[tilespmem:$0x18400] =	vst v63  }
0xdb: {  	_ =	swait.ge [sflag:s11], $0x4000  }
0xdc: {  	[sflag:s11] =	ssyncset.done $0x0  }
0xdd: {  	[sflag:s11] =	ssyncadd.s32 $0xFFFFC000  }
0xde: {  	[spmem:s1] =	stream.indirect.scatter.add.f32 [tilespmem:s12], [sflag:$0x1], $0x80, s25, s13, $0xb8;
	[tilespmem:$0x18400] =	vst v63  }
0xdf: {  	_ =	swait.ge [sflag:s11], $0x4000  }
0xe0: {  	[sflag:s11] =	ssyncset.done $0x0  }
0xe1: {  	[sflag:s11] =	ssyncadd.s32 $0xFFFFC000  }
0xe2: {  	[spmem:s1] =	stream.indirect.scatter.add.f32 [tilespmem:s12], [sflag:$0x1], $0x80, s26, s13, $0xb8;
	[tilespmem:$0x18400] =	vst v63  }
0xe3: {  	_ =	swait.ge [sflag:s11], $0x4000  }
0xe4: {  	[sflag:s11] =	ssyncset.done $0x0  }
0xe5: {  	[sflag:s11] =	ssyncadd.s32 $0xFFFFC000  }
0xe6: {  	[spmem:s1] =	stream.indirect.scatter.add.f32 [tilespmem:s12], [sflag:$0x1], $0x80, s28, s13, $0xb8;
	[tilespmem:$0x18400] =	vst v63  }
0xe7: {  	_ =	swait.ge [sflag:s11], $0x4000  }
0xe8: {  	s29 =	sadd.s32 $0x1, s29;
	[sflag:s11] =	ssyncset.done $0x0  }
0xe9: {  	p0 =	sne.s32 s29, s7;
	[sflag:s11] =	ssyncadd.s32 $0xFFFFC000  }
.Ltmp1:
0xea: {  	[bflag:$0x0] =	sbarrier.arrive $0xFFFF;
	(pc) =	sbr.rel @p0 .LBB2_1-.Ltmp1, $4  }
0xeb: {  	[hbm:s9], [sflag:s6] =	dma.local [spmem:s10], $0x2780  }
0xec: {  	_ =	swait.ge [sflag:s11], $0x2780  }
0xed: {  	[sflag:s11] =	ssyncset.done $0x0  }
0xee: {  	[sflag:s11] =	ssyncadd.s32 $0xFFFFD880  }
0xef: {  	_ =	sfence.sel $0x180000  }
0xf0: {  	[bflag:$0x0] =	sbarrier.arrive $0xFFFF  }
0xf1: {  	_ =	strace $0x90000047  }
0xf2: {  	s0 =	stileid.u32;
	[bflag:$0x2] =	sbarrier.arrive $0xFFFF  }
0xf3: {  	p0 =	sne.s32 s0, $0x0;
	s0 =	rddreg [dreg:$0x4]  }
0xf4: {  	s0 =	sadd.s32 @!p0 $0x100000, s0  }
0xf5: {  	[sflag:s0] =	ssyncadd.tile.s32 @!p0 $0x1;
	_ =	shalt  }
.Lfunc_end2:
_tile_overlayer_lowered:
.L_overlay_start_2:
0xf6: {  	(tag) =	ssettag $0x2  }
0xf7: {  	s0 =	rddreg [dreg:$0x0];
	s2 =	stileid.u32  }
0xf8: {  	s1 =	rddreg [dreg:$0x1];
	p0 =	sne.s32 s2, $0x0  }
0xf9: {  	s3 =	rddreg [dreg:$0x2];
	[bflag:$0x3] =	sbarrier.arrive $0xFFFF;
	s2 =	simm.s32 @!p0 $0x1C01  }
0xfa: {  	[timem:s3], [sflag:s2] =	dma.local @!p0 [hbm:s0], s1  }
0xfb: {  	s0 =	simm.s32 @!p0 $0x1  }
0xfc: {  	_ =	swait.ge @!p0 [sflag:s0], s1  }
0xfd: {  	s1 =	ssub.s32 @!p0 $0x0, s1;
	[sflag:s0] =	ssyncset.done @!p0 $0x0  }
0xfe: {  	[sflag:s0] =	ssyncadd.s32 @!p0 s1  }
0xff: {  	[bflag:$0x3] =	sbarrier.arrive $0xFFFF  }
0x100: {  	_ =	shalt  }

// kernel: kernel.13.cloned.1.call-start
scs
__scs_entry_jumppad:
0x0: {  	(pc) =	sbr.rel $0x88, $3  }
0x1: {  	(tag) =	ssettag $0x0;
	lr =	simm.s32 $0x1  }
0x2: {  	[smem:$0x3F97] =	sst lr;
	_ =	strace $0xD0000000  }
0x3: {  	_ = 	snop  }
0x4: {  	_ = 	snop  }
0x5: {  	_ = 	snop  }
0x6: {  	_ = 	snop  }
0x7: {  	_ = 	snop  }
__scs_overlays_trampoline_lowered:
0x8: {  	[smem:$0x3FA6] =	sst s0  }
0x9: {  	[smem:$0x3FA7] =	sst s1  }
0xa: {  	[smem:$0x3FA8] =	sst s2  }
0xb: {  	[smem:$0x3FA9] =	sst s3  }
0xc: {  	[smem:$0x3FAA] =	sst s4  }
0xd: {  	[smem:$0x3FAB] =	sst s5  }
0xe: {  	[smem:$0x3FAC] =	sst s6  }
0xf: {  	[smem:$0x3FAD] =	sst s7  }
0x10: {  	[smem:$0x3FAE] =	sst s8  }
0x11: {  	[smem:$0x3FAF] =	sst s9;
	s0 =	simm.s32 @!p0 $0x0  }
0x12: {  	s1 =	sld [smem:$0x3F95];
	s0 =	simm.s32 @p0 $0x1  }
0x13: {  	[smem:$0x3FB0] =	sst s0;
	s0 =	simm.s32 @!p1 $0x0  }
0x14: {  	s2 =	sld [smem:$0x3F94];
	s0 =	simm.s32 @p1 $0x1  }
0x15: {  	[smem:$0x3FB1] =	sst s0;
	s0 =	simm.s32 @!p2 $0x0  }
0x16: {  	s3 =	sld [smem:$0x3FDB];
	s0 =	simm.s32 @p2 $0x1  }
0x17: {  	s4 =	simm.s32 $0x1BF5;
	[smem:$0x3FB3] =	sst s0  }
0x18: {  	s0 =	sld [smem:$0x3F96];
	_ =	swait.ge [sflag:s4], $0x0  }
0x19: {  	s7 =	sld [smem:$0x3F97]  }
0x1a: {  	s8 =	sadd.s32 $0xFFFFE003, lr  }
0x1b: {  	s9 =	sadd.s32 $0xFFFFFEF7, lr;
	s5 =	simm.s32 $0xFFFFFFFF;
	p2 =	slt.u32 s8, $0xFFFFF086  }
0x1c: {  	p1 =	slt.u32 s9, $0xF7A;
	s5 =	simm.s32 @!p2 $0x0  }
0x1d: {  	s5 =	simm.s32 @p1 $0x1;
	p0 =	seq.s32 s7, s2  }
0x1e: {  	s7 =	smul.u32 @!p0 $0xF7A, s2;
	p2 =	seq.s32 @!p0 s5, $0x0  }
0x1f: {  	s9 =	smul.u32 $0xF7A, s1;
	s8 =	simm.s32 @!p0 $0x1BF5;
	p2 =	por !p2, p0  }
0x20: {  	[sflag:s8] =	ssyncset.s32 @!p0 $0xFFFFF086;
	s6 =	sadd.s32 @!p0 s3, s7;
	s7 =	simm.s32 @!p0 $0x108  }
0x21: {  	s3 =	sadd.s32 s3, s9;
	s6 =	sadd.s32 @!p0 $0x88, s6;
	s7 =	simm.s32 @p2 $0x1082  }
0x22: {  	[simem:s7], [sflag:s8] =	dma.local @!p0 [hbm:s6], $0xF7A  }
0x23: {  	s9 =	sor.u32 $0xD0000000, s2;
	s6 =	simm.s32 $0x108;
	_ =	swait.ge @!p0 [sflag:s8], $0x0  }
0x24: {  	s3 =	sadd.s32 $0x88, s3;
	s6 =	simm.s32 @!p1 $0x1082;
	[sflag:s4] =	ssyncset.s32 $0xFFFFF086  }
0x25: {  	[simem:s6], [sflag:s4] =	dma.local [hbm:s3], $0xF7A  }
0x26: {  	[smem:$0x3F97] =	sst s1;
	(tag) =	ssettag s2;
	_ =	strace s9  }
0x27: {  	s1 =	sld [smem:$0x3FA7]  }
0x28: {  	s2 =	sld [smem:$0x3FA8]  }
0x29: {  	s4 =	sld [smem:$0x3FAA]  }
0x2a: {  	p0 =	seq.s32 s5, $0x0;
	s5 =	sld [smem:$0x3FAB]  }
0x2b: {  	s6 =	sld [smem:$0x3FAC]  }
0x2c: {  	s7 =	sld [smem:$0x3FAD]  }
0x2d: {  	s3 =	simm.s32 $0x108;
	s8 =	sld [smem:$0x3FAE]  }
0x2e: {  	s3 =	simm.s32 @!p0 $0x1082;
	s9 =	sld [smem:$0x3FAF]  }
0x2f: {  	lr =	sadd.s32 s0, s3;
	s0 =	sld [smem:$0x3FA6]  }
0x30: {  	s3 =	sld [smem:$0x3FA9]  }
0x31: {  	[smem:$0x3FB2] =	sst s10  }
0x32: {  	s10 =	sld [smem:$0x3FB0];
	_ =	sdelay $0x3  }
0x33: {  	p0 =	seq.s32 s10, $0x1;
	s10 =	sld [smem:$0x3FB2];
	_ =	sdelay $0x3  }
0x34: {  	[smem:$0x3FB2] =	sst s10  }
0x35: {  	s10 =	sld [smem:$0x3FB1];
	_ =	sdelay $0x3  }
0x36: {  	p1 =	seq.s32 s10, $0x1;
	s10 =	sld [smem:$0x3FB2];
	_ =	sdelay $0x3  }
0x37: {  	[smem:$0x3FB2] =	sst s10  }
0x38: {  	s10 =	sld [smem:$0x3FB3]  }
0x39: {  	_ = 	snop;
	(pc) =	sbr.ind lr, $3  }
0x3a: {  	_ = 	snop  }
0x3b: {  	_ = 	snop  }
0x3c: {  	p2 =	seq.s32 s10, $0x1;
	s10 =	sld [smem:$0x3FB2]  }
0x3d: {  	_ =	shalt  }
0x3e: {  	_ =	shalt  }
0x3f: {  	_ =	shalt  }
0x40: {  	_ =	shalt  }
0x41: {  	_ =	shalt  }
0x42: {  	_ =	shalt  }
0x43: {  	_ =	shalt  }
0x44: {  	_ =	shalt  }
0x45: {  	_ =	shalt  }
0x46: {  	_ =	shalt  }
0x47: {  	_ =	shalt  }
0x48: {  	_ =	shalt  }
0x49: {  	_ =	shalt  }
0x4a: {  	_ =	shalt  }
0x4b: {  	_ =	shalt  }
0x4c: {  	_ =	shalt  }
0x4d: {  	_ =	shalt  }
0x4e: {  	_ =	shalt  }
0x4f: {  	_ =	shalt  }
0x50: {  	_ =	shalt  }
0x51: {  	_ =	shalt  }
0x52: {  	_ =	shalt  }
0x53: {  	_ =	shalt  }
0x54: {  	_ =	shalt  }
0x55: {  	_ =	shalt  }
0x56: {  	_ =	shalt  }
0x57: {  	_ =	shalt  }
0x58: {  	_ =	shalt  }
0x59: {  	_ =	shalt  }
0x5a: {  	_ =	shalt  }
0x5b: {  	_ =	shalt  }
0x5c: {  	_ =	shalt  }
0x5d: {  	_ =	shalt  }
0x5e: {  	_ =	shalt  }
0x5f: {  	_ =	shalt  }
0x60: {  	_ =	shalt  }
0x61: {  	_ =	shalt  }
0x62: {  	_ =	shalt  }
0x63: {  	_ =	shalt  }
0x64: {  	_ =	shalt  }
0x65: {  	_ =	shalt  }
0x66: {  	_ =	shalt  }
0x67: {  	_ =	shalt  }
0x68: {  	_ =	shalt  }
0x69: {  	_ =	shalt  }
0x6a: {  	_ =	shalt  }
0x6b: {  	_ =	shalt  }
0x6c: {  	_ =	shalt  }
0x6d: {  	_ =	shalt  }
0x6e: {  	_ =	shalt  }
0x6f: {  	_ =	shalt  }
0x70: {  	_ =	shalt  }
0x71: {  	_ =	shalt  }
0x72: {  	_ =	shalt  }
0x73: {  	_ =	shalt  }
0x74: {  	_ =	shalt  }
0x75: {  	_ =	shalt  }
0x76: {  	_ =	shalt  }
0x77: {  	_ =	shalt  }
0x78: {  	_ =	shalt  }
0x79: {  	_ =	shalt  }
0x7a: {  	_ =	shalt  }
0x7b: {  	_ =	shalt  }
0x7c: {  	_ =	shalt  }
0x7d: {  	_ =	shalt  }
0x7e: {  	_ =	shalt  }
0x7f: {  	_ =	shalt  }
0x80: {  	_ =	shalt  }
0x81: {  	_ =	shalt  }
0x82: {  	_ =	shalt  }
0x83: {  	_ =	shalt  }
0x84: {  	_ =	shalt  }
0x85: {  	_ =	shalt  }
0x86: {  	_ =	shalt  }
0x87: {  	_ =	shalt  }
.Lfunc_end0:
.L_simem_size_0:
called_computation.1_lowered:
.L_overlay_start_0:
0x88: {  	s2 =	sld [smem:$0x3FD9]  }
0x89: {  	s3 =	sld [smem:$0x3FFE];
	_ =	sdelay $0x1  }
0x8a: {  	s1 =	srdreg.scid  }
0x8b: {  	s0 =	sand.u32 $0x1, s1  }
0x8c: {  	s14 =	sshll.u32 s0, $0xA;
	s2 =	sadd.s32 s3, s2  }
0x8d: {  	s2 =	sadd.s32 s2, s14  }
0x8e: {  	[smem:$0x3FBE] =	sst s2  }
0x8f: {  	_ = 	snop  }
0x90: {  	s2 =	sld [smem:$0x3FD0];
	_ =	sdelay $0x2  }
0x91: {  	s15 =	simm.s32 $0xA;
	s4 =	simm.s32 $0x10  }
0x92: {  	[smem:s4], [sflag:s15] =	dma.local [hbm:s2], $0x1  }
0x93: {  	_ =	swait.eq [sflag:s15], $0x1  }
0x94: {  	[sflag:s15] =	ssyncset.done $0x0  }
0x95: {  	s16 =	sld [smem:$0x10];
	[sflag:s15] =	ssyncadd.s32 $0xFFFFFFFF  }
0x96: {  	s17 =	sld [smem:$0x11];
	(tm) =	ssettm $0x1  }
0x97: {  	s18 =	sld [smem:$0x3FFB];
	_ =	sdelay $0x3  }
0x98: {  	_ =	strace s18  }
0x99: {  	s4 =	sld [smem:$0x3FFC];
	_ =	sdelay $0x3  }
0x9a: {  	_ =	strace s4  }
0x9b: {  	s4 =	sld [smem:$0x3FFD];
	_ =	sdelay $0x3  }
0x9c: {  	_ =	strace s4  }
0x9d: {  	_ =	strace $0x8FFFFFFF  }
0x9e: {  	s19 =	sld [smem:$0x3FDB];
	_ =	sdelay $0x1  }
0x9f: {  	s5 =	simm.s32 $_scs_section_size  }
0xa0: {  	s6 =	simm.s32 $_size__tile_overlayer_lowered;
	s7 =	simm.s32 $_tile_overlayer_lowered  }
0xa1: {  	s22 =	simm.s32 $0x1BFF;
	s21 =	sshll.u32 s7, $0x1;
	s4 =	sadd.s32 s5, s19  }
0xa2: {  	s8 =	simm.s32 $0x0;
	s20 =	sshll.u32 s6, $0x1;
	s6 =	sadd.s32 s21, s4  }
0xa3: {  	[timem:s8], [sflag:s22] =	dma.local [hbm:s6], s20  }
0xa4: {  	_ =	swait.ge [sflag:s22], s20  }
0xa5: {  	s5 =	ssub.s32 $0x0, s20;
	[sflag:s22] =	ssyncset.done $0x0  }
0xa6: {  	[sflag:s22] =	ssyncadd.s32 s5;
	_ =	sdelay $0x1  }
0xa7: {  	s23 =	simm.s32 $0x1B8B  }
0xa8: {  	_ =	swait.ge [sflag:s23], $0x1  }
0xa9: {  	[sflag:s23] =	ssyncset.done $0x0  }
0xaa: {  	s25 =	simm.s32 $0x1B8E;
	s24 =	sld [smem:$0x3FFE];
	[sflag:s23] =	ssyncadd.s32 $0xFFFFFFFF  }
0xab: {  	s26 =	simm.s32 $execute0_lowered;
	[smem:$0x3FD2] =	sst s25  }
0xac: {  	s6 =	sshll.u32 s26, $0x1;
	_ =	strace $0x80000049;
	[dreg:$0x1] =	wrdreg $0xFFFFFFFF  }
0xad: {  	s28 =	simm.s32 $_size_execute0_lowered;
	s4 =	sadd.s32 s4, s6;
	[dreg:$0x0] =	wrdreg $0x0  }
0xae: {  	s6 =	sshll.u32 s28, $0x1;
	[dreg:$0x2] =	wrdreg s4  }
0xaf: {  	[dreg:$0x3] =	wrdreg s6  }
0xb0: {  	[dreg:$0x4] =	wrdreg $0xC0  }
0xb1: {  	_ =	task [dreg:s8], $0x5FFFF  }
0xb2: {  	[dreg:$0x1] =	wrdreg $0xFFFFFFFF  }
0xb3: {  	[dreg:$0x0] =	wrdreg $0x60  }
0xb4: {  	[dreg:$0x2] =	wrdreg s24  }
0xb5: {  	[dreg:$0x3] =	wrdreg s17  }
0xb6: {  	[dreg:$0x4] =	wrdreg s16  }
0xb7: {  	[dreg:$0x5] =	wrdreg $0x98000  }
0xb8: {  	[dreg:$0x6] =	wrdreg $0x9  }
0xb9: {  	_ =	task.clear_ibuf [dreg:s8], $0x7FFFF;
	_ =	strace $0x90000049  }
0xba: {  	s29 =	simm.s32 $0x9;
	_ =	strace $0x8000004B  }
0xbb: {  	_ =	swait.ge [sflag:s29], $0x1  }
0xbc: {  	[sflag:s29] =	ssyncadd.s32 $0xFFFFFFFF  }
0xbd: {  	_ =	strace $0x9000004B  }
0xbe: {  	_ =	sfence  }
0xbf: {  	s30 =	sld [smem:$0x0];
	_ =	sdelay $0x2  }
0xc0: {  	s31 =	sshll.u32 s1, $0xD;
	s1 =	sshrl.u32 s1, $0x2  }
0xc1: {  	s3 =	sand.u32 $0x4000, s31;
	s1 =	sadd.s32 s1, s30  }
0xc2: {  	s0 =	sor.u32 s3, s0;
	s1 =	sshll.u32 s1, $0x11  }
0xc3: {  	s0 =	sor.u32 s1, s0  }
0xc4: {  	s0 =	sadd.s32 $0x8F2B, s0  }
0xc5: {  	[sflag:s0] =	ssyncadd.remote.s32 $0x1  }
0xc6: {  	_ =	sfence.sel $0xFFFF  }
0xc7: {  	[dreg:$0x0] =	wrdreg $0xFFFFFFFF;
	(pc) =	sbr.abs _section_cstart, $3  }
0xc8: {  	[dreg:$0x1] =	wrdreg $0xFFFFFFFF  }
0xc9: {  	_ =	task.clear_ibuf [dreg:s8], $0x2FFFF;
	_ =	strace $0x9FFFFFFF  }
0xca: {  	(tm) =	ssettm $0x7FFFFFFF  }
0xcb: {  	_ =	shalt  }
tec
execute0_lowered:
.L_overlay_start_1:
0x0: {  	(tag) =	ssettag $0x1  }
0x1: {  	s11 =	rddreg [dreg:$0x0]  }
0x2: {  	s1 =	rddreg [dreg:$0x1]  }
0x3: {  	s7 =	rddreg [dreg:$0x2]  }
0x4: {  	s2 =	rddreg [dreg:$0x3]  }
0x5: {  	s0 =	rddreg [dreg:$0x4]  }
0x6: {  	s4 =	simm.s32 $0x0;
	s5 =	srdreg.scid;
	s3 =	stileid.u32  }
0x7: {  	s18 =	simm.s32 $0x5800;
	s19 =	simm.s32 $0x4;
	s20 =	simm.s32 $0x800  }
0x8: {  	s21 =	simm.s32 $0x1;
	s22 =	simm.s32 $0x0;
	[smem:$0x7FF] =	sst s4  }
0x9: {  	s8 =	sand.u32 $0x1, s5;
	s10 =	smul.u32 $0x4F000, s3;
	s5 =	sadd.s32 $0x5800, s11  }
0xa: {  	s6 =	sadd.s32 $0x5F000, s11;
	s13 =	smul.u32 $0x2780, s3;
	s31 =	sshll.u32 s3, $0x6  }
0xb: {  	s17 =	smul.u32 $0x500, s3;
	_ =	strace $0x8000004A;
	s9 =	ssub.s32 $0x2, s8  }
0xc: {  	s14 =	sshll.u32 s8, $0x4;
	p0 =	seq.s32 s8, $0x1;
	s16 =	smul.u32 $0x5000, s8  }
0xd: {  	s8 =	sor.u32 $0x1C03, s31;
	s12 =	sshrl.u32 s9, $0x1;
	s10 =	sshrl.u32 s10, $0x2  }
0xe: {  	s30 =	sor.u32 s3, s14;
	s7 =	sadd.s32 s7, s13;
	s14 =	simm.s32 $0xAE000  }
.Ltmp0:
0xf: {  	s12 =	ssub.s32 s9, s12;
	s15 =	sadd.s32 s10, s2;
	(pc) =	sbr.rel .LBB2_1-.Ltmp0, $4  }
0x10: {  	s9 =	smul.u32 $0x500, s30;
	s14 =	simm.s32 @!p0 $0x86800;
	s10 =	smax.u32 s12, $0x1  }
0x11: {  	s11 =	sadd.s32 s14, s11;
	s12 =	sadd.s32 s17, s16;
	s14 =	simm.s32 $0x3  }
0x12: {  	s16 =	simm.s32 $0x1800;
	s17 =	simm.s32 $0x2;
	s9 =	sadd.s32 s5, s9  }
0x13: {  	s11 =	sadd.s32 s11, s13;
	s13 =	sshrl.u32 s15, $0x3;
	s15 =	simm.s32 $0x80  }
.LBB2_15:
0x14: {  	s22 =	sadd.s32 $0x1, s22  }
0x15: {  	p0 =	sne.s32 s22, s10  }
.Ltmp1:
0x16: {  	[bflag:$0x0] =	sbarrier.arrive $0xFFFF;
	(pc) =	sbr.rel @!p0 .LBB2_16-.Ltmp1, $4  }
0x17: {  	[hbm:s11], [sflag:s8] =	dma.local [spmem:s13], $0x2780  }
0x18: {  	_ =	swait.ge [sflag:s14], $0x2780  }
0x19: {  	[sflag:s14] =	ssyncset.done $0x0  }
0x1a: {  	[sflag:s14] =	ssyncadd.s32 $0xFFFFD880  }
.LBB2_1:
0x1b: {  	[spmem:s13], [sflag:s8] =	dma.local [hbm:s7], $0x2780  }
0x1c: {  	_ =	swait.ge [sflag:s14], $0x2780  }
0x1d: {  	[sflag:s14] =	ssyncset.done $0x0  }
0x1e: {  	[sflag:s14] =	ssyncadd.s32 $0xFFFFD880  }
0x1f: {  	[bflag:$0x0] =	sbarrier.arrive $0xFFFF  }
0x20: {  	[tilespmem:s4], [sflag:$0x3] =	stream.linear.gather [hbm4b:s9+s4], $0x800, $0x38;
	[tilespmem:$0x1D400] =	vst v63  }
.Ltmp2:
0x21: {  	_ = 	snop;
	(pc) =	sbr.rel .LBB2_2-.Ltmp2, $4  }
0x22: {  	_ =	swait.ge [sflag:s14], $0x800  }
0x23: {  	[sflag:s14] =	ssyncset.done $0x0  }
0x24: {  	s23 =	smov.u32 s12;
	s25 =	simm.s32 $0x0;
	[sflag:s14] =	ssyncadd.s32 $0xFFFFF800  }
0x25: {  	[tilespmem:s16], [sflag:$0x1] =	stream.indirect.gather [hbm4b:s6+s15], $0x80, s4, s15, $0xb8;
	[tilespmem:$0x1D400] =	vst v63  }
.LBB2_13:
0x26: {  	_ =	swait.ge [sflag:s17], $0x4000  }
0x27: {  	s25 =	sshll.u32 s26, $0x7;
	[sflag:s17] =	ssyncset.done $0x0  }
0x28: {  	s25 =	sor.u32 $0x1000, s25;
	[sflag:s17] =	ssyncadd.s32 $0xFFFFC000  }
0x29: {  	[spmem:s2] =	stream.indirect.scatter.add.f32 [tilespmem:s18], [sflag:$0x3], $0x80, s25, s15, $0xb8;
	[tilespmem:$0x1D400] =	vst v63  }
0x2a: {  	s25 =	simm.s32 $0x3  }
.LBB2_14:
0x2b: {  	p0 =	sne.s32 s24, $0x50  }
.Ltmp3:
0x2c: {  	_ = 	snop;
	(pc) =	sbr.rel @!p0 .LBB2_15-.Ltmp3, $4  }
0x2d: {  	_ = 	snop  }
0x2e: {  	_ =	swait.ge [sflag:s25], $0x4000  }
0x2f: {  	[sflag:s25] =	ssyncset.done $0x0  }
0x30: {  	s23 =	sadd.s32 $0x10, s23;
	[sflag:s25] =	ssyncadd.s32 $0xFFFFC000;
	s25 =	smov.u32 s24  }
.LBB2_2:
0x31: {  	p0 =	seq.s32 s25, $0x4F  }
.Ltmp4:
0x32: {  	_ = 	snop;
	(pc) =	sbr.rel @p0 .LBB2_13-.Ltmp4, $2  }
0x33: {  	_ =	sdelay $0x2  }
0x34: {  	s24 =	sadd.s32 $0x1, s25;
	s26 =	simm.s32 $0xF  }
0x35: {  	s26 =	sand.u32 $0xF, s24  }
0x36: {  	p1 =	seq.s32 s26, $0x0  }
.Ltmp5:
0x37: {  	_ = 	snop;
	(pc) =	sbr.rel @!p1 .LBB2_6-.Ltmp5, $3  }
0x38: {  	_ =	sdelay $0x1  }
0x39: {  	s28 =	sand.u32 $0x10, s24  }
0x3a: {  	p0 =	sne.s32 s28, $0x0  }
0x3b: {  	p0 =	sne.s32 s28, $0x0  }
.Ltmp6:
0x3c: {  	_ = 	snop;
	(pc) =	sbr.rel @p0 .LBB2_9-.Ltmp6, $4  }
0x3d: {  	_ = 	snop  }
0x3e: {  	s29 =	sadd.s32 $0x10, s23  }
0x3f: {  	s28 =	sand.u32 $0xFFFFF00, s29  }
0x40: {  	s28 =	sadd.s32 s5, s28  }
0x41: {  	[tilespmem:s4], [sflag:$0x4] =	stream.linear.gather [hbm4b:s28+s4], $0x800, $0x38;
	[tilespmem:$0x1D400] =	vst v63  }
0x42: {  	_ =	swait.ge [sflag:s19], $0x800  }
0x43: {  	[sflag:s19] =	ssyncset.done $0x0  }
0x44: {  	p0 =	por $0x0, $0x0;
	[sflag:s19] =	ssyncadd.s32 $0xFFFFF800  }
.LBB2_6:
0x45: {  	s28 =	sand.u32 $0x1, s25  }
0x46: {  	p1 =	por !p0, !p0;
	p2 =	seq.s32 s28, $0x0  }
0x47: {  	p2 =	por !p1, p2  }
0x48: {  	s29 =	sshll.u32 @!p2 s26, $0x7;
	s30 =	simm.s32 @!p2 $0x80;
	s31 =	simm.s32 @!p2 $0x1800  }
0x49: {  	[tilespmem:s31], [sflag:$0x1] =	stream.indirect.gather @!p2 [hbm4b:s6+s30], $0x80, s29, s30, $0xb8;
	[tilespmem:$0x1D400] =	vst v63  }
0x4a: {  	s31 =	sand.u32 $0x1, s24  }
0x4b: {  	p6 =	seq.s32 s31, $0x1  }
0x4c: {  	p1 =	por !p6, !p1  }
0x4d: {  	p1 =	por !p1, !p1  }
.Ltmp7:
0x4e: {  	_ = 	snop;
	(pc) =	sbr.rel @!p1 .LBB2_7-.Ltmp7, $1  }
0x4f: {  	_ =	sdelay $0x3  }
.Ltmp8:
0x50: {  	(pc) =	sbr.rel .LBB2_11-.Ltmp8, $3  }
0x51: {  	_ =	sdelay $0x1  }
0x52: {  	s28 =	sshll.u32 s26, $0x7  }
0x53: {  	[tilespmem:s18], [sflag:$0x2] =	stream.indirect.gather [hbm4b:s6+s15], $0x80, s28, s15, $0xb8;
	[tilespmem:$0x1D400] =	vst v63  }
.LBB2_7:
.Ltmp9:
0x54: {  	(pc) =	sbr.rel .LBB2_10-.Ltmp9, $2  }
0x55: {  	_ =	sdelay $0x2  }
0x56: {  	p1 =	seq.s32 s28, $0x1  }
.LBB2_9:
0x57: {  	[tilespmem:s20], [sflag:$0x4] =	stream.linear.gather [hbm4b:s28+s4], $0x800, $0x38;
	[tilespmem:$0x1D400] =	vst v63  }
0x58: {  	_ =	swait.ge [sflag:s19], $0x800  }
0x59: {  	s31 =	sand.u32 $0x1, s25;
	[sflag:s19] =	ssyncset.done $0x0  }
0x5a: {  	p0 =	por $0x1, $0x1;
	p1 =	seq.s32 s31, $0x1;
	[sflag:s19] =	ssyncadd.s32 $0xFFFFF800  }
.LBB2_10:
0x5b: {  	p0 =	por !p1, !p0  }
0x5c: {  	s28 =	sshll.u32 @!p0 s26, $0x7  }
0x5d: {  	s29 =	simm.s32 @!p0 $0x80;
	s30 =	simm.s32 @!p0 $0x1800;
	s28 =	sor.u32 @!p0 $0x800, s28  }
0x5e: {  	[tilespmem:s30], [sflag:$0x1] =	stream.indirect.gather @!p0 [hbm4b:s6+s29], $0x80, s28, s29, $0xb8;
	[tilespmem:$0x1D400] =	vst v63  }
.LBB2_11:
0x5f: {  	s28 =	sand.u32 $0x11, s24  }
0x60: {  	p0 =	sne.s32 s28, $0x11  }
0x61: {  	s26 =	sshll.u32 @!p0 s26, $0x7  }
0x62: {  	s28 =	simm.s32 @!p0 $0x80;
	s29 =	simm.s32 @!p0 $0x5800;
	s26 =	sor.u32 @!p0 $0x800, s26  }
0x63: {  	[tilespmem:s29], [sflag:$0x2] =	stream.indirect.gather @!p0 [hbm4b:s6+s28], $0x80, s26, s28, $0xb8;
	[tilespmem:$0x1D400] =	vst v63  }
0x64: {  	s31 =	sand.u32 $0x1, s25;
	s26 =	sand.u32 $0xF, s25  }
0x65: {  	p1 =	seq.s32 s31, $0x1;
	p0 =	sne.s32 s26, $0x0  }
0x66: {  	s28 =	sadd.s32 @!p0 s23, s1;
	s29 =	simm.s32 @!p0 $0x0;
	s30 =	simm.s32 @!p0 $0x1000  }
0x67: {  	[tilespmem:s30], [sflag:$0x4] =	stream.linear.gather @!p0 [hbm4b:s28+s29], $0x800, $0x38;
	[tilespmem:$0x1D400] =	vst v63  }
.Ltmp10:
0x68: {  	_ = 	snop;
	(pc) =	sbr.rel @p1 .LBB2_13-.Ltmp10, $4  }
0x69: {  	s28 =	simm.s32 @!p0 $0x4  }
0x6a: {  	_ =	swait.ge @!p0 [sflag:s28], $0x800  }
0x6b: {  	[sflag:s28] =	ssyncset.done @!p0 $0x0  }
0x6c: {  	[sflag:s28] =	ssyncadd.s32 @!p0 $0xFFFFF800  }
.Ltmp11:
0x6d: {  	_ =	swait.ge [sflag:s21], $0x4000;
	(pc) =	sbr.rel .LBB2_14-.Ltmp11, $4  }
0x6e: {  	s25 =	sshll.u32 s26, $0x7;
	[sflag:s21] =	ssyncset.done $0x0  }
0x6f: {  	s25 =	sor.u32 $0x1000, s25;
	[sflag:s21] =	ssyncadd.s32 $0xFFFFC000  }
0x70: {  	[spmem:s2] =	stream.indirect.scatter.add.f32 [tilespmem:s16], [sflag:$0x4], $0x80, s25, s15, $0xb8;
	[tilespmem:$0x1D400] =	vst v63  }
0x71: {  	s25 =	simm.s32 $0x4  }
.LBB2_16:
0x72: {  	_ =	sfence.sel $0x180000  }
0x73: {  	[bflag:$0x0] =	sbarrier.arrive $0xFFFF  }
0x74: {  	p0 =	sne.s32 s3, $0x0;
	_ =	strace $0x9000004A  }
0x75: {  	s0 =	sadd.s32 @!p0 $0x100000, s0;
	[bflag:$0x2] =	sbarrier.arrive $0xFFFF  }
0x76: {  	[sflag:s0] =	ssyncadd.tile.s32 @!p0 $0x1;
	_ =	shalt  }
.Lfunc_end2:
_tile_overlayer_lowered:
.L_overlay_start_2:
0x77: {  	(tag) =	ssettag $0x2  }
0x78: {  	s0 =	rddreg [dreg:$0x0];
	s2 =	stileid.u32  }
0x79: {  	s1 =	rddreg [dreg:$0x1];
	p0 =	sne.s32 s2, $0x0  }
0x7a: {  	s3 =	rddreg [dreg:$0x2];
	[bflag:$0x3] =	sbarrier.arrive $0xFFFF;
	s2 =	simm.s32 @!p0 $0x1C03  }
0x7b: {  	[timem:s3], [sflag:s2] =	dma.local @!p0 [hbm:s0], s1  }
0x7c: {  	s0 =	simm.s32 @!p0 $0x3  }
0x7d: {  	_ =	swait.ge @!p0 [sflag:s0], s1  }
0x7e: {  	s1 =	ssub.s32 @!p0 $0x0, s1;
	[sflag:s0] =	ssyncset.done @!p0 $0x0  }
0x7f: {  	[sflag:s0] =	ssyncadd.s32 @!p0 s1  }
0x80: {  	[bflag:$0x3] =	sbarrier.arrive $0xFFFF  }
0x81: {  	_ =	shalt  }

// kernel: kernel.16.cloned.1.call-start
scs
__scs_entry_jumppad:
0x0: {  	(pc) =	sbr.rel $0x88, $3  }
0x1: {  	(tag) =	ssettag $0x0;
	lr =	simm.s32 $0x1  }
0x2: {  	[smem:$0x3F97] =	sst lr;
	_ =	strace $0xD0000000  }
0x3: {  	_ = 	snop  }
0x4: {  	_ = 	snop  }
0x5: {  	_ = 	snop  }
0x6: {  	_ = 	snop  }
0x7: {  	_ = 	snop  }
__scs_overlays_trampoline_lowered:
0x8: {  	[smem:$0x3FA6] =	sst s0  }
0x9: {  	[smem:$0x3FA7] =	sst s1  }
0xa: {  	[smem:$0x3FA8] =	sst s2  }
0xb: {  	[smem:$0x3FA9] =	sst s3  }
0xc: {  	[smem:$0x3FAA] =	sst s4  }
0xd: {  	[smem:$0x3FAB] =	sst s5  }
0xe: {  	[smem:$0x3FAC] =	sst s6  }
0xf: {  	[smem:$0x3FAD] =	sst s7  }
0x10: {  	[smem:$0x3FAE] =	sst s8  }
0x11: {  	[smem:$0x3FAF] =	sst s9;
	s0 =	simm.s32 @!p0 $0x0  }
0x12: {  	s1 =	sld [smem:$0x3F95];
	s0 =	simm.s32 @p0 $0x1  }
0x13: {  	[smem:$0x3FB0] =	sst s0;
	s0 =	simm.s32 @!p1 $0x0  }
0x14: {  	s2 =	sld [smem:$0x3F94];
	s0 =	simm.s32 @p1 $0x1  }
0x15: {  	[smem:$0x3FB1] =	sst s0;
	s0 =	simm.s32 @!p2 $0x0  }
0x16: {  	s3 =	sld [smem:$0x3FDB];
	s0 =	simm.s32 @p2 $0x1  }
0x17: {  	s4 =	simm.s32 $0x1BF5;
	[smem:$0x3FB3] =	sst s0  }
0x18: {  	s0 =	sld [smem:$0x3F96];
	_ =	swait.ge [sflag:s4], $0x0  }
0x19: {  	s7 =	sld [smem:$0x3F97]  }
0x1a: {  	s8 =	sadd.s32 $0xFFFFE003, lr  }
0x1b: {  	s9 =	sadd.s32 $0xFFFFFEF7, lr;
	s5 =	simm.s32 $0xFFFFFFFF;
	p2 =	slt.u32 s8, $0xFFFFF086  }
0x1c: {  	p1 =	slt.u32 s9, $0xF7A;
	s5 =	simm.s32 @!p2 $0x0  }
0x1d: {  	s5 =	simm.s32 @p1 $0x1;
	p0 =	seq.s32 s7, s2  }
0x1e: {  	s7 =	smul.u32 @!p0 $0xF7A, s2;
	p2 =	seq.s32 @!p0 s5, $0x0  }
0x1f: {  	s9 =	smul.u32 $0xF7A, s1;
	s8 =	simm.s32 @!p0 $0x1BF5;
	p2 =	por !p2, p0  }
0x20: {  	[sflag:s8] =	ssyncset.s32 @!p0 $0xFFFFF086;
	s6 =	sadd.s32 @!p0 s3, s7;
	s7 =	simm.s32 @!p0 $0x108  }
0x21: {  	s3 =	sadd.s32 s3, s9;
	s6 =	sadd.s32 @!p0 $0x88, s6;
	s7 =	simm.s32 @p2 $0x1082  }
0x22: {  	[simem:s7], [sflag:s8] =	dma.local @!p0 [hbm:s6], $0xF7A  }
0x23: {  	s9 =	sor.u32 $0xD0000000, s2;
	s6 =	simm.s32 $0x108;
	_ =	swait.ge @!p0 [sflag:s8], $0x0  }
0x24: {  	s3 =	sadd.s32 $0x88, s3;
	s6 =	simm.s32 @!p1 $0x1082;
	[sflag:s4] =	ssyncset.s32 $0xFFFFF086  }
0x25: {  	[simem:s6], [sflag:s4] =	dma.local [hbm:s3], $0xF7A  }
0x26: {  	[smem:$0x3F97] =	sst s1;
	(tag) =	ssettag s2;
	_ =	strace s9  }
0x27: {  	s1 =	sld [smem:$0x3FA7]  }
0x28: {  	s2 =	sld [smem:$0x3FA8]  }
0x29: {  	s4 =	sld [smem:$0x3FAA]  }
0x2a: {  	p0 =	seq.s32 s5, $0x0;
	s5 =	sld [smem:$0x3FAB]  }
0x2b: {  	s6 =	sld [smem:$0x3FAC]  }
0x2c: {  	s7 =	sld [smem:$0x3FAD]  }
0x2d: {  	s3 =	simm.s32 $0x108;
	s8 =	sld [smem:$0x3FAE]  }
0x2e: {  	s3 =	simm.s32 @!p0 $0x1082;
	s9 =	sld [smem:$0x3FAF]  }
0x2f: {  	lr =	sadd.s32 s0, s3;
	s0 =	sld [smem:$0x3FA6]  }
0x30: {  	s3 =	sld [smem:$0x3FA9]  }
0x31: {  	[smem:$0x3FB2] =	sst s10  }
0x32: {  	s10 =	sld [smem:$0x3FB0];
	_ =	sdelay $0x3  }
0x33: {  	p0 =	seq.s32 s10, $0x1;
	s10 =	sld [smem:$0x3FB2];
	_ =	sdelay $0x3  }
0x34: {  	[smem:$0x3FB2] =	sst s10  }
0x35: {  	s10 =	sld [smem:$0x3FB1];
	_ =	sdelay $0x3  }
0x36: {  	p1 =	seq.s32 s10, $0x1;
	s10 =	sld [smem:$0x3FB2];
	_ =	sdelay $0x3  }
0x37: {  	[smem:$0x3FB2] =	sst s10  }
0x38: {  	s10 =	sld [smem:$0x3FB3]  }
0x39: {  	_ = 	snop;
	(pc) =	sbr.ind lr, $3  }
0x3a: {  	_ = 	snop  }
0x3b: {  	_ = 	snop  }
0x3c: {  	p2 =	seq.s32 s10, $0x1;
	s10 =	sld [smem:$0x3FB2]  }
0x3d: {  	_ =	shalt  }
0x3e: {  	_ =	shalt  }
0x3f: {  	_ =	shalt  }
0x40: {  	_ =	shalt  }
0x41: {  	_ =	shalt  }
0x42: {  	_ =	shalt  }
0x43: {  	_ =	shalt  }
0x44: {  	_ =	shalt  }
0x45: {  	_ =	shalt  }
0x46: {  	_ =	shalt  }
0x47: {  	_ =	shalt  }
0x48: {  	_ =	shalt  }
0x49: {  	_ =	shalt  }
0x4a: {  	_ =	shalt  }
0x4b: {  	_ =	shalt  }
0x4c: {  	_ =	shalt  }
0x4d: {  	_ =	shalt  }
0x4e: {  	_ =	shalt  }
0x4f: {  	_ =	shalt  }
0x50: {  	_ =	shalt  }
0x51: {  	_ =	shalt  }
0x52: {  	_ =	shalt  }
0x53: {  	_ =	shalt  }
0x54: {  	_ =	shalt  }
0x55: {  	_ =	shalt  }
0x56: {  	_ =	shalt  }
0x57: {  	_ =	shalt  }
0x58: {  	_ =	shalt  }
0x59: {  	_ =	shalt  }
0x5a: {  	_ =	shalt  }
0x5b: {  	_ =	shalt  }
0x5c: {  	_ =	shalt  }
0x5d: {  	_ =	shalt  }
0x5e: {  	_ =	shalt  }
0x5f: {  	_ =	shalt  }
0x60: {  	_ =	shalt  }
0x61: {  	_ =	shalt  }
0x62: {  	_ =	shalt  }
0x63: {  	_ =	shalt  }
0x64: {  	_ =	shalt  }
0x65: {  	_ =	shalt  }
0x66: {  	_ =	shalt  }
0x67: {  	_ =	shalt  }
0x68: {  	_ =	shalt  }
0x69: {  	_ =	shalt  }
0x6a: {  	_ =	shalt  }
0x6b: {  	_ =	shalt  }
0x6c: {  	_ =	shalt  }
0x6d: {  	_ =	shalt  }
0x6e: {  	_ =	shalt  }
0x6f: {  	_ =	shalt  }
0x70: {  	_ =	shalt  }
0x71: {  	_ =	shalt  }
0x72: {  	_ =	shalt  }
0x73: {  	_ =	shalt  }
0x74: {  	_ =	shalt  }
0x75: {  	_ =	shalt  }
0x76: {  	_ =	shalt  }
0x77: {  	_ =	shalt  }
0x78: {  	_ =	shalt  }
0x79: {  	_ =	shalt  }
0x7a: {  	_ =	shalt  }
0x7b: {  	_ =	shalt  }
0x7c: {  	_ =	shalt  }
0x7d: {  	_ =	shalt  }
0x7e: {  	_ =	shalt  }
0x7f: {  	_ =	shalt  }
0x80: {  	_ =	shalt  }
0x81: {  	_ =	shalt  }
0x82: {  	_ =	shalt  }
0x83: {  	_ =	shalt  }
0x84: {  	_ =	shalt  }
0x85: {  	_ =	shalt  }
0x86: {  	_ =	shalt  }
0x87: {  	_ =	shalt  }
.Lfunc_end0:
.L_simem_size_0:
called_computation.2_lowered:
.L_overlay_start_0:
0x88: {  	s2 =	sld [smem:$0x3FD9]  }
0x89: {  	s3 =	sld [smem:$0x3FFE];
	_ =	sdelay $0x1  }
0x8a: {  	s1 =	srdreg.scid  }
0x8b: {  	s0 =	sand.u32 $0x1, s1  }
0x8c: {  	s14 =	sshll.u32 s0, $0xA;
	s2 =	sadd.s32 s3, s2  }
0x8d: {  	s2 =	sadd.s32 s2, s14  }
0x8e: {  	[smem:$0x3FBE] =	sst s2  }
0x8f: {  	_ = 	snop  }
0x90: {  	s2 =	sld [smem:$0x3FD0];
	_ =	sdelay $0x2  }
0x91: {  	s15 =	simm.s32 $0xA;
	s4 =	simm.s32 $0x10  }
0x92: {  	[smem:s4], [sflag:s15] =	dma.local [hbm:s2], $0x1  }
0x93: {  	_ =	swait.eq [sflag:s15], $0x1  }
0x94: {  	[sflag:s15] =	ssyncset.done $0x0  }
0x95: {  	s16 =	sld [smem:$0x10];
	[sflag:s15] =	ssyncadd.s32 $0xFFFFFFFF  }
0x96: {  	s17 =	sld [smem:$0x11];
	(tm) =	ssettm $0x1  }
0x97: {  	s18 =	sld [smem:$0x3FFB];
	_ =	sdelay $0x3  }
0x98: {  	_ =	strace s18  }
0x99: {  	s4 =	sld [smem:$0x3FFC];
	_ =	sdelay $0x3  }
0x9a: {  	_ =	strace s4  }
0x9b: {  	s4 =	sld [smem:$0x3FFD];
	_ =	sdelay $0x3  }
0x9c: {  	_ =	strace s4  }
0x9d: {  	_ =	strace $0x8FFFFFFF  }
0x9e: {  	s19 =	sld [smem:$0x3FDB];
	_ =	sdelay $0x1  }
0x9f: {  	s5 =	simm.s32 $_scs_section_size  }
0xa0: {  	s6 =	simm.s32 $_size__tile_overlayer_lowered;
	s7 =	simm.s32 $_tile_overlayer_lowered  }
0xa1: {  	s22 =	simm.s32 $0x1BFF;
	s21 =	sshll.u32 s7, $0x1;
	s4 =	sadd.s32 s5, s19  }
0xa2: {  	s8 =	simm.s32 $0x0;
	s20 =	sshll.u32 s6, $0x1;
	s6 =	sadd.s32 s21, s4  }
0xa3: {  	[timem:s8], [sflag:s22] =	dma.local [hbm:s6], s20  }
0xa4: {  	_ =	swait.ge [sflag:s22], s20  }
0xa5: {  	s5 =	ssub.s32 $0x0, s20;
	[sflag:s22] =	ssyncset.done $0x0  }
0xa6: {  	[sflag:s22] =	ssyncadd.s32 s5;
	_ =	sdelay $0x1  }
0xa7: {  	s23 =	simm.s32 $0x1B8B  }
0xa8: {  	_ =	swait.ge [sflag:s23], $0x1  }
0xa9: {  	[sflag:s23] =	ssyncset.done $0x0  }
0xaa: {  	s25 =	simm.s32 $0x1B8E;
	s24 =	sld [smem:$0x3FFE];
	[sflag:s23] =	ssyncadd.s32 $0xFFFFFFFF  }
0xab: {  	s26 =	simm.s32 $execute0_lowered;
	[smem:$0x3FD2] =	sst s25  }
0xac: {  	s6 =	sshll.u32 s26, $0x1;
	_ =	strace $0x8000004C;
	[dreg:$0x1] =	wrdreg $0xFFFFFFFF  }
0xad: {  	s28 =	simm.s32 $_size_execute0_lowered;
	s4 =	sadd.s32 s4, s6;
	[dreg:$0x0] =	wrdreg $0x0  }
0xae: {  	s6 =	sshll.u32 s28, $0x1;
	[dreg:$0x2] =	wrdreg s4  }
0xaf: {  	[dreg:$0x3] =	wrdreg s6  }
0xb0: {  	[dreg:$0x4] =	wrdreg $0xC0  }
0xb1: {  	_ =	task [dreg:s8], $0x5FFFF  }
0xb2: {  	[dreg:$0x1] =	wrdreg $0xFFFFFFFF  }
0xb3: {  	[dreg:$0x0] =	wrdreg $0x60  }
0xb4: {  	[dreg:$0x2] =	wrdreg s24  }
0xb5: {  	[dreg:$0x3] =	wrdreg s17  }
0xb6: {  	[dreg:$0x4] =	wrdreg s16  }
0xb7: {  	[dreg:$0x5] =	wrdreg $0x98000  }
0xb8: {  	[dreg:$0x6] =	wrdreg $0x9  }
0xb9: {  	_ =	task.clear_ibuf [dreg:s8], $0x7FFFF;
	_ =	strace $0x9000004C  }
0xba: {  	s29 =	simm.s32 $0x9;
	_ =	strace $0x8000004E  }
0xbb: {  	_ =	swait.ge [sflag:s29], $0x1  }
0xbc: {  	[sflag:s29] =	ssyncadd.s32 $0xFFFFFFFF  }
0xbd: {  	_ =	strace $0x9000004E  }
0xbe: {  	_ =	sfence  }
0xbf: {  	s30 =	sld [smem:$0x0];
	_ =	sdelay $0x2  }
0xc0: {  	s31 =	sshll.u32 s1, $0xD;
	s1 =	sshrl.u32 s1, $0x2  }
0xc1: {  	s3 =	sand.u32 $0x4000, s31;
	s1 =	sadd.s32 s1, s30  }
0xc2: {  	s0 =	sor.u32 s3, s0;
	s1 =	sshll.u32 s1, $0x11  }
0xc3: {  	s0 =	sor.u32 s1, s0  }
0xc4: {  	s0 =	sadd.s32 $0x8F2B, s0  }
0xc5: {  	[sflag:s0] =	ssyncadd.remote.s32 $0x1  }
0xc6: {  	_ =	sfence.sel $0xFFFF  }
0xc7: {  	[dreg:$0x0] =	wrdreg $0xFFFFFFFF;
	(pc) =	sbr.abs _section_cstart, $3  }
0xc8: {  	[dreg:$0x1] =	wrdreg $0xFFFFFFFF  }
0xc9: {  	_ =	task.clear_ibuf [dreg:s8], $0x2FFFF;
	_ =	strace $0x9FFFFFFF  }
0xca: {  	(tm) =	ssettm $0x7FFFFFFF  }
0xcb: {  	_ =	shalt  }
tec
execute0_lowered:
.L_overlay_start_1:
0x0: {  	(tag) =	ssettag $0x1  }
0x1: {  	s7 =	rddreg [dreg:$0x0]  }
0x2: {  	s13 =	rddreg [dreg:$0x1]  }
0x3: {  	s8 =	rddreg [dreg:$0x2]  }
0x4: {  	s2 =	rddreg [dreg:$0x3];
	s3 =	simm.s32 $0x0  }
0x5: {  	s0 =	stileid.u32;
	s6 =	srdreg.scid;
	s19 =	simm.s32 $0x2  }
0x6: {  	s20 =	simm.s32 $0x5800;
	s21 =	simm.s32 $0x4;
	s22 =	simm.s32 $0x800  }
0x7: {  	s23 =	simm.s32 $0x1;
	s24 =	simm.s32 $0x0;
	[smem:$0x7FF] =	sst s3  }
0x8: {  	s14 =	smul.u32 $0xA00, s0;
	s4 =	sadd.s32 $0x5F000, s7;
	s5 =	sadd.s32 $0x86800, s7  }
0x9: {  	s6 =	sand.u32 $0x1, s6;
	s9 =	smul.u32 $0x4F000, s0;
	s12 =	sadd.s32 $0xAE000, s7  }
0xa: {  	s16 =	sadd.s32 $0xD5800, s7;
	s17 =	smul.u32 $0x2780, s0;
	s31 =	sshll.u32 s0, $0x6  }
0xb: {  	_ =	strace $0x8000004D;
	s30 =	ssub.s32 $0x2, s6;
	p0 =	seq.s32 s6, $0x0  }
0xc: {  	s11 =	smov.u32 s5;
	p1 =	sne.s32 s6, $0x0;
	s15 =	sadd.s32 s14, s7  }
0xd: {  	s10 =	sshrl.u32 s30, $0x1;
	s9 =	sshrl.u32 s9, $0x2;
	s7 =	sadd.s32 s8, s17  }
.Ltmp0:
0xe: {  	s8 =	sor.u32 $0x1C03, s31;
	s16 =	smov.u32 @p0 s12;
	(pc) =	sbr.rel .LBB2_1-.Ltmp0, $4  }
0xf: {  	s11 =	smov.u32 @p0 s4;
	s13 =	sadd.s32 s14, s13;
	s10 =	ssub.s32 s30, s10  }
0x10: {  	s18 =	sadd.s32 s9, s2;
	s9 =	sadd.s32 $0x5800, s15;
	s12 =	sadd.s32 s16, s17  }
0x11: {  	s14 =	sadd.s32 $0x5810, s15;
	s16 =	simm.s32 $0x3;
	s17 =	simm.s32 $0x80  }
0x12: {  	s10 =	smax.u32 s10, $0x1;
	s15 =	sshrl.u32 s18, $0x3;
	s18 =	simm.s32 $0x1800  }
.LBB2_19:
0x13: {  	s24 =	sadd.s32 $0x1, s24  }
0x14: {  	p2 =	sne.s32 s24, s10  }
.Ltmp1:
0x15: {  	[bflag:$0x0] =	sbarrier.arrive $0xFFFF;
	(pc) =	sbr.rel @!p2 .LBB2_20-.Ltmp1, $4  }
0x16: {  	[hbm:s12], [sflag:s8] =	dma.local [spmem:s15], $0x2780  }
0x17: {  	_ =	swait.ge [sflag:s16], $0x2780  }
0x18: {  	[sflag:s16] =	ssyncset.done $0x0  }
0x19: {  	[sflag:s16] =	ssyncadd.s32 $0xFFFFD880  }
.LBB2_1:
0x1a: {  	[spmem:s15], [sflag:s8] =	dma.local [hbm:s7], $0x2780  }
0x1b: {  	_ =	swait.ge [sflag:s16], $0x2780  }
0x1c: {  	[sflag:s16] =	ssyncset.done $0x0  }
0x1d: {  	[sflag:s16] =	ssyncadd.s32 $0xFFFFD880  }
0x1e: {  	[bflag:$0x0] =	sbarrier.arrive $0xFFFF  }
0x1f: {  	[tilespmem:s3], [sflag:$0x3] =	stream.linear.gather [hbm4b:s9+s3], $0x800, $0x38;
	[tilespmem:$0x1D400] =	vst v63  }
.Ltmp2:
0x20: {  	_ = 	snop;
	(pc) =	sbr.rel .LBB2_2-.Ltmp2, $4  }
0x21: {  	_ =	swait.ge [sflag:s16], $0x800  }
0x22: {  	s25 =	smov.u32 s14;
	[sflag:s16] =	ssyncset.done $0x0  }
0x23: {  	s26 =	smov.u32 s13;
	s29 =	simm.s32 $0x0;
	[sflag:s16] =	ssyncadd.s32 $0xFFFFF800  }
0x24: {  	[tilespmem:s18], [sflag:$0x1] =	stream.indirect.gather [hbm4b:s11+s17], $0x80, s3, s17, $0xb8;
	[tilespmem:$0x1D400] =	vst v63  }
.LBB2_17:
0x25: {  	_ =	swait.ge [sflag:s19], $0x4000  }
0x26: {  	s0 =	sshll.u32 s30, $0x7;
	[sflag:s19] =	ssyncset.done $0x0  }
0x27: {  	s29 =	simm.s32 $0x3;
	s0 =	sor.u32 $0x1000, s0;
	[sflag:s19] =	ssyncadd.s32 $0xFFFFC000  }
0x28: {  	[spmem:s2] =	stream.indirect.scatter.add.f32 [tilespmem:s20], [sflag:$0x3], $0x80, s0, s17, $0xb8;
	[tilespmem:$0x1D400] =	vst v63  }
.LBB2_18:
0x29: {  	p2 =	sne.s32 s28, $0xA0  }
.Ltmp3:
0x2a: {  	_ = 	snop;
	(pc) =	sbr.rel @!p2 .LBB2_19-.Ltmp3, $4  }
0x2b: {  	_ = 	snop  }
0x2c: {  	_ =	swait.ge [sflag:s29], $0x4000  }
0x2d: {  	s26 =	sadd.s32 $0x10, s26;
	[sflag:s29] =	ssyncset.done $0x0  }
0x2e: {  	s25 =	sadd.s32 $0x10, s25;
	[sflag:s29] =	ssyncadd.s32 $0xFFFFC000;
	s29 =	smov.u32 s28  }
.LBB2_2:
0x2f: {  	p2 =	seq.s32 s29, $0x9F  }
.Ltmp4:
0x30: {  	_ = 	snop;
	(pc) =	sbr.rel @p2 .LBB2_17-.Ltmp4, $2  }
0x31: {  	_ =	sdelay $0x2  }
0x32: {  	s28 =	sadd.s32 $0x1, s29;
	s30 =	simm.s32 $0xF  }
0x33: {  	s30 =	sand.u32 $0xF, s28  }
0x34: {  	p3 =	seq.s32 s30, $0x0  }
.Ltmp5:
0x35: {  	_ = 	snop;
	(pc) =	sbr.rel @!p3 .LBB2_6-.Ltmp5, $3  }
0x36: {  	_ =	sdelay $0x1  }
0x37: {  	s31 =	sand.u32 $0x10, s28  }
0x38: {  	p2 =	sne.s32 s31, $0x0  }
0x39: {  	p2 =	sne.s32 s31, $0x0  }
.Ltmp6:
0x3a: {  	_ = 	snop;
	(pc) =	sbr.rel @p2 .LBB2_10-.Ltmp6, $1  }
0x3b: {  	_ =	sdelay $0x3  }
0x3c: {  	[tilespmem:s3], [sflag:$0x4] =	stream.linear.gather [hbm4b:s25+s3], $0x800, $0x38;
	[tilespmem:$0x1D400] =	vst v63  }
0x3d: {  	_ =	swait.ge [sflag:s21], $0x800  }
0x3e: {  	[sflag:s21] =	ssyncset.done $0x0  }
0x3f: {  	p2 =	por $0x0, $0x0;
	[sflag:s21] =	ssyncadd.s32 $0xFFFFF800  }
.LBB2_6:
0x40: {  	s31 =	sand.u32 $0x1, s29  }
0x41: {  	p3 =	por !p2, !p2;
	p4 =	seq.s32 s31, $0x0  }
0x42: {  	p4 =	por p4, !p3  }
.Ltmp7:
0x43: {  	_ = 	snop;
	(pc) =	sbr.rel @p4 .LBB2_8-.Ltmp7, $1  }
0x44: {  	_ =	sdelay $0x3  }
0x45: {  	s31 =	sshll.u32 s30, $0x7;
	s0 =	simm.s32 @p0 $0x80;
	s1 =	simm.s32 @p0 $0x1800  }
0x46: {  	[tilespmem:s1], [sflag:$0x1] =	stream.indirect.gather @p0 [hbm4b:s4+s0], $0x80, s31, s0, $0xb8;
	[tilespmem:$0x1D400] =	vst v63  }
0x47: {  	s0 =	simm.s32 @!p0 $0x80;
	s1 =	simm.s32 @!p0 $0x1800  }
0x48: {  	[tilespmem:s1], [sflag:$0x1] =	stream.indirect.gather @!p0 [hbm4b:s5+s0], $0x80, s31, s0, $0xb8;
	[tilespmem:$0x1D400] =	vst v63  }
.LBB2_14:
0x49: {  	s0 =	sand.u32 $0x11, s28  }
0x4a: {  	p2 =	seq.s32 s0, $0x11  }
0x4b: {  	p3 =	sne.s32 @p2 s6, $0x0;
	s0 =	sshll.u32 @p2 s30, $0x7  }
.Ltmp8:
0x4c: {  	p4 =	por !p3, !p2;
	s0 =	sor.u32 @p2 $0x800, s0;
	(pc) =	sbr.rel .LBB2_15-.Ltmp8, $4  }
0x4d: {  	p2 =	por p3, !p2;
	s1 =	simm.s32 @!p4 $0x80;
	s30 =	simm.s32 @!p4 $0x5800  }
0x4e: {  	[tilespmem:s30], [sflag:$0x2] =	stream.indirect.gather @!p4 [hbm4b:s5+s1], $0x80, s0, s1, $0xb8;
	[tilespmem:$0x1D400] =	vst v63  }
0x4f: {  	s1 =	simm.s32 @!p2 $0x80;
	s30 =	simm.s32 @!p2 $0x5800  }
0x50: {  	[tilespmem:s30], [sflag:$0x2] =	stream.indirect.gather @!p2 [hbm4b:s4+s1], $0x80, s0, s1, $0xb8;
	[tilespmem:$0x1D400] =	vst v63  }
.LBB2_8:
0x51: {  	s0 =	sand.u32 $0x1, s28  }
0x52: {  	p4 =	seq.s32 s0, $0x1  }
0x53: {  	p3 =	por !p4, !p3  }
0x54: {  	p3 =	por !p3, !p3  }
.Ltmp9:
0x55: {  	_ = 	snop;
	(pc) =	sbr.rel @!p3 .LBB2_9-.Ltmp9, $1  }
0x56: {  	_ =	sdelay $0x3  }
.Ltmp10:
0x57: {  	(pc) =	sbr.rel .LBB2_14-.Ltmp10, $4  }
0x58: {  	s0 =	sshll.u32 s30, $0x7;
	s1 =	simm.s32 @p1 $0x80;
	s31 =	simm.s32 @p1 $0x5800  }
0x59: {  	[tilespmem:s31], [sflag:$0x2] =	stream.indirect.gather @p1 [hbm4b:s5+s1], $0x80, s0, s1, $0xb8;
	[tilespmem:$0x1D400] =	vst v63  }
0x5a: {  	s1 =	simm.s32 @!p1 $0x80;
	s31 =	simm.s32 @!p1 $0x5800  }
0x5b: {  	[tilespmem:s31], [sflag:$0x2] =	stream.indirect.gather @!p1 [hbm4b:s4+s1], $0x80, s0, s1, $0xb8;
	[tilespmem:$0x1D400] =	vst v63  }
.LBB2_10:
.Ltmp11:
0x5c: {  	(pc) =	sbr.rel .LBB2_11-.Ltmp11, $4  }
0x5d: {  	[tilespmem:s22], [sflag:$0x4] =	stream.linear.gather [hbm4b:s25+s3], $0x800, $0x38;
	[tilespmem:$0x1D400] =	vst v63  }
0x5e: {  	_ =	swait.ge [sflag:s21], $0x800  }
0x5f: {  	s31 =	sand.u32 $0x1, s29;
	[sflag:s21] =	ssyncset.done $0x0  }
0x60: {  	p2 =	por $0x1, $0x1;
	p3 =	seq.s32 s31, $0x1;
	[sflag:s21] =	ssyncadd.s32 $0xFFFFF800  }
.LBB2_9:
0x61: {  	p3 =	seq.s32 s31, $0x1  }
.LBB2_11:
0x62: {  	p2 =	por !p2, !p3  }
.Ltmp12:
0x63: {  	_ = 	snop;
	(pc) =	sbr.rel @p2 .LBB2_14-.Ltmp12, $1  }
0x64: {  	_ =	sdelay $0x3  }
0x65: {  	s0 =	sshll.u32 s30, $0x7  }
0x66: {  	s1 =	simm.s32 @p0 $0x80;
	s30 =	simm.s32 @p0 $0x1800;
	s0 =	sor.u32 $0x800, s0  }
0x67: {  	[tilespmem:s30], [sflag:$0x1] =	stream.indirect.gather @p0 [hbm4b:s4+s1], $0x80, s0, s1, $0xb8;
	[tilespmem:$0x1D400] =	vst v63  }
0x68: {  	s1 =	simm.s32 @!p0 $0x80;
	s30 =	simm.s32 @!p0 $0x1800  }
0x69: {  	[tilespmem:s30], [sflag:$0x1] =	stream.indirect.gather @!p0 [hbm4b:s5+s1], $0x80, s0, s1, $0xb8;
	[tilespmem:$0x1D400] =	vst v63  }
.LBB2_15:
0x6a: {  	s30 =	sand.u32 $0xF, s29  }
0x6b: {  	s31 =	sand.u32 $0x1, s29;
	p2 =	sne.s32 s30, $0x0  }
0x6c: {  	p3 =	seq.s32 s31, $0x1;
	s0 =	simm.s32 @!p2 $0x0;
	s1 =	simm.s32 @!p2 $0x1000  }
0x6d: {  	[tilespmem:s1], [sflag:$0x4] =	stream.linear.gather @!p2 [hbm4b:s26+s0], $0x800, $0x38;
	[tilespmem:$0x1D400] =	vst v63  }
.Ltmp13:
0x6e: {  	_ = 	snop;
	(pc) =	sbr.rel @p3 .LBB2_17-.Ltmp13, $4  }
0x6f: {  	s0 =	simm.s32 @!p2 $0x4  }
0x70: {  	_ =	swait.ge @!p2 [sflag:s0], $0x800  }
0x71: {  	[sflag:s0] =	ssyncset.done @!p2 $0x0  }
0x72: {  	[sflag:s0] =	ssyncadd.s32 @!p2 $0xFFFFF800  }
.Ltmp14:
0x73: {  	(pc) =	sbr.rel .LBB2_18-.Ltmp14, $4  }
0x74: {  	_ =	swait.ge [sflag:s23], $0x4000  }
0x75: {  	s0 =	sshll.u32 s30, $0x7;
	[sflag:s23] =	ssyncset.done $0x0  }
0x76: {  	s29 =	simm.s32 $0x4;
	s0 =	sor.u32 $0x1000, s0;
	[sflag:s23] =	ssyncadd.s32 $0xFFFFC000  }
0x77: {  	[spmem:s2] =	stream.indirect.scatter.add.f32 [tilespmem:s18], [sflag:$0x4], $0x80, s0, s17, $0xb8;
	[tilespmem:$0x1D400] =	vst v63  }
.LBB2_20:
0x78: {  	_ =	sfence.sel $0x180000  }
0x79: {  	[bflag:$0x0] =	sbarrier.arrive $0xFFFF  }
0x7a: {  	_ =	strace $0x9000004D  }
0x7b: {  	s0 =	stileid.u32;
	[bflag:$0x2] =	sbarrier.arrive $0xFFFF  }
0x7c: {  	p0 =	sne.s32 s0, $0x0;
	s0 =	rddreg [dreg:$0x4]  }
0x7d: {  	s0 =	sadd.s32 @!p0 $0x100000, s0  }
0x7e: {  	[sflag:s0] =	ssyncadd.tile.s32 @!p0 $0x1;
	_ =	shalt  }
.Lfunc_end2:
_tile_overlayer_lowered:
.L_overlay_start_2:
0x7f: {  	(tag) =	ssettag $0x2  }
0x80: {  	s0 =	rddreg [dreg:$0x0];
	s2 =	stileid.u32  }
0x81: {  	s1 =	rddreg [dreg:$0x1];
	p0 =	sne.s32 s2, $0x0  }
0x82: {  	s3 =	rddreg [dreg:$0x2];
	[bflag:$0x3] =	sbarrier.arrive $0xFFFF;
	s2 =	simm.s32 @!p0 $0x1C03  }
0x83: {  	[timem:s3], [sflag:s2] =	dma.local @!p0 [hbm:s0], s1  }
0x84: {  	s0 =	simm.s32 @!p0 $0x3  }
0x85: {  	_ =	swait.ge @!p0 [sflag:s0], s1  }
0x86: {  	s1 =	ssub.s32 @!p0 $0x0, s1;
	[sflag:s0] =	ssyncset.done @!p0 $0x0  }
0x87: {  	[sflag:s0] =	ssyncadd.s32 @!p0 s1  }
0x88: {  	[bflag:$0x3] =	sbarrier.arrive $0xFFFF  }
0x89: {  	_ =	shalt  }

// kernel: kernel.19.cloned.1.call-start
scs
__scs_entry_jumppad:
0x0: {  	(pc) =	sbr.rel $0x88, $3  }
0x1: {  	(tag) =	ssettag $0x0;
	lr =	simm.s32 $0x1  }
0x2: {  	[smem:$0x3F97] =	sst lr;
	_ =	strace $0xD0000000  }
0x3: {  	_ = 	snop  }
0x4: {  	_ = 	snop  }
0x5: {  	_ = 	snop  }
0x6: {  	_ = 	snop  }
0x7: {  	_ = 	snop  }
__scs_overlays_trampoline_lowered:
0x8: {  	[smem:$0x3FA6] =	sst s0  }
0x9: {  	[smem:$0x3FA7] =	sst s1  }
0xa: {  	[smem:$0x3FA8] =	sst s2  }
0xb: {  	[smem:$0x3FA9] =	sst s3  }
0xc: {  	[smem:$0x3FAA] =	sst s4  }
0xd: {  	[smem:$0x3FAB] =	sst s5  }
0xe: {  	[smem:$0x3FAC] =	sst s6  }
0xf: {  	[smem:$0x3FAD] =	sst s7  }
0x10: {  	[smem:$0x3FAE] =	sst s8  }
0x11: {  	[smem:$0x3FAF] =	sst s9;
	s0 =	simm.s32 @!p0 $0x0  }
0x12: {  	s1 =	sld [smem:$0x3F95];
	s0 =	simm.s32 @p0 $0x1  }
0x13: {  	[smem:$0x3FB0] =	sst s0;
	s0 =	simm.s32 @!p1 $0x0  }
0x14: {  	s2 =	sld [smem:$0x3F94];
	s0 =	simm.s32 @p1 $0x1  }
0x15: {  	[smem:$0x3FB1] =	sst s0;
	s0 =	simm.s32 @!p2 $0x0  }
0x16: {  	s3 =	sld [smem:$0x3FDB];
	s0 =	simm.s32 @p2 $0x1  }
0x17: {  	s4 =	simm.s32 $0x1BF5;
	[smem:$0x3FB3] =	sst s0  }
0x18: {  	s0 =	sld [smem:$0x3F96];
	_ =	swait.ge [sflag:s4], $0x0  }
0x19: {  	s7 =	sld [smem:$0x3F97]  }
0x1a: {  	s8 =	sadd.s32 $0xFFFFE003, lr  }
0x1b: {  	s9 =	sadd.s32 $0xFFFFFEF7, lr;
	s5 =	simm.s32 $0xFFFFFFFF;
	p2 =	slt.u32 s8, $0xFFFFF086  }
0x1c: {  	p1 =	slt.u32 s9, $0xF7A;
	s5 =	simm.s32 @!p2 $0x0  }
0x1d: {  	s5 =	simm.s32 @p1 $0x1;
	p0 =	seq.s32 s7, s2  }
0x1e: {  	s7 =	smul.u32 @!p0 $0xF7A, s2;
	p2 =	seq.s32 @!p0 s5, $0x0  }
0x1f: {  	s9 =	smul.u32 $0xF7A, s1;
	s8 =	simm.s32 @!p0 $0x1BF5;
	p2 =	por !p2, p0  }
0x20: {  	[sflag:s8] =	ssyncset.s32 @!p0 $0xFFFFF086;
	s6 =	sadd.s32 @!p0 s3, s7;
	s7 =	simm.s32 @!p0 $0x108  }
0x21: {  	s3 =	sadd.s32 s3, s9;
	s6 =	sadd.s32 @!p0 $0x88, s6;
	s7 =	simm.s32 @p2 $0x1082  }
0x22: {  	[simem:s7], [sflag:s8] =	dma.local @!p0 [hbm:s6], $0xF7A  }
0x23: {  	s9 =	sor.u32 $0xD0000000, s2;
	s6 =	simm.s32 $0x108;
	_ =	swait.ge @!p0 [sflag:s8], $0x0  }
0x24: {  	s3 =	sadd.s32 $0x88, s3;
	s6 =	simm.s32 @!p1 $0x1082;
	[sflag:s4] =	ssyncset.s32 $0xFFFFF086  }
0x25: {  	[simem:s6], [sflag:s4] =	dma.local [hbm:s3], $0xF7A  }
0x26: {  	[smem:$0x3F97] =	sst s1;
	(tag) =	ssettag s2;
	_ =	strace s9  }
0x27: {  	s1 =	sld [smem:$0x3FA7]  }
0x28: {  	s2 =	sld [smem:$0x3FA8]  }
0x29: {  	s4 =	sld [smem:$0x3FAA]  }
0x2a: {  	p0 =	seq.s32 s5, $0x0;
	s5 =	sld [smem:$0x3FAB]  }
0x2b: {  	s6 =	sld [smem:$0x3FAC]  }
0x2c: {  	s7 =	sld [smem:$0x3FAD]  }
0x2d: {  	s3 =	simm.s32 $0x108;
	s8 =	sld [smem:$0x3FAE]  }
0x2e: {  	s3 =	simm.s32 @!p0 $0x1082;
	s9 =	sld [smem:$0x3FAF]  }
0x2f: {  	lr =	sadd.s32 s0, s3;
	s0 =	sld [smem:$0x3FA6]  }
0x30: {  	s3 =	sld [smem:$0x3FA9]  }
0x31: {  	[smem:$0x3FB2] =	sst s10  }
0x32: {  	s10 =	sld [smem:$0x3FB0];
	_ =	sdelay $0x3  }
0x33: {  	p0 =	seq.s32 s10, $0x1;
	s10 =	sld [smem:$0x3FB2];
	_ =	sdelay $0x3  }
0x34: {  	[smem:$0x3FB2] =	sst s10  }
0x35: {  	s10 =	sld [smem:$0x3FB1];
	_ =	sdelay $0x3  }
0x36: {  	p1 =	seq.s32 s10, $0x1;
	s10 =	sld [smem:$0x3FB2];
	_ =	sdelay $0x3  }
0x37: {  	[smem:$0x3FB2] =	sst s10  }
0x38: {  	s10 =	sld [smem:$0x3FB3]  }
0x39: {  	_ = 	snop;
	(pc) =	sbr.ind lr, $3  }
0x3a: {  	_ = 	snop  }
0x3b: {  	_ = 	snop  }
0x3c: {  	p2 =	seq.s32 s10, $0x1;
	s10 =	sld [smem:$0x3FB2]  }
0x3d: {  	_ =	shalt  }
0x3e: {  	_ =	shalt  }
0x3f: {  	_ =	shalt  }
0x40: {  	_ =	shalt  }
0x41: {  	_ =	shalt  }
0x42: {  	_ =	shalt  }
0x43: {  	_ =	shalt  }
0x44: {  	_ =	shalt  }
0x45: {  	_ =	shalt  }
0x46: {  	_ =	shalt  }
0x47: {  	_ =	shalt  }
0x48: {  	_ =	shalt  }
0x49: {  	_ =	shalt  }
0x4a: {  	_ =	shalt  }
0x4b: {  	_ =	shalt  }
0x4c: {  	_ =	shalt  }
0x4d: {  	_ =	shalt  }
0x4e: {  	_ =	shalt  }
0x4f: {  	_ =	shalt  }
0x50: {  	_ =	shalt  }
0x51: {  	_ =	shalt  }
0x52: {  	_ =	shalt  }
0x53: {  	_ =	shalt  }
0x54: {  	_ =	shalt  }
0x55: {  	_ =	shalt  }
0x56: {  	_ =	shalt  }
0x57: {  	_ =	shalt  }
0x58: {  	_ =	shalt  }
0x59: {  	_ =	shalt  }
0x5a: {  	_ =	shalt  }
0x5b: {  	_ =	shalt  }
0x5c: {  	_ =	shalt  }
0x5d: {  	_ =	shalt  }
0x5e: {  	_ =	shalt  }
0x5f: {  	_ =	shalt  }
0x60: {  	_ =	shalt  }
0x61: {  	_ =	shalt  }
0x62: {  	_ =	shalt  }
0x63: {  	_ =	shalt  }
0x64: {  	_ =	shalt  }
0x65: {  	_ =	shalt  }
0x66: {  	_ =	shalt  }
0x67: {  	_ =	shalt  }
0x68: {  	_ =	shalt  }
0x69: {  	_ =	shalt  }
0x6a: {  	_ =	shalt  }
0x6b: {  	_ =	shalt  }
0x6c: {  	_ =	shalt  }
0x6d: {  	_ =	shalt  }
0x6e: {  	_ =	shalt  }
0x6f: {  	_ =	shalt  }
0x70: {  	_ =	shalt  }
0x71: {  	_ =	shalt  }
0x72: {  	_ =	shalt  }
0x73: {  	_ =	shalt  }
0x74: {  	_ =	shalt  }
0x75: {  	_ =	shalt  }
0x76: {  	_ =	shalt  }
0x77: {  	_ =	shalt  }
0x78: {  	_ =	shalt  }
0x79: {  	_ =	shalt  }
0x7a: {  	_ =	shalt  }
0x7b: {  	_ =	shalt  }
0x7c: {  	_ =	shalt  }
0x7d: {  	_ =	shalt  }
0x7e: {  	_ =	shalt  }
0x7f: {  	_ =	shalt  }
0x80: {  	_ =	shalt  }
0x81: {  	_ =	shalt  }
0x82: {  	_ =	shalt  }
0x83: {  	_ =	shalt  }
0x84: {  	_ =	shalt  }
0x85: {  	_ =	shalt  }
0x86: {  	_ =	shalt  }
0x87: {  	_ =	shalt  }
.Lfunc_end0:
.L_simem_size_0:
called_computation.3_lowered:
.L_overlay_start_0:
0x88: {  	s2 =	sld [smem:$0x3FD9]  }
0x89: {  	s3 =	sld [smem:$0x3FFE];
	_ =	sdelay $0x1  }
0x8a: {  	s1 =	srdreg.scid  }
0x8b: {  	s0 =	sand.u32 $0x1, s1  }
0x8c: {  	s14 =	sshll.u32 s0, $0xA;
	s2 =	sadd.s32 s3, s2  }
0x8d: {  	s2 =	sadd.s32 s2, s14  }
0x8e: {  	[smem:$0x3FBE] =	sst s2  }
0x8f: {  	_ = 	snop  }
0x90: {  	s2 =	sld [smem:$0x3FD0];
	_ =	sdelay $0x2  }
0x91: {  	s15 =	simm.s32 $0xA;
	s4 =	simm.s32 $0x10  }
0x92: {  	[smem:s4], [sflag:s15] =	dma.local [hbm:s2], $0x1  }
0x93: {  	_ =	swait.eq [sflag:s15], $0x1  }
0x94: {  	[sflag:s15] =	ssyncset.done $0x0  }
0x95: {  	s16 =	sld [smem:$0x10];
	[sflag:s15] =	ssyncadd.s32 $0xFFFFFFFF  }
0x96: {  	s17 =	sld [smem:$0x11];
	(tm) =	ssettm $0x1  }
0x97: {  	s18 =	sld [smem:$0x3FFB];
	_ =	sdelay $0x3  }
0x98: {  	_ =	strace s18  }
0x99: {  	s4 =	sld [smem:$0x3FFC];
	_ =	sdelay $0x3  }
0x9a: {  	_ =	strace s4  }
0x9b: {  	s4 =	sld [smem:$0x3FFD];
	_ =	sdelay $0x3  }
0x9c: {  	_ =	strace s4  }
0x9d: {  	_ =	strace $0x8FFFFFFF  }
0x9e: {  	s19 =	sld [smem:$0x3FDB];
	_ =	sdelay $0x1  }
0x9f: {  	s5 =	simm.s32 $_scs_section_size  }
0xa0: {  	s6 =	simm.s32 $_size__tile_overlayer_lowered;
	s7 =	simm.s32 $_tile_overlayer_lowered  }
0xa1: {  	s22 =	simm.s32 $0x1BFF;
	s21 =	sshll.u32 s7, $0x1;
	s4 =	sadd.s32 s5, s19  }
0xa2: {  	s8 =	simm.s32 $0x0;
	s20 =	sshll.u32 s6, $0x1;
	s6 =	sadd.s32 s21, s4  }
0xa3: {  	[timem:s8], [sflag:s22] =	dma.local [hbm:s6], s20  }
0xa4: {  	_ =	swait.ge [sflag:s22], s20  }
0xa5: {  	s5 =	ssub.s32 $0x0, s20;
	[sflag:s22] =	ssyncset.done $0x0  }
0xa6: {  	[sflag:s22] =	ssyncadd.s32 s5;
	_ =	sdelay $0x1  }
0xa7: {  	s23 =	simm.s32 $0x1B8B  }
0xa8: {  	_ =	swait.ge [sflag:s23], $0x1  }
0xa9: {  	[sflag:s23] =	ssyncset.done $0x0  }
0xaa: {  	s25 =	simm.s32 $0x1B8E;
	s24 =	sld [smem:$0x3FFE];
	[sflag:s23] =	ssyncadd.s32 $0xFFFFFFFF  }
0xab: {  	s26 =	simm.s32 $execute0_lowered;
	[smem:$0x3FD2] =	sst s25  }
0xac: {  	s6 =	sshll.u32 s26, $0x1;
	_ =	strace $0x8000004F;
	[dreg:$0x1] =	wrdreg $0xFFFFFFFF  }
0xad: {  	s28 =	simm.s32 $_size_execute0_lowered;
	s4 =	sadd.s32 s4, s6;
	[dreg:$0x0] =	wrdreg $0x0  }
0xae: {  	s6 =	sshll.u32 s28, $0x1;
	[dreg:$0x2] =	wrdreg s4  }
0xaf: {  	[dreg:$0x3] =	wrdreg s6  }
0xb0: {  	[dreg:$0x4] =	wrdreg $0xC0  }
0xb1: {  	_ =	task [dreg:s8], $0x5FFFF  }
0xb2: {  	[dreg:$0x1] =	wrdreg $0xFFFFFFFF  }
0xb3: {  	[dreg:$0x0] =	wrdreg $0x60  }
0xb4: {  	[dreg:$0x2] =	wrdreg s24  }
0xb5: {  	[dreg:$0x3] =	wrdreg s17  }
0xb6: {  	[dreg:$0x4] =	wrdreg s16  }
0xb7: {  	[dreg:$0x5] =	wrdreg $0x98000  }
0xb8: {  	[dreg:$0x6] =	wrdreg $0x9  }
0xb9: {  	_ =	task.clear_ibuf [dreg:s8], $0x7FFFF;
	_ =	strace $0x9000004F  }
0xba: {  	s29 =	simm.s32 $0x9;
	_ =	strace $0x80000051  }
0xbb: {  	_ =	swait.ge [sflag:s29], $0x1  }
0xbc: {  	[sflag:s29] =	ssyncadd.s32 $0xFFFFFFFF  }
0xbd: {  	_ =	strace $0x90000051  }
0xbe: {  	_ =	sfence  }
0xbf: {  	s30 =	sld [smem:$0x0];
	_ =	sdelay $0x2  }
0xc0: {  	s31 =	sshll.u32 s1, $0xD;
	s1 =	sshrl.u32 s1, $0x2  }
0xc1: {  	s3 =	sand.u32 $0x4000, s31;
	s1 =	sadd.s32 s1, s30  }
0xc2: {  	s0 =	sor.u32 s3, s0;
	s1 =	sshll.u32 s1, $0x11  }
0xc3: {  	s0 =	sor.u32 s1, s0  }
0xc4: {  	s0 =	sadd.s32 $0x8F2B, s0  }
0xc5: {  	[sflag:s0] =	ssyncadd.remote.s32 $0x1  }
0xc6: {  	_ =	sfence.sel $0xFFFF  }
0xc7: {  	[dreg:$0x0] =	wrdreg $0xFFFFFFFF;
	(pc) =	sbr.abs _section_cstart, $3  }
0xc8: {  	[dreg:$0x1] =	wrdreg $0xFFFFFFFF  }
0xc9: {  	_ =	task.clear_ibuf [dreg:s8], $0x2FFFF;
	_ =	strace $0x9FFFFFFF  }
0xca: {  	(tm) =	ssettm $0x7FFFFFFF  }
0xcb: {  	_ =	shalt  }
tec
execute0_lowered:
.L_overlay_start_1:
0x0: {  	(tag) =	ssettag $0x1  }
0x1: {  	s7 =	rddreg [dreg:$0x0]  }
0x2: {  	s13 =	rddreg [dreg:$0x1]  }
0x3: {  	s8 =	rddreg [dreg:$0x2]  }
0x4: {  	s2 =	rddreg [dreg:$0x3];
	s3 =	simm.s32 $0x0  }
0x5: {  	s0 =	stileid.u32;
	s6 =	srdreg.scid;
	s19 =	simm.s32 $0x2  }
0x6: {  	s20 =	simm.s32 $0x5800;
	s21 =	simm.s32 $0x4;
	s22 =	simm.s32 $0x800  }
0x7: {  	s23 =	simm.s32 $0x1;
	s24 =	simm.s32 $0x0;
	[smem:$0x7FF] =	sst s3  }
0x8: {  	s14 =	smul.u32 $0xA00, s0;
	s4 =	sadd.s32 $0xF800, s7;
	s5 =	sadd.s32 $0x5F000, s7  }
0x9: {  	s6 =	sand.u32 $0x1, s6;
	s9 =	smul.u32 $0x4F000, s0;
	s12 =	sadd.s32 $0x86800, s7  }
0xa: {  	s16 =	sadd.s32 $0xAE000, s7;
	s17 =	smul.u32 $0x2780, s0;
	s31 =	sshll.u32 s0, $0x6  }
0xb: {  	_ =	strace $0x80000050;
	s30 =	ssub.s32 $0x2, s6;
	p0 =	seq.s32 s6, $0x0  }
0xc: {  	s11 =	smov.u32 s5;
	p1 =	sne.s32 s6, $0x0;
	s15 =	sadd.s32 s14, s7  }
0xd: {  	s10 =	sshrl.u32 s30, $0x1;
	s9 =	sshrl.u32 s9, $0x2;
	s7 =	sadd.s32 s8, s17  }
.Ltmp0:
0xe: {  	s8 =	sor.u32 $0x1C03, s31;
	s16 =	smov.u32 @p0 s12;
	(pc) =	sbr.rel .LBB2_1-.Ltmp0, $4  }
0xf: {  	s11 =	smov.u32 @p0 s4;
	s13 =	sadd.s32 s14, s13;
	s10 =	ssub.s32 s30, s10  }
0x10: {  	s18 =	sadd.s32 s9, s2;
	s9 =	sadd.s32 $0x5800, s15;
	s12 =	sadd.s32 s16, s17  }
0x11: {  	s14 =	sadd.s32 $0x5810, s15;
	s16 =	simm.s32 $0x3;
	s17 =	simm.s32 $0x80  }
0x12: {  	s10 =	smax.u32 s10, $0x1;
	s15 =	sshrl.u32 s18, $0x3;
	s18 =	simm.s32 $0x1800  }
.LBB2_19:
0x13: {  	s24 =	sadd.s32 $0x1, s24  }
0x14: {  	p2 =	sne.s32 s24, s10  }
.Ltmp1:
0x15: {  	[bflag:$0x0] =	sbarrier.arrive $0xFFFF;
	(pc) =	sbr.rel @!p2 .LBB2_20-.Ltmp1, $4  }
0x16: {  	[hbm:s12], [sflag:s8] =	dma.local [spmem:s15], $0x2780  }
0x17: {  	_ =	swait.ge [sflag:s16], $0x2780  }
0x18: {  	[sflag:s16] =	ssyncset.done $0x0  }
0x19: {  	[sflag:s16] =	ssyncadd.s32 $0xFFFFD880  }
.LBB2_1:
0x1a: {  	[spmem:s15], [sflag:s8] =	dma.local [hbm:s7], $0x2780  }
0x1b: {  	_ =	swait.ge [sflag:s16], $0x2780  }
0x1c: {  	[sflag:s16] =	ssyncset.done $0x0  }
0x1d: {  	[sflag:s16] =	ssyncadd.s32 $0xFFFFD880  }
0x1e: {  	[bflag:$0x0] =	sbarrier.arrive $0xFFFF  }
0x1f: {  	[tilespmem:s3], [sflag:$0x3] =	stream.linear.gather [hbm4b:s9+s3], $0x800, $0x38;
	[tilespmem:$0x1D400] =	vst v63  }
.Ltmp2:
0x20: {  	_ = 	snop;
	(pc) =	sbr.rel .LBB2_2-.Ltmp2, $4  }
0x21: {  	_ =	swait.ge [sflag:s16], $0x800  }
0x22: {  	s25 =	smov.u32 s14;
	[sflag:s16] =	ssyncset.done $0x0  }
0x23: {  	s26 =	smov.u32 s13;
	s29 =	simm.s32 $0x0;
	[sflag:s16] =	ssyncadd.s32 $0xFFFFF800  }
0x24: {  	[tilespmem:s18], [sflag:$0x1] =	stream.indirect.gather [hbm4b:s11+s17], $0x80, s3, s17, $0xb8;
	[tilespmem:$0x1D400] =	vst v63  }
.LBB2_17:
0x25: {  	_ =	swait.ge [sflag:s19], $0x4000  }
0x26: {  	s0 =	sshll.u32 s30, $0x7;
	[sflag:s19] =	ssyncset.done $0x0  }
0x27: {  	s29 =	simm.s32 $0x3;
	s0 =	sor.u32 $0x1000, s0;
	[sflag:s19] =	ssyncadd.s32 $0xFFFFC000  }
0x28: {  	[spmem:s2] =	stream.indirect.scatter.add.f32 [tilespmem:s20], [sflag:$0x3], $0x80, s0, s17, $0xb8;
	[tilespmem:$0x1D400] =	vst v63  }
.LBB2_18:
0x29: {  	p2 =	sne.s32 s28, $0xA0  }
.Ltmp3:
0x2a: {  	_ = 	snop;
	(pc) =	sbr.rel @!p2 .LBB2_19-.Ltmp3, $4  }
0x2b: {  	_ = 	snop  }
0x2c: {  	_ =	swait.ge [sflag:s29], $0x4000  }
0x2d: {  	s26 =	sadd.s32 $0x10, s26;
	[sflag:s29] =	ssyncset.done $0x0  }
0x2e: {  	s25 =	sadd.s32 $0x10, s25;
	[sflag:s29] =	ssyncadd.s32 $0xFFFFC000;
	s29 =	smov.u32 s28  }
.LBB2_2:
0x2f: {  	p2 =	seq.s32 s29, $0x9F  }
.Ltmp4:
0x30: {  	_ = 	snop;
	(pc) =	sbr.rel @p2 .LBB2_17-.Ltmp4, $2  }
0x31: {  	_ =	sdelay $0x2  }
0x32: {  	s28 =	sadd.s32 $0x1, s29;
	s30 =	simm.s32 $0xF  }
0x33: {  	s30 =	sand.u32 $0xF, s28  }
0x34: {  	p3 =	seq.s32 s30, $0x0  }
.Ltmp5:
0x35: {  	_ = 	snop;
	(pc) =	sbr.rel @!p3 .LBB2_6-.Ltmp5, $3  }
0x36: {  	_ =	sdelay $0x1  }
0x37: {  	s31 =	sand.u32 $0x10, s28  }
0x38: {  	p2 =	sne.s32 s31, $0x0  }
0x39: {  	p2 =	sne.s32 s31, $0x0  }
.Ltmp6:
0x3a: {  	_ = 	snop;
	(pc) =	sbr.rel @p2 .LBB2_10-.Ltmp6, $1  }
0x3b: {  	_ =	sdelay $0x3  }
0x3c: {  	[tilespmem:s3], [sflag:$0x4] =	stream.linear.gather [hbm4b:s25+s3], $0x800, $0x38;
	[tilespmem:$0x1D400] =	vst v63  }
0x3d: {  	_ =	swait.ge [sflag:s21], $0x800  }
0x3e: {  	[sflag:s21] =	ssyncset.done $0x0  }
0x3f: {  	p2 =	por $0x0, $0x0;
	[sflag:s21] =	ssyncadd.s32 $0xFFFFF800  }
.LBB2_6:
0x40: {  	s31 =	sand.u32 $0x1, s29  }
0x41: {  	p3 =	por !p2, !p2;
	p4 =	seq.s32 s31, $0x0  }
0x42: {  	p4 =	por p4, !p3  }
.Ltmp7:
0x43: {  	_ = 	snop;
	(pc) =	sbr.rel @p4 .LBB2_8-.Ltmp7, $1  }
0x44: {  	_ =	sdelay $0x3  }
0x45: {  	s31 =	sshll.u32 s30, $0x7;
	s0 =	simm.s32 @p0 $0x80;
	s1 =	simm.s32 @p0 $0x1800  }
0x46: {  	[tilespmem:s1], [sflag:$0x1] =	stream.indirect.gather @p0 [hbm4b:s4+s0], $0x80, s31, s0, $0xb8;
	[tilespmem:$0x1D400] =	vst v63  }
0x47: {  	s0 =	simm.s32 @!p0 $0x80;
	s1 =	simm.s32 @!p0 $0x1800  }
0x48: {  	[tilespmem:s1], [sflag:$0x1] =	stream.indirect.gather @!p0 [hbm4b:s5+s0], $0x80, s31, s0, $0xb8;
	[tilespmem:$0x1D400] =	vst v63  }
.LBB2_14:
0x49: {  	s0 =	sand.u32 $0x11, s28  }
0x4a: {  	p2 =	seq.s32 s0, $0x11  }
0x4b: {  	p3 =	sne.s32 @p2 s6, $0x0;
	s0 =	sshll.u32 @p2 s30, $0x7  }
.Ltmp8:
0x4c: {  	p4 =	por !p3, !p2;
	s0 =	sor.u32 @p2 $0x800, s0;
	(pc) =	sbr.rel .LBB2_15-.Ltmp8, $4  }
0x4d: {  	p2 =	por p3, !p2;
	s1 =	simm.s32 @!p4 $0x80;
	s30 =	simm.s32 @!p4 $0x5800  }
0x4e: {  	[tilespmem:s30], [sflag:$0x2] =	stream.indirect.gather @!p4 [hbm4b:s5+s1], $0x80, s0, s1, $0xb8;
	[tilespmem:$0x1D400] =	vst v63  }
0x4f: {  	s1 =	simm.s32 @!p2 $0x80;
	s30 =	simm.s32 @!p2 $0x5800  }
0x50: {  	[tilespmem:s30], [sflag:$0x2] =	stream.indirect.gather @!p2 [hbm4b:s4+s1], $0x80, s0, s1, $0xb8;
	[tilespmem:$0x1D400] =	vst v63  }
.LBB2_8:
0x51: {  	s0 =	sand.u32 $0x1, s28  }
0x52: {  	p4 =	seq.s32 s0, $0x1  }
0x53: {  	p3 =	por !p4, !p3  }
0x54: {  	p3 =	por !p3, !p3  }
.Ltmp9:
0x55: {  	_ = 	snop;
	(pc) =	sbr.rel @!p3 .LBB2_9-.Ltmp9, $1  }
0x56: {  	_ =	sdelay $0x3  }
.Ltmp10:
0x57: {  	(pc) =	sbr.rel .LBB2_14-.Ltmp10, $4  }
0x58: {  	s0 =	sshll.u32 s30, $0x7;
	s1 =	simm.s32 @p1 $0x80;
	s31 =	simm.s32 @p1 $0x5800  }
0x59: {  	[tilespmem:s31], [sflag:$0x2] =	stream.indirect.gather @p1 [hbm4b:s5+s1], $0x80, s0, s1, $0xb8;
	[tilespmem:$0x1D400] =	vst v63  }
0x5a: {  	s1 =	simm.s32 @!p1 $0x80;
	s31 =	simm.s32 @!p1 $0x5800  }
0x5b: {  	[tilespmem:s31], [sflag:$0x2] =	stream.indirect.gather @!p1 [hbm4b:s4+s1], $0x80, s0, s1, $0xb8;
	[tilespmem:$0x1D400] =	vst v63  }
.LBB2_10:
.Ltmp11:
0x5c: {  	(pc) =	sbr.rel .LBB2_11-.Ltmp11, $4  }
0x5d: {  	[tilespmem:s22], [sflag:$0x4] =	stream.linear.gather [hbm4b:s25+s3], $0x800, $0x38;
	[tilespmem:$0x1D400] =	vst v63  }
0x5e: {  	_ =	swait.ge [sflag:s21], $0x800  }
0x5f: {  	s31 =	sand.u32 $0x1, s29;
	[sflag:s21] =	ssyncset.done $0x0  }
0x60: {  	p2 =	por $0x1, $0x1;
	p3 =	seq.s32 s31, $0x1;
	[sflag:s21] =	ssyncadd.s32 $0xFFFFF800  }
.LBB2_9:
0x61: {  	p3 =	seq.s32 s31, $0x1  }
.LBB2_11:
0x62: {  	p2 =	por !p2, !p3  }
.Ltmp12:
0x63: {  	_ = 	snop;
	(pc) =	sbr.rel @p2 .LBB2_14-.Ltmp12, $1  }
0x64: {  	_ =	sdelay $0x3  }
0x65: {  	s0 =	sshll.u32 s30, $0x7  }
0x66: {  	s1 =	simm.s32 @p0 $0x80;
	s30 =	simm.s32 @p0 $0x1800;
	s0 =	sor.u32 $0x800, s0  }
0x67: {  	[tilespmem:s30], [sflag:$0x1] =	stream.indirect.gather @p0 [hbm4b:s4+s1], $0x80, s0, s1, $0xb8;
	[tilespmem:$0x1D400] =	vst v63  }
0x68: {  	s1 =	simm.s32 @!p0 $0x80;
	s30 =	simm.s32 @!p0 $0x1800  }
0x69: {  	[tilespmem:s30], [sflag:$0x1] =	stream.indirect.gather @!p0 [hbm4b:s5+s1], $0x80, s0, s1, $0xb8;
	[tilespmem:$0x1D400] =	vst v63  }
.LBB2_15:
0x6a: {  	s30 =	sand.u32 $0xF, s29  }
0x6b: {  	s31 =	sand.u32 $0x1, s29;
	p2 =	sne.s32 s30, $0x0  }
0x6c: {  	p3 =	seq.s32 s31, $0x1;
	s0 =	simm.s32 @!p2 $0x0;
	s1 =	simm.s32 @!p2 $0x1000  }
0x6d: {  	[tilespmem:s1], [sflag:$0x4] =	stream.linear.gather @!p2 [hbm4b:s26+s0], $0x800, $0x38;
	[tilespmem:$0x1D400] =	vst v63  }
.Ltmp13:
0x6e: {  	_ = 	snop;
	(pc) =	sbr.rel @p3 .LBB2_17-.Ltmp13, $4  }
0x6f: {  	s0 =	simm.s32 @!p2 $0x4  }
0x70: {  	_ =	swait.ge @!p2 [sflag:s0], $0x800  }
0x71: {  	[sflag:s0] =	ssyncset.done @!p2 $0x0  }
0x72: {  	[sflag:s0] =	ssyncadd.s32 @!p2 $0xFFFFF800  }
.Ltmp14:
0x73: {  	(pc) =	sbr.rel .LBB2_18-.Ltmp14, $4  }
0x74: {  	_ =	swait.ge [sflag:s23], $0x4000  }
0x75: {  	s0 =	sshll.u32 s30, $0x7;
	[sflag:s23] =	ssyncset.done $0x0  }
0x76: {  	s29 =	simm.s32 $0x4;
	s0 =	sor.u32 $0x1000, s0;
	[sflag:s23] =	ssyncadd.s32 $0xFFFFC000  }
0x77: {  	[spmem:s2] =	stream.indirect.scatter.add.f32 [tilespmem:s18], [sflag:$0x4], $0x80, s0, s17, $0xb8;
	[tilespmem:$0x1D400] =	vst v63  }
.LBB2_20:
0x78: {  	_ =	sfence.sel $0x180000  }
0x79: {  	[bflag:$0x0] =	sbarrier.arrive $0xFFFF  }
0x7a: {  	_ =	strace $0x90000050  }
0x7b: {  	s0 =	stileid.u32;
	[bflag:$0x2] =	sbarrier.arrive $0xFFFF  }
0x7c: {  	p0 =	sne.s32 s0, $0x0;
	s0 =	rddreg [dreg:$0x4]  }
0x7d: {  	s0 =	sadd.s32 @!p0 $0x100000, s0  }
0x7e: {  	[sflag:s0] =	ssyncadd.tile.s32 @!p0 $0x1;
	_ =	shalt  }
.Lfunc_end2:
_tile_overlayer_lowered:
.L_overlay_start_2:
0x7f: {  	(tag) =	ssettag $0x2  }
0x80: {  	s0 =	rddreg [dreg:$0x0];
	s2 =	stileid.u32  }
0x81: {  	s1 =	rddreg [dreg:$0x1];
	p0 =	sne.s32 s2, $0x0  }
0x82: {  	s3 =	rddreg [dreg:$0x2];
	[bflag:$0x3] =	sbarrier.arrive $0xFFFF;
	s2 =	simm.s32 @!p0 $0x1C03  }
0x83: {  	[timem:s3], [sflag:s2] =	dma.local @!p0 [hbm:s0], s1  }
0x84: {  	s0 =	simm.s32 @!p0 $0x3  }
0x85: {  	_ =	swait.ge @!p0 [sflag:s0], s1  }
0x86: {  	s1 =	ssub.s32 @!p0 $0x0, s1;
	[sflag:s0] =	ssyncset.done @!p0 $0x0  }
0x87: {  	[sflag:s0] =	ssyncadd.s32 @!p0 s1  }
0x88: {  	[bflag:$0x3] =	sbarrier.arrive $0xFFFF  }
0x89: {  	_ =	shalt  }

</sc_bundles>
